<compile_context>
chip_gen: v7x
topology: tpu7x:2x2x1
jax: 0.10.2.dev20260603
libtpu: 0.0.44.dev20260713+nightly
codegen_flags: <defaults>
</compile_context>

<pallas_src>
import functools

import jax
import jax.numpy as jnp
from jax import lax
from jax.experimental import pallas as pl
from jax.experimental.pallas import tpu as pltpu
from jax.experimental.pallas import tpu_sc as plsc

VOCAB = 100000
D = 128
L = 16384

NC = 2
NS = 16
NW = NC * NS
IDS_PER_W = L // NW
CHUNK = 128
NCHUNK = IDS_PER_W // CHUNK
NLANE = 16
NVREG = D // NLANE

BLK = 16384
NBLK_FRONT = 4
SC_NBLK = 2
TAIL_BLK = NBLK_FRONT + SC_NBLK
V_FRONT = NBLK_FRONT * BLK
V_SC = SC_NBLK * BLK
V_TAIL = VOCAB - V_FRONT - V_SC

ROWS_PER_SUB = V_SC // NW
WTILE = 128
NTILES = ROWS_PER_SUB // WTILE
JUNROLL = 16

_sc_mesh = plsc.VectorSubcoreMesh(core_axis_name="c", subcore_axis_name="s")

UNROLL = 4


@functools.partial(
    pl.kernel,
    mesh=_sc_mesh,
    out_type=jax.ShapeDtypeStruct((NW, D), jnp.float32),
    scratch_types=[
        pltpu.VMEM((NCHUNK, CHUNK), jnp.int32),
        pltpu.VMEM((NCHUNK, CHUNK, D), jnp.float32),
        pltpu.VMEM((D,), jnp.float32),
        pltpu.SemaphoreType.DMA,
        pltpu.SemaphoreType.DMA,
        pltpu.SemaphoreType.DMA,
        pltpu.SemaphoreType.DMA,
    ],
)
def _gather_sum(ids_hbm, emb_hbm, out_hbm, idx_v, rows_v, out_v,
                sem0, sem1, sem2, sem3):
    sems = (sem0, sem1, sem2, sem3)
    wid = lax.axis_index("s") * NC + lax.axis_index("c")
    pltpu.sync_copy(ids_hbm.at[wid], idx_v)
    copies = [
        pltpu.async_copy(emb_hbm.at[idx_v.at[k]], rows_v.at[k], sems[k])
        for k in range(NCHUNK)
    ]
    acc = tuple(jnp.zeros((NLANE,), jnp.float32) for _ in range(NVREG))
    for k in range(NCHUNK):
        copies[k].wait()
        buf = rows_v.at[k]

        def body(i, carry):
            for u in range(UNROLL):
                carry = tuple(
                    carry[j] + buf[i * UNROLL + u, pl.ds(j * NLANE, NLANE)]
                    for j in range(NVREG)
                )
            return carry

        acc = lax.fori_loop(0, CHUNK // UNROLL, body, acc)
    for j in range(NVREG):
        out_v[pl.ds(j * NLANE, NLANE)] = acc[j]
    pltpu.sync_copy(out_v, out_hbm.at[wid])


CH = 8192
NCH = VOCAB // CH
V_MAIN = NCH * CH
V_TAIL = VOCAB - V_MAIN
NBUF = 4


def _matvec_body(p_ref, w_ref, bm_ref, bt_ref, om_ref, ot_ref,
                 *scratch):
    bufs = scratch[:NBUF]
    sems = scratch[NBUF:NBUF + NBUF]
    tbuf = scratch[NBUF + NBUF]
    tsem = scratch[NBUF + NBUF + 1]

    tail_copy = pltpu.make_async_copy(
        w_ref.at[pl.ds(V_MAIN, V_TAIL)], tbuf, tsem)
    tail_copy.start()
    copies = []
    for k in range(NBUF):
        c = pltpu.make_async_copy(
            w_ref.at[pl.ds(k * CH, CH)], bufs[k], sems[k])
        c.start()
        copies.append(c)

    s = jnp.sum(p_ref[...], axis=0, keepdims=True)

    for k in range(NCH):
        copies[k].wait()
        mv = lax.dot_general(
            s, bufs[k % NBUF][...], (((1,), (1,)), ((), ())),
            preferred_element_type=jnp.float32,
        )
        om_ref[0:1, pl.ds(k * CH, CH)] = mv + bm_ref[0:1, pl.ds(k * CH, CH)]
        if k + NBUF < NCH:
            c = pltpu.make_async_copy(
                w_ref.at[pl.ds((k + NBUF) * CH, CH)],
                bufs[k % NBUF], sems[k % NBUF])
            c.start()
            copies.append(c)

    tail_copy.wait()
    mvt = lax.dot_general(
        s, tbuf[...], (((1,), (1,)), ((), ())),
        preferred_element_type=jnp.float32,
    )
    ot_ref[...] = mvt + bt_ref[...]


def kernel(context_ids, embedding, W, b):
    ids3 = context_ids.reshape(NW, NCHUNK, CHUNK)
    partials = _gather_sum(ids3, embedding)
    b2 = b.reshape(1, VOCAB)
    out_main, out_tail = pl.pallas_call(
        _matvec_body,
        in_specs=[
            pl.BlockSpec(memory_space=pltpu.MemorySpace.VMEM),
            pl.BlockSpec(memory_space=pl.ANY),
            pl.BlockSpec(memory_space=pltpu.MemorySpace.VMEM),
            pl.BlockSpec(memory_space=pltpu.MemorySpace.VMEM),
        ],
        out_specs=[
            pl.BlockSpec(memory_space=pltpu.MemorySpace.VMEM),
            pl.BlockSpec(memory_space=pltpu.MemorySpace.VMEM),
        ],
        out_shape=[
            jax.ShapeDtypeStruct((1, V_MAIN), jnp.float32),
            jax.ShapeDtypeStruct((1, V_TAIL), jnp.float32),
        ],
        scratch_shapes=(
            [pltpu.VMEM((CH, D), jnp.float32) for _ in range(NBUF)]
            + [pltpu.SemaphoreType.DMA for _ in range(NBUF)]
            + [pltpu.VMEM((V_TAIL, D), jnp.float32), pltpu.SemaphoreType.DMA]
        ),
    )(partials, W, b2[:, :V_MAIN], b2[:, V_MAIN:])
    return jnp.concatenate([out_main, out_tail], axis=1)

# --- scband reference (transcript-rebuilt; emitter-appended) ---
"""Pipeline reference for scband-cbow-39067022524450 (READ-ONLY COPY).

The authoritative reference and input builder live on the scoring server;
editing this copy changes nothing except your own understanding.
"""

import jax, jax.numpy as jnp
import numpy as np

VOCAB = 100000
D = 128
L = 16384

def setup_inputs(seed: int = 0) -> dict:
    key = jax.random.key(seed)
    k1, k2, k3 = jax.random.split(key, 3)
    context_ids = jax.random.randint(k1, (L,), 0, VOCAB, dtype=jnp.int32)
    embedding = jax.random.normal(k2, (VOCAB, D), dtype=jnp.float32) * 0.02
    W = jax.random.normal(k3, (VOCAB, D), dtype=jnp.float32) * 0.02  # torch Linear weight [out_features, in_features]
    b = jnp.zeros((VOCAB,), dtype=jnp.float32)
    return {"context_ids": context_ids, "embedding": embedding, "W": W, "b": b}

def reference(context_ids, embedding, W, b):
    # embeddings = self.embedding(context_ids): gather rows -> [L, D]
    emb = jnp.take(embedding, context_ids, axis=0)
    # sum(embeddings): Python sum over leading dim -> [D]; .view(1, -1) -> [1, D]
    summed = jnp.sum(emb, axis=0).reshape(1, -1)
    # self.linear(summed): [1, D] @ [D, VOCAB] + b -> [1, VOCAB]
    out = summed @ W.T + b
    return out

if __name__ == "__main__":
    import jax
    _d = setup_inputs()
    print(jax.jit(kernel)(*tuple(_d.values())))

</pallas_src>

<mosaic_0001>
#map = affine_map<(d0, d1) -> (0, 0, 0)>
#map1 = affine_map<(d0, d1) -> (0, 0)>
module attributes {stable_mosaic.version = 14 : i64} {
  func.func @_gather_sum(%arg0: i32, %arg1: i32, %arg2: memref<32x4x128xi32, #tpu.memory_space<hbm>>, %arg3: memref<100000x128xf32, #tpu.memory_space<hbm>>, %arg4: memref<32x128xf32, #tpu.memory_space<hbm>>, %arg5: memref<4x128xi32, #tpu.memory_space<vmem>>, %arg6: memref<4x128x128xf32, #tpu.memory_space<vmem>>, %arg7: memref<128xf32, #tpu.memory_space<vmem>>, %arg8: memref<!tpu.dma_semaphore, #tpu.memory_space<semaphore_mem>>, %arg9: memref<!tpu.dma_semaphore, #tpu.memory_space<semaphore_mem>>, %arg10: memref<!tpu.dma_semaphore, #tpu.memory_space<semaphore_mem>>, %arg11: memref<!tpu.dma_semaphore, #tpu.memory_space<semaphore_mem>>) attributes {dimension_semantics = [#tpu.dimension_semantics<core_parallel>, #tpu.dimension_semantics<subcore_parallel>], iteration_bounds = array<i64: 2, 16>, scalar_prefetch = 0 : i64, scratch_operands = 7 : i64, tpu.core_type = #tpu.core_type<sc_vector_subcore>, window_params = [{transform_indices = #map}, {transform_indices = #map1}, {transform_indices = #map1}]} {
    %mul3A = arith.constant 2 : i32
    %mul3A_0 = arith.muli %arg1, %mul3A : i32
    %add3A = arith.addi %mul3A_0, %arg0 : i32
    "tpu.region"() ({
      %run_scoped3A = tpu.sem_alloc : memref<!tpu.dma_semaphore, #tpu.memory_space<semaphore_mem>>
      %dma_start3A_168 = arith.constant 0 : i32
      %dma_start3A_169 = arith.constant 0 : i32
      %dma_start3A_170 = tpu.memref_slice %arg2[%add3A, %dma_start3A_168, %dma_start3A_169] : memref<32x4x128xi32, #tpu.memory_space<hbm>> -> memref<1x4x128xi32, #tpu.memory_space<hbm>>
      %dma_start3A_171 = tpu.memref_squeeze %dma_start3A_170 : memref<1x4x128xi32, #tpu.memory_space<hbm>> -> memref<4x128xi32, #tpu.memory_space<hbm>>
      %dma_start3A_172 = arith.constant 0 : i32
      %dma_start3A_173 = arith.constant 0 : i32
      %dma_start3A_174 = tpu.memref_slice %arg2[%add3A, %dma_start3A_172, %dma_start3A_173] : memref<32x4x128xi32, #tpu.memory_space<hbm>> -> memref<1x4x128xi32, #tpu.memory_space<hbm>>
      %dma_start3A_175 = tpu.memref_squeeze %dma_start3A_174 : memref<1x4x128xi32, #tpu.memory_space<hbm>> -> memref<4x128xi32, #tpu.memory_space<hbm>>
      tpu.enqueue_dma source(%dma_start3A_175 : memref<4x128xi32, #tpu.memory_space<hbm>>) target(%arg5 : memref<4x128xi32, #tpu.memory_space<vmem>>) target_semaphore(%run_scoped3A : memref<!tpu.dma_semaphore, #tpu.memory_space<semaphore_mem>>)
      %dma_wait3A_176 = arith.constant 0 : i32
      %dma_wait3A_177 = arith.constant 0 : i32
      %dma_wait3A_178 = tpu.memref_slice %arg2[%add3A, %dma_wait3A_176, %dma_wait3A_177] : memref<32x4x128xi32, #tpu.memory_space<hbm>> -> memref<1x4x128xi32, #tpu.memory_space<hbm>>
      %dma_wait3A_179 = tpu.memref_squeeze %dma_wait3A_178 : memref<1x4x128xi32, #tpu.memory_space<hbm>> -> memref<4x128xi32, #tpu.memory_space<hbm>>
      %dma_wait3A_180 = arith.constant 0 : i32
      %dma_wait3A_181 = arith.constant 0 : i32
      %dma_wait3A_182 = tpu.memref_slice %arg2[%add3A, %dma_wait3A_180, %dma_wait3A_181] : memref<32x4x128xi32, #tpu.memory_space<hbm>> -> memref<1x4x128xi32, #tpu.memory_space<hbm>>
      %dma_wait3A_183 = tpu.memref_squeeze %dma_wait3A_182 : memref<1x4x128xi32, #tpu.memory_space<hbm>> -> memref<4x128xi32, #tpu.memory_space<hbm>>
      tpu.wait_dma2 semaphore(%run_scoped3A : memref<!tpu.dma_semaphore, #tpu.memory_space<semaphore_mem>>) src(%dma_wait3A_183 : memref<4x128xi32, #tpu.memory_space<hbm>>) dst(%arg5 : memref<4x128xi32, #tpu.memory_space<vmem>>)
      tpu.yield
    }) : () -> ()
    %dma_start3A = arith.constant 0 : i32
    %dma_start3A_1 = arith.constant 0 : i32
    %dma_start3A_2 = arith.constant 0 : i32
    %dma_start3A_3 = arith.constant 0 : i32
    %dma_start3A_4 = tpu.memref_slice %arg6[%dma_start3A_1, %dma_start3A_2, %dma_start3A_3] : memref<4x128x128xf32, #tpu.memory_space<vmem>> -> memref<1x128x128xf32, #tpu.memory_space<vmem>>
    %dma_start3A_5 = tpu.memref_squeeze %dma_start3A_4 : memref<1x128x128xf32, #tpu.memory_space<vmem>> -> memref<128x128xf32, #tpu.memory_space<vmem>>
    %dma_start3A_6 = arith.constant 0 : i32
    %dma_start3A_7 = tpu.memref_slice %arg5[%dma_start3A, %dma_start3A_6] : memref<4x128xi32, #tpu.memory_space<vmem>> -> memref<1x128xi32, #tpu.memory_space<vmem>>
    %dma_start3A_8 = tpu.memref_squeeze %dma_start3A_7 : memref<1x128xi32, #tpu.memory_space<vmem>> -> memref<128xi32, #tpu.memory_space<vmem>>
    %dma_start3A_9 = arith.constant 0 : i32
    %dma_start3A_10 = arith.constant 0 : i32
    %dma_start3A_11 = tpu.memref_slice %arg3[%dma_start3A_9, %dma_start3A_10] : memref<100000x128xf32, #tpu.memory_space<hbm>> -> memref<100000x128xf32, #tpu.memory_space<hbm>>
    tpu.enqueue_indirect_dma source(%dma_start3A_11 : memref<100000x128xf32, #tpu.memory_space<hbm>>) target(%dma_start3A_5 : memref<128x128xf32, #tpu.memory_space<vmem>>) offsets(%dma_start3A_8 : memref<128xi32, #tpu.memory_space<vmem>>) semaphore(%arg8 : memref<!tpu.dma_semaphore, #tpu.memory_space<semaphore_mem>>)
    %dma_start3A_12 = arith.constant 1 : i32
    %dma_start3A_13 = arith.constant 1 : i32
    %dma_start3A_14 = arith.constant 0 : i32
    %dma_start3A_15 = arith.constant 0 : i32
    %dma_start3A_16 = tpu.memref_slice %arg6[%dma_start3A_13, %dma_start3A_14, %dma_start3A_15] : memref<4x128x128xf32, #tpu.memory_space<vmem>> -> memref<1x128x128xf32, #tpu.memory_space<vmem>>
    %dma_start3A_17 = tpu.memref_squeeze %dma_start3A_16 : memref<1x128x128xf32, #tpu.memory_space<vmem>> -> memref<128x128xf32, #tpu.memory_space<vmem>>
    %dma_start3A_18 = arith.constant 0 : i32
    %dma_start3A_19 = tpu.memref_slice %arg5[%dma_start3A_12, %dma_start3A_18] : memref<4x128xi32, #tpu.memory_space<vmem>> -> memref<1x128xi32, #tpu.memory_space<vmem>>
    %dma_start3A_20 = tpu.memref_squeeze %dma_start3A_19 : memref<1x128xi32, #tpu.memory_space<vmem>> -> memref<128xi32, #tpu.memory_space<vmem>>
    %dma_start3A_21 = arith.constant 0 : i32
    %dma_start3A_22 = arith.constant 0 : i32
    %dma_start3A_23 = tpu.memref_slice %arg3[%dma_start3A_21, %dma_start3A_22] : memref<100000x128xf32, #tpu.memory_space<hbm>> -> memref<100000x128xf32, #tpu.memory_space<hbm>>
    tpu.enqueue_indirect_dma source(%dma_start3A_23 : memref<100000x128xf32, #tpu.memory_space<hbm>>) target(%dma_start3A_17 : memref<128x128xf32, #tpu.memory_space<vmem>>) offsets(%dma_start3A_20 : memref<128xi32, #tpu.memory_space<vmem>>) semaphore(%arg9 : memref<!tpu.dma_semaphore, #tpu.memory_space<semaphore_mem>>)
    %dma_start3A_24 = arith.constant 2 : i32
    %dma_start3A_25 = arith.constant 2 : i32
    %dma_start3A_26 = arith.constant 0 : i32
    %dma_start3A_27 = arith.constant 0 : i32
    %dma_start3A_28 = tpu.memref_slice %arg6[%dma_start3A_25, %dma_start3A_26, %dma_start3A_27] : memref<4x128x128xf32, #tpu.memory_space<vmem>> -> memref<1x128x128xf32, #tpu.memory_space<vmem>>
    %dma_start3A_29 = tpu.memref_squeeze %dma_start3A_28 : memref<1x128x128xf32, #tpu.memory_space<vmem>> -> memref<128x128xf32, #tpu.memory_space<vmem>>
    %dma_start3A_30 = arith.constant 0 : i32
    %dma_start3A_31 = tpu.memref_slice %arg5[%dma_start3A_24, %dma_start3A_30] : memref<4x128xi32, #tpu.memory_space<vmem>> -> memref<1x128xi32, #tpu.memory_space<vmem>>
    %dma_start3A_32 = tpu.memref_squeeze %dma_start3A_31 : memref<1x128xi32, #tpu.memory_space<vmem>> -> memref<128xi32, #tpu.memory_space<vmem>>
    %dma_start3A_33 = arith.constant 0 : i32
    %dma_start3A_34 = arith.constant 0 : i32
    %dma_start3A_35 = tpu.memref_slice %arg3[%dma_start3A_33, %dma_start3A_34] : memref<100000x128xf32, #tpu.memory_space<hbm>> -> memref<100000x128xf32, #tpu.memory_space<hbm>>
    tpu.enqueue_indirect_dma source(%dma_start3A_35 : memref<100000x128xf32, #tpu.memory_space<hbm>>) target(%dma_start3A_29 : memref<128x128xf32, #tpu.memory_space<vmem>>) offsets(%dma_start3A_32 : memref<128xi32, #tpu.memory_space<vmem>>) semaphore(%arg10 : memref<!tpu.dma_semaphore, #tpu.memory_space<semaphore_mem>>)
    %dma_start3A_36 = arith.constant 3 : i32
    %dma_start3A_37 = arith.constant 3 : i32
    %dma_start3A_38 = arith.constant 0 : i32
    %dma_start3A_39 = arith.constant 0 : i32
    %dma_start3A_40 = tpu.memref_slice %arg6[%dma_start3A_37, %dma_start3A_38, %dma_start3A_39] : memref<4x128x128xf32, #tpu.memory_space<vmem>> -> memref<1x128x128xf32, #tpu.memory_space<vmem>>
    %dma_start3A_41 = tpu.memref_squeeze %dma_start3A_40 : memref<1x128x128xf32, #tpu.memory_space<vmem>> -> memref<128x128xf32, #tpu.memory_space<vmem>>
    %dma_start3A_42 = arith.constant 0 : i32
    %dma_start3A_43 = tpu.memref_slice %arg5[%dma_start3A_36, %dma_start3A_42] : memref<4x128xi32, #tpu.memory_space<vmem>> -> memref<1x128xi32, #tpu.memory_space<vmem>>
    %dma_start3A_44 = tpu.memref_squeeze %dma_start3A_43 : memref<1x128xi32, #tpu.memory_space<vmem>> -> memref<128xi32, #tpu.memory_space<vmem>>
    %dma_start3A_45 = arith.constant 0 : i32
    %dma_start3A_46 = arith.constant 0 : i32
    %dma_start3A_47 = tpu.memref_slice %arg3[%dma_start3A_45, %dma_start3A_46] : memref<100000x128xf32, #tpu.memory_space<hbm>> -> memref<100000x128xf32, #tpu.memory_space<hbm>>
    tpu.enqueue_indirect_dma source(%dma_start3A_47 : memref<100000x128xf32, #tpu.memory_space<hbm>>) target(%dma_start3A_41 : memref<128x128xf32, #tpu.memory_space<vmem>>) offsets(%dma_start3A_44 : memref<128xi32, #tpu.memory_space<vmem>>) semaphore(%arg11 : memref<!tpu.dma_semaphore, #tpu.memory_space<semaphore_mem>>)
    %broadcast_in_dim3A = arith.constant 0.000000e+00 : f32
    %broadcast_in_dim3A_48 = vector.broadcast %broadcast_in_dim3A : f32 to vector<16xf32>
    %broadcast_in_dim3A_49 = arith.constant 0.000000e+00 : f32
    %broadcast_in_dim3A_50 = vector.broadcast %broadcast_in_dim3A_49 : f32 to vector<16xf32>
    %broadcast_in_dim3A_51 = arith.constant 0.000000e+00 : f32
    %broadcast_in_dim3A_52 = vector.broadcast %broadcast_in_dim3A_51 : f32 to vector<16xf32>
    %broadcast_in_dim3A_53 = arith.constant 0.000000e+00 : f32
    %broadcast_in_dim3A_54 = vector.broadcast %broadcast_in_dim3A_53 : f32 to vector<16xf32>
    %broadcast_in_dim3A_55 = arith.constant 0.000000e+00 : f32
    %broadcast_in_dim3A_56 = vector.broadcast %broadcast_in_dim3A_55 : f32 to vector<16xf32>
    %broadcast_in_dim3A_57 = arith.constant 0.000000e+00 : f32
    %broadcast_in_dim3A_58 = vector.broadcast %broadcast_in_dim3A_57 : f32 to vector<16xf32>
    %broadcast_in_dim3A_59 = arith.constant 0.000000e+00 : f32
    %broadcast_in_dim3A_60 = vector.broadcast %broadcast_in_dim3A_59 : f32 to vector<16xf32>
    %broadcast_in_dim3A_61 = arith.constant 0.000000e+00 : f32
    %broadcast_in_dim3A_62 = vector.broadcast %broadcast_in_dim3A_61 : f32 to vector<16xf32>
    %dma_wait3A = arith.constant 0 : i32
    %dma_wait3A_63 = arith.constant 0 : i32
    %dma_wait3A_64 = arith.constant 0 : i32
    %dma_wait3A_65 = arith.constant 0 : i32
    %dma_wait3A_66 = tpu.memref_slice %arg6[%dma_wait3A_63, %dma_wait3A_64, %dma_wait3A_65] : memref<4x128x128xf32, #tpu.memory_space<vmem>> -> memref<1x128x128xf32, #tpu.memory_space<vmem>>
    %dma_wait3A_67 = tpu.memref_squeeze %dma_wait3A_66 : memref<1x128x128xf32, #tpu.memory_space<vmem>> -> memref<128x128xf32, #tpu.memory_space<vmem>>
    %dma_wait3A_68 = arith.constant 0 : i32
    %dma_wait3A_69 = tpu.memref_slice %arg5[%dma_wait3A, %dma_wait3A_68] : memref<4x128xi32, #tpu.memory_space<vmem>> -> memref<1x128xi32, #tpu.memory_space<vmem>>
    %dma_wait3A_70 = tpu.memref_squeeze %dma_wait3A_69 : memref<1x128xi32, #tpu.memory_space<vmem>> -> memref<128xi32, #tpu.memory_space<vmem>>
    %dma_wait3A_71 = arith.constant 0 : i32
    %dma_wait3A_72 = arith.constant 0 : i32
    %dma_wait3A_73 = tpu.memref_slice %arg3[%dma_wait3A_71, %dma_wait3A_72] : memref<100000x128xf32, #tpu.memory_space<hbm>> -> memref<100000x128xf32, #tpu.memory_space<hbm>>
    tpu.wait_indirect_dma semaphore(%arg8 : memref<!tpu.dma_semaphore, #tpu.memory_space<semaphore_mem>>) src(%dma_wait3A_73 : memref<100000x128xf32, #tpu.memory_space<hbm>>) dst(%dma_wait3A_67 : memref<128x128xf32, #tpu.memory_space<vmem>>)
    %scan3A = arith.constant 0 : i32
    %scan3A_74 = arith.constant 0 : i32
    %scan3A_75 = arith.constant 32 : i32
    %scan3A_76 = arith.addi %scan3A_74, %scan3A_75 : i32
    %scan3A_77 = arith.constant 1 : i32
    %scan3A_78:8 = scf.for %scan3A_168 = %scan3A_74 to %scan3A_76 step %scan3A_77 iter_args(%scan3A_169 = %broadcast_in_dim3A_48, %scan3A_170 = %broadcast_in_dim3A_50, %scan3A_171 = %broadcast_in_dim3A_52, %scan3A_172 = %broadcast_in_dim3A_54, %scan3A_173 = %broadcast_in_dim3A_56, %scan3A_174 = %broadcast_in_dim3A_58, %scan3A_175 = %broadcast_in_dim3A_60, %scan3A_176 = %broadcast_in_dim3A_62) -> (vector<16xf32>, vector<16xf32>, vector<16xf32>, vector<16xf32>, vector<16xf32>, vector<16xf32>, vector<16xf32>, vector<16xf32>)  : i32 {
      %mul3A_177 = arith.constant 4 : i32
      %mul3A_178 = arith.muli %scan3A_168, %mul3A_177 : i32
      %add3A_179 = arith.constant 0 : i32
      %add3A_180 = arith.addi %mul3A_178, %add3A_179 : i32
      %get3A = arith.constant 0 : i32
      %get3A_181 = arith.constant 0 : i32
      %get3A_182 = tpu.memref_slice %arg6[%scan3A, %get3A, %get3A_181] : memref<4x128x128xf32, #tpu.memory_space<vmem>> -> memref<1x128x128xf32, #tpu.memory_space<vmem>>
      %get3A_183 = tpu.memref_squeeze %get3A_182 : memref<1x128x128xf32, #tpu.memory_space<vmem>> -> memref<128x128xf32, #tpu.memory_space<vmem>>
      %get3A_184 = arith.index_cast %add3A_180 : i32 to index
      %get3A_185 = arith.constant 0 : index
      %get3A_186 = tpu.vector_load %get3A_183[%get3A_184, %get3A_185] {strides = array<i32>} : memref<128x128xf32, #tpu.memory_space<vmem>>, vector<1x16xf32>,
      %get3A_187 = vector.shape_cast %get3A_186 : vector<1x16xf32> to vector<16xf32>
      %add3A_188 = arith.addf %scan3A_169, %get3A_187 : vector<16xf32>
      %mul3A_189 = arith.constant 4 : i32
      %mul3A_190 = arith.muli %scan3A_168, %mul3A_189 : i32
      %add3A_191 = arith.constant 0 : i32
      %add3A_192 = arith.addi %mul3A_190, %add3A_191 : i32
      %get3A_193 = arith.constant 0 : i32
      %get3A_194 = arith.constant 0 : i32
      %get3A_195 = tpu.memref_slice %arg6[%scan3A, %get3A_193, %get3A_194] : memref<4x128x128xf32, #tpu.memory_space<vmem>> -> memref<1x128x128xf32, #tpu.memory_space<vmem>>
      %get3A_196 = tpu.memref_squeeze %get3A_195 : memref<1x128x128xf32, #tpu.memory_space<vmem>> -> memref<128x128xf32, #tpu.memory_space<vmem>>
      %get3A_197 = arith.index_cast %add3A_192 : i32 to index
      %get3A_198 = arith.constant 16 : index
      %get3A_199 = tpu.vector_load %get3A_196[%get3A_197, %get3A_198] {strides = array<i32>} : memref<128x128xf32, #tpu.memory_space<vmem>>, vector<1x16xf32>,
      %get3A_200 = vector.shape_cast %get3A_199 : vector<1x16xf32> to vector<16xf32>
      %add3A_201 = arith.addf %scan3A_170, %get3A_200 : vector<16xf32>
      %mul3A_202 = arith.constant 4 : i32
      %mul3A_203 = arith.muli %scan3A_168, %mul3A_202 : i32
      %add3A_204 = arith.constant 0 : i32
      %add3A_205 = arith.addi %mul3A_203, %add3A_204 : i32
      %get3A_206 = arith.constant 0 : i32
      %get3A_207 = arith.constant 0 : i32
      %get3A_208 = tpu.memref_slice %arg6[%scan3A, %get3A_206, %get3A_207] : memref<4x128x128xf32, #tpu.memory_space<vmem>> -> memref<1x128x128xf32, #tpu.memory_space<vmem>>
      %get3A_209 = tpu.memref_squeeze %get3A_208 : memref<1x128x128xf32, #tpu.memory_space<vmem>> -> memref<128x128xf32, #tpu.memory_space<vmem>>
      %get3A_210 = arith.index_cast %add3A_205 : i32 to index
      %get3A_211 = arith.constant 32 : index
      %get3A_212 = tpu.vector_load %get3A_209[%get3A_210, %get3A_211] {strides = array<i32>} : memref<128x128xf32, #tpu.memory_space<vmem>>, vector<1x16xf32>,
      %get3A_213 = vector.shape_cast %get3A_212 : vector<1x16xf32> to vector<16xf32>
      %add3A_214 = arith.addf %scan3A_171, %get3A_213 : vector<16xf32>
      %mul3A_215 = arith.constant 4 : i32
      %mul3A_216 = arith.muli %scan3A_168, %mul3A_215 : i32
      %add3A_217 = arith.constant 0 : i32
      %add3A_218 = arith.addi %mul3A_216, %add3A_217 : i32
      %get3A_219 = arith.constant 0 : i32
      %get3A_220 = arith.constant 0 : i32
      %get3A_221 = tpu.memref_slice %arg6[%scan3A, %get3A_219, %get3A_220] : memref<4x128x128xf32, #tpu.memory_space<vmem>> -> memref<1x128x128xf32, #tpu.memory_space<vmem>>
      %get3A_222 = tpu.memref_squeeze %get3A_221 : memref<1x128x128xf32, #tpu.memory_space<vmem>> -> memref<128x128xf32, #tpu.memory_space<vmem>>
      %get3A_223 = arith.index_cast %add3A_218 : i32 to index
      %get3A_224 = arith.constant 48 : index
      %get3A_225 = tpu.vector_load %get3A_222[%get3A_223, %get3A_224] {strides = array<i32>} : memref<128x128xf32, #tpu.memory_space<vmem>>, vector<1x16xf32>,
      %get3A_226 = vector.shape_cast %get3A_225 : vector<1x16xf32> to vector<16xf32>
      %add3A_227 = arith.addf %scan3A_172, %get3A_226 : vector<16xf32>
      %mul3A_228 = arith.constant 4 : i32
      %mul3A_229 = arith.muli %scan3A_168, %mul3A_228 : i32
      %add3A_230 = arith.constant 0 : i32
      %add3A_231 = arith.addi %mul3A_229, %add3A_230 : i32
      %get3A_232 = arith.constant 0 : i32
      %get3A_233 = arith.constant 0 : i32
      %get3A_234 = tpu.memref_slice %arg6[%scan3A, %get3A_232, %get3A_233] : memref<4x128x128xf32, #tpu.memory_space<vmem>> -> memref<1x128x128xf32, #tpu.memory_space<vmem>>
      %get3A_235 = tpu.memref_squeeze %get3A_234 : memref<1x128x128xf32, #tpu.memory_space<vmem>> -> memref<128x128xf32, #tpu.memory_space<vmem>>
      %get3A_236 = arith.index_cast %add3A_231 : i32 to index
      %get3A_237 = arith.constant 64 : index
      %get3A_238 = tpu.vector_load %get3A_235[%get3A_236, %get3A_237] {strides = array<i32>} : memref<128x128xf32, #tpu.memory_space<vmem>>, vector<1x16xf32>,
      %get3A_239 = vector.shape_cast %get3A_238 : vector<1x16xf32> to vector<16xf32>
      %add3A_240 = arith.addf %scan3A_173, %get3A_239 : vector<16xf32>
      %mul3A_241 = arith.constant 4 : i32
      %mul3A_242 = arith.muli %scan3A_168, %mul3A_241 : i32
      %add3A_243 = arith.constant 0 : i32
      %add3A_244 = arith.addi %mul3A_242, %add3A_243 : i32
      %get3A_245 = arith.constant 0 : i32
      %get3A_246 = arith.constant 0 : i32
      %get3A_247 = tpu.memref_slice %arg6[%scan3A, %get3A_245, %get3A_246] : memref<4x128x128xf32, #tpu.memory_space<vmem>> -> memref<1x128x128xf32, #tpu.memory_space<vmem>>
      %get3A_248 = tpu.memref_squeeze %get3A_247 : memref<1x128x128xf32, #tpu.memory_space<vmem>> -> memref<128x128xf32, #tpu.memory_space<vmem>>
      %get3A_249 = arith.index_cast %add3A_244 : i32 to index
      %get3A_250 = arith.constant 80 : index
      %get3A_251 = tpu.vector_load %get3A_248[%get3A_249, %get3A_250] {strides = array<i32>} : memref<128x128xf32, #tpu.memory_space<vmem>>, vector<1x16xf32>,
      %get3A_252 = vector.shape_cast %get3A_251 : vector<1x16xf32> to vector<16xf32>
      %add3A_253 = arith.addf %scan3A_174, %get3A_252 : vector<16xf32>
      %mul3A_254 = arith.constant 4 : i32
      %mul3A_255 = arith.muli %scan3A_168, %mul3A_254 : i32
      %add3A_256 = arith.constant 0 : i32
      %add3A_257 = arith.addi %mul3A_255, %add3A_256 : i32
      %get3A_258 = arith.constant 0 : i32
      %get3A_259 = arith.constant 0 : i32
      %get3A_260 = tpu.memref_slice %arg6[%scan3A, %get3A_258, %get3A_259] : memref<4x128x128xf32, #tpu.memory_space<vmem>> -> memref<1x128x128xf32, #tpu.memory_space<vmem>>
      %get3A_261 = tpu.memref_squeeze %get3A_260 : memref<1x128x128xf32, #tpu.memory_space<vmem>> -> memref<128x128xf32, #tpu.memory_space<vmem>>
      %get3A_262 = arith.index_cast %add3A_257 : i32 to index
      %get3A_263 = arith.constant 96 : index
      %get3A_264 = tpu.vector_load %get3A_261[%get3A_262, %get3A_263] {strides = array<i32>} : memref<128x128xf32, #tpu.memory_space<vmem>>, vector<1x16xf32>,
      %get3A_265 = vector.shape_cast %get3A_264 : vector<1x16xf32> to vector<16xf32>
      %add3A_266 = arith.addf %scan3A_175, %get3A_265 : vector<16xf32>
      %mul3A_267 = arith.constant 4 : i32
      %mul3A_268 = arith.muli %scan3A_168, %mul3A_267 : i32
      %add3A_269 = arith.constant 0 : i32
      %add3A_270 = arith.addi %mul3A_268, %add3A_269 : i32
      %get3A_271 = arith.constant 0 : i32
      %get3A_272 = arith.constant 0 : i32
      %get3A_273 = tpu.memref_slice %arg6[%scan3A, %get3A_271, %get3A_272] : memref<4x128x128xf32, #tpu.memory_space<vmem>> -> memref<1x128x128xf32, #tpu.memory_space<vmem>>
      %get3A_274 = tpu.memref_squeeze %get3A_273 : memref<1x128x128xf32, #tpu.memory_space<vmem>> -> memref<128x128xf32, #tpu.memory_space<vmem>>
      %get3A_275 = arith.index_cast %add3A_270 : i32 to index
      %get3A_276 = arith.constant 112 : index
      %get3A_277 = tpu.vector_load %get3A_274[%get3A_275, %get3A_276] {strides = array<i32>} : memref<128x128xf32, #tpu.memory_space<vmem>>, vector<1x16xf32>,
      %get3A_278 = vector.shape_cast %get3A_277 : vector<1x16xf32> to vector<16xf32>
      %add3A_279 = arith.addf %scan3A_176, %get3A_278 : vector<16xf32>
      %mul3A_280 = arith.constant 4 : i32
      %mul3A_281 = arith.muli %scan3A_168, %mul3A_280 : i32
      %add3A_282 = arith.constant 1 : i32
      %add3A_283 = arith.addi %mul3A_281, %add3A_282 : i32
      %get3A_284 = arith.constant 0 : i32
      %get3A_285 = arith.constant 0 : i32
      %get3A_286 = tpu.memref_slice %arg6[%scan3A, %get3A_284, %get3A_285] : memref<4x128x128xf32, #tpu.memory_space<vmem>> -> memref<1x128x128xf32, #tpu.memory_space<vmem>>
      %get3A_287 = tpu.memref_squeeze %get3A_286 : memref<1x128x128xf32, #tpu.memory_space<vmem>> -> memref<128x128xf32, #tpu.memory_space<vmem>>
      %get3A_288 = arith.index_cast %add3A_283 : i32 to index
      %get3A_289 = arith.constant 0 : index
      %get3A_290 = tpu.vector_load %get3A_287[%get3A_288, %get3A_289] {strides = array<i32>} : memref<128x128xf32, #tpu.memory_space<vmem>>, vector<1x16xf32>,
      %get3A_291 = vector.shape_cast %get3A_290 : vector<1x16xf32> to vector<16xf32>
      %add3A_292 = arith.addf %add3A_188, %get3A_291 : vector<16xf32>
      %mul3A_293 = arith.constant 4 : i32
      %mul3A_294 = arith.muli %scan3A_168, %mul3A_293 : i32
      %add3A_295 = arith.constant 1 : i32
      %add3A_296 = arith.addi %mul3A_294, %add3A_295 : i32
      %get3A_297 = arith.constant 0 : i32
      %get3A_298 = arith.constant 0 : i32
      %get3A_299 = tpu.memref_slice %arg6[%scan3A, %get3A_297, %get3A_298] : memref<4x128x128xf32, #tpu.memory_space<vmem>> -> memref<1x128x128xf32, #tpu.memory_space<vmem>>
      %get3A_300 = tpu.memref_squeeze %get3A_299 : memref<1x128x128xf32, #tpu.memory_space<vmem>> -> memref<128x128xf32, #tpu.memory_space<vmem>>
      %get3A_301 = arith.index_cast %add3A_296 : i32 to index
      %get3A_302 = arith.constant 16 : index
      %get3A_303 = tpu.vector_load %get3A_300[%get3A_301, %get3A_302] {strides = array<i32>} : memref<128x128xf32, #tpu.memory_space<vmem>>, vector<1x16xf32>,
      %get3A_304 = vector.shape_cast %get3A_303 : vector<1x16xf32> to vector<16xf32>
      %add3A_305 = arith.addf %add3A_201, %get3A_304 : vector<16xf32>
      %mul3A_306 = arith.constant 4 : i32
      %mul3A_307 = arith.muli %scan3A_168, %mul3A_306 : i32
      %add3A_308 = arith.constant 1 : i32
      %add3A_309 = arith.addi %mul3A_307, %add3A_308 : i32
      %get3A_310 = arith.constant 0 : i32
      %get3A_311 = arith.constant 0 : i32
      %get3A_312 = tpu.memref_slice %arg6[%scan3A, %get3A_310, %get3A_311] : memref<4x128x128xf32, #tpu.memory_space<vmem>> -> memref<1x128x128xf32, #tpu.memory_space<vmem>>
      %get3A_313 = tpu.memref_squeeze %get3A_312 : memref<1x128x128xf32, #tpu.memory_space<vmem>> -> memref<128x128xf32, #tpu.memory_space<vmem>>
      %get3A_314 = arith.index_cast %add3A_309 : i32 to index
      %get3A_315 = arith.constant 32 : index
      %get3A_316 = tpu.vector_load %get3A_313[%get3A_314, %get3A_315] {strides = array<i32>} : memref<128x128xf32, #tpu.memory_space<vmem>>, vector<1x16xf32>,
      %get3A_317 = vector.shape_cast %get3A_316 : vector<1x16xf32> to vector<16xf32>
      %add3A_318 = arith.addf %add3A_214, %get3A_317 : vector<16xf32>
      %mul3A_319 = arith.constant 4 : i32
      %mul3A_320 = arith.muli %scan3A_168, %mul3A_319 : i32
      %add3A_321 = arith.constant 1 : i32
      %add3A_322 = arith.addi %mul3A_320, %add3A_321 : i32
      %get3A_323 = arith.constant 0 : i32
      %get3A_324 = arith.constant 0 : i32
      %get3A_325 = tpu.memref_slice %arg6[%scan3A, %get3A_323, %get3A_324] : memref<4x128x128xf32, #tpu.memory_space<vmem>> -> memref<1x128x128xf32, #tpu.memory_space<vmem>>
      %get3A_326 = tpu.memref_squeeze %get3A_325 : memref<1x128x128xf32, #tpu.memory_space<vmem>> -> memref<128x128xf32, #tpu.memory_space<vmem>>
      %get3A_327 = arith.index_cast %add3A_322 : i32 to index
      %get3A_328 = arith.constant 48 : index
      %get3A_329 = tpu.vector_load %get3A_326[%get3A_327, %get3A_328] {strides = array<i32>} : memref<128x128xf32, #tpu.memory_space<vmem>>, vector<1x16xf32>,
      %get3A_330 = vector.shape_cast %get3A_329 : vector<1x16xf32> to vector<16xf32>
      %add3A_331 = arith.addf %add3A_227, %get3A_330 : vector<16xf32>
      %mul3A_332 = arith.constant 4 : i32
      %mul3A_333 = arith.muli %scan3A_168, %mul3A_332 : i32
      %add3A_334 = arith.constant 1 : i32
      %add3A_335 = arith.addi %mul3A_333, %add3A_334 : i32
      %get3A_336 = arith.constant 0 : i32
      %get3A_337 = arith.constant 0 : i32
      %get3A_338 = tpu.memref_slice %arg6[%scan3A, %get3A_336, %get3A_337] : memref<4x128x128xf32, #tpu.memory_space<vmem>> -> memref<1x128x128xf32, #tpu.memory_space<vmem>>
      %get3A_339 = tpu.memref_squeeze %get3A_338 : memref<1x128x128xf32, #tpu.memory_space<vmem>> -> memref<128x128xf32, #tpu.memory_space<vmem>>
      %get3A_340 = arith.index_cast %add3A_335 : i32 to index
      %get3A_341 = arith.constant 64 : index
      %get3A_342 = tpu.vector_load %get3A_339[%get3A_340, %get3A_341] {strides = array<i32>} : memref<128x128xf32, #tpu.memory_space<vmem>>, vector<1x16xf32>,
      %get3A_343 = vector.shape_cast %get3A_342 : vector<1x16xf32> to vector<16xf32>
      %add3A_344 = arith.addf %add3A_240, %get3A_343 : vector<16xf32>
      %mul3A_345 = arith.constant 4 : i32
      %mul3A_346 = arith.muli %scan3A_168, %mul3A_345 : i32
      %add3A_347 = arith.constant 1 : i32
      %add3A_348 = arith.addi %mul3A_346, %add3A_347 : i32
      %get3A_349 = arith.constant 0 : i32
      %get3A_350 = arith.constant 0 : i32
      %get3A_351 = tpu.memref_slice %arg6[%scan3A, %get3A_349, %get3A_350] : memref<4x128x128xf32, #tpu.memory_space<vmem>> -> memref<1x128x128xf32, #tpu.memory_space<vmem>>
      %get3A_352 = tpu.memref_squeeze %get3A_351 : memref<1x128x128xf32, #tpu.memory_space<vmem>> -> memref<128x128xf32, #tpu.memory_space<vmem>>
      %get3A_353 = arith.index_cast %add3A_348 : i32 to index
      %get3A_354 = arith.constant 80 : index
      %get3A_355 = tpu.vector_load %get3A_352[%get3A_353, %get3A_354] {strides = array<i32>} : memref<128x128xf32, #tpu.memory_space<vmem>>, vector<1x16xf32>,
      %get3A_356 = vector.shape_cast %get3A_355 : vector<1x16xf32> to vector<16xf32>
      %add3A_357 = arith.addf %add3A_253, %get3A_356 : vector<16xf32>
      %mul3A_358 = arith.constant 4 : i32
      %mul3A_359 = arith.muli %scan3A_168, %mul3A_358 : i32
      %add3A_360 = arith.constant 1 : i32
      %add3A_361 = arith.addi %mul3A_359, %add3A_360 : i32
      %get3A_362 = arith.constant 0 : i32
      %get3A_363 = arith.constant 0 : i32
      %get3A_364 = tpu.memref_slice %arg6[%scan3A, %get3A_362, %get3A_363] : memref<4x128x128xf32, #tpu.memory_space<vmem>> -> memref<1x128x128xf32, #tpu.memory_space<vmem>>
      %get3A_365 = tpu.memref_squeeze %get3A_364 : memref<1x128x128xf32, #tpu.memory_space<vmem>> -> memref<128x128xf32, #tpu.memory_space<vmem>>
      %get3A_366 = arith.index_cast %add3A_361 : i32 to index
      %get3A_367 = arith.constant 96 : index
      %get3A_368 = tpu.vector_load %get3A_365[%get3A_366, %get3A_367] {strides = array<i32>} : memref<128x128xf32, #tpu.memory_space<vmem>>, vector<1x16xf32>,
      %get3A_369 = vector.shape_cast %get3A_368 : vector<1x16xf32> to vector<16xf32>
      %add3A_370 = arith.addf %add3A_266, %get3A_369 : vector<16xf32>
      %mul3A_371 = arith.constant 4 : i32
      %mul3A_372 = arith.muli %scan3A_168, %mul3A_371 : i32
      %add3A_373 = arith.constant 1 : i32
      %add3A_374 = arith.addi %mul3A_372, %add3A_373 : i32
      %get3A_375 = arith.constant 0 : i32
      %get3A_376 = arith.constant 0 : i32
      %get3A_377 = tpu.memref_slice %arg6[%scan3A, %get3A_375, %get3A_376] : memref<4x128x128xf32, #tpu.memory_space<vmem>> -> memref<1x128x128xf32, #tpu.memory_space<vmem>>
      %get3A_378 = tpu.memref_squeeze %get3A_377 : memref<1x128x128xf32, #tpu.memory_space<vmem>> -> memref<128x128xf32, #tpu.memory_space<vmem>>
      %get3A_379 = arith.index_cast %add3A_374 : i32 to index
      %get3A_380 = arith.constant 112 : index
      %get3A_381 = tpu.vector_load %get3A_378[%get3A_379, %get3A_380] {strides = array<i32>} : memref<128x128xf32, #tpu.memory_space<vmem>>, vector<1x16xf32>,
      %get3A_382 = vector.shape_cast %get3A_381 : vector<1x16xf32> to vector<16xf32>
      %add3A_383 = arith.addf %add3A_279, %get3A_382 : vector<16xf32>
      %mul3A_384 = arith.constant 4 : i32
      %mul3A_385 = arith.muli %scan3A_168, %mul3A_384 : i32
      %add3A_386 = arith.constant 2 : i32
      %add3A_387 = arith.addi %mul3A_385, %add3A_386 : i32
      %get3A_388 = arith.constant 0 : i32
      %get3A_389 = arith.constant 0 : i32
      %get3A_390 = tpu.memref_slice %arg6[%scan3A, %get3A_388, %get3A_389] : memref<4x128x128xf32, #tpu.memory_space<vmem>> -> memref<1x128x128xf32, #tpu.memory_space<vmem>>
      %get3A_391 = tpu.memref_squeeze %get3A_390 : memref<1x128x128xf32, #tpu.memory_space<vmem>> -> memref<128x128xf32, #tpu.memory_space<vmem>>
      %get3A_392 = arith.index_cast %add3A_387 : i32 to index
      %get3A_393 = arith.constant 0 : index
      %get3A_394 = tpu.vector_load %get3A_391[%get3A_392, %get3A_393] {strides = array<i32>} : memref<128x128xf32, #tpu.memory_space<vmem>>, vector<1x16xf32>,
      %get3A_395 = vector.shape_cast %get3A_394 : vector<1x16xf32> to vector<16xf32>
      %add3A_396 = arith.addf %add3A_292, %get3A_395 : vector<16xf32>
      %mul3A_397 = arith.constant 4 : i32
      %mul3A_398 = arith.muli %scan3A_168, %mul3A_397 : i32
      %add3A_399 = arith.constant 2 : i32
      %add3A_400 = arith.addi %mul3A_398, %add3A_399 : i32
      %get3A_401 = arith.constant 0 : i32
      %get3A_402 = arith.constant 0 : i32
      %get3A_403 = tpu.memref_slice %arg6[%scan3A, %get3A_401, %get3A_402] : memref<4x128x128xf32, #tpu.memory_space<vmem>> -> memref<1x128x128xf32, #tpu.memory_space<vmem>>
      %get3A_404 = tpu.memref_squeeze %get3A_403 : memref<1x128x128xf32, #tpu.memory_space<vmem>> -> memref<128x128xf32, #tpu.memory_space<vmem>>
      %get3A_405 = arith.index_cast %add3A_400 : i32 to index
      %get3A_406 = arith.constant 16 : index
      %get3A_407 = tpu.vector_load %get3A_404[%get3A_405, %get3A_406] {strides = array<i32>} : memref<128x128xf32, #tpu.memory_space<vmem>>, vector<1x16xf32>,
      %get3A_408 = vector.shape_cast %get3A_407 : vector<1x16xf32> to vector<16xf32>
      %add3A_409 = arith.addf %add3A_305, %get3A_408 : vector<16xf32>
      %mul3A_410 = arith.constant 4 : i32
      %mul3A_411 = arith.muli %scan3A_168, %mul3A_410 : i32
      %add3A_412 = arith.constant 2 : i32
      %add3A_413 = arith.addi %mul3A_411, %add3A_412 : i32
      %get3A_414 = arith.constant 0 : i32
      %get3A_415 = arith.constant 0 : i32
      %get3A_416 = tpu.memref_slice %arg6[%scan3A, %get3A_414, %get3A_415] : memref<4x128x128xf32, #tpu.memory_space<vmem>> -> memref<1x128x128xf32, #tpu.memory_space<vmem>>
      %get3A_417 = tpu.memref_squeeze %get3A_416 : memref<1x128x128xf32, #tpu.memory_space<vmem>> -> memref<128x128xf32, #tpu.memory_space<vmem>>
      %get3A_418 = arith.index_cast %add3A_413 : i32 to index
      %get3A_419 = arith.constant 32 : index
      %get3A_420 = tpu.vector_load %get3A_417[%get3A_418, %get3A_419] {strides = array<i32>} : memref<128x128xf32, #tpu.memory_space<vmem>>, vector<1x16xf32>,
      %get3A_421 = vector.shape_cast %get3A_420 : vector<1x16xf32> to vector<16xf32>
      %add3A_422 = arith.addf %add3A_318, %get3A_421 : vector<16xf32>
      %mul3A_423 = arith.constant 4 : i32
      %mul3A_424 = arith.muli %scan3A_168, %mul3A_423 : i32
      %add3A_425 = arith.constant 2 : i32
      %add3A_426 = arith.addi %mul3A_424, %add3A_425 : i32
      %get3A_427 = arith.constant 0 : i32
      %get3A_428 = arith.constant 0 : i32
      %get3A_429 = tpu.memref_slice %arg6[%scan3A, %get3A_427, %get3A_428] : memref<4x128x128xf32, #tpu.memory_space<vmem>> -> memref<1x128x128xf32, #tpu.memory_space<vmem>>
      %get3A_430 = tpu.memref_squeeze %get3A_429 : memref<1x128x128xf32, #tpu.memory_space<vmem>> -> memref<128x128xf32, #tpu.memory_space<vmem>>
      %get3A_431 = arith.index_cast %add3A_426 : i32 to index
      %get3A_432 = arith.constant 48 : index
      %get3A_433 = tpu.vector_load %get3A_430[%get3A_431, %get3A_432] {strides = array<i32>} : memref<128x128xf32, #tpu.memory_space<vmem>>, vector<1x16xf32>,
      %get3A_434 = vector.shape_cast %get3A_433 : vector<1x16xf32> to vector<16xf32>
      %add3A_435 = arith.addf %add3A_331, %get3A_434 : vector<16xf32>
      %mul3A_436 = arith.constant 4 : i32
      %mul3A_437 = arith.muli %scan3A_168, %mul3A_436 : i32
      %add3A_438 = arith.constant 2 : i32
      %add3A_439 = arith.addi %mul3A_437, %add3A_438 : i32
      %get3A_440 = arith.constant 0 : i32
      %get3A_441 = arith.constant 0 : i32
      %get3A_442 = tpu.memref_slice %arg6[%scan3A, %get3A_440, %get3A_441] : memref<4x128x128xf32, #tpu.memory_space<vmem>> -> memref<1x128x128xf32, #tpu.memory_space<vmem>>
      %get3A_443 = tpu.memref_squeeze %get3A_442 : memref<1x128x128xf32, #tpu.memory_space<vmem>> -> memref<128x128xf32, #tpu.memory_space<vmem>>
      %get3A_444 = arith.index_cast %add3A_439 : i32 to index
      %get3A_445 = arith.constant 64 : index
      %get3A_446 = tpu.vector_load %get3A_443[%get3A_444, %get3A_445] {strides = array<i32>} : memref<128x128xf32, #tpu.memory_space<vmem>>, vector<1x16xf32>,
      %get3A_447 = vector.shape_cast %get3A_446 : vector<1x16xf32> to vector<16xf32>
      %add3A_448 = arith.addf %add3A_344, %get3A_447 : vector<16xf32>
      %mul3A_449 = arith.constant 4 : i32
      %mul3A_450 = arith.muli %scan3A_168, %mul3A_449 : i32
      %add3A_451 = arith.constant 2 : i32
      %add3A_452 = arith.addi %mul3A_450, %add3A_451 : i32
      %get3A_453 = arith.constant 0 : i32
      %get3A_454 = arith.constant 0 : i32
      %get3A_455 = tpu.memref_slice %arg6[%scan3A, %get3A_453, %get3A_454] : memref<4x128x128xf32, #tpu.memory_space<vmem>> -> memref<1x128x128xf32, #tpu.memory_space<vmem>>
      %get3A_456 = tpu.memref_squeeze %get3A_455 : memref<1x128x128xf32, #tpu.memory_space<vmem>> -> memref<128x128xf32, #tpu.memory_space<vmem>>
      %get3A_457 = arith.index_cast %add3A_452 : i32 to index
      %get3A_458 = arith.constant 80 : index
      %get3A_459 = tpu.vector_load %get3A_456[%get3A_457, %get3A_458] {strides = array<i32>} : memref<128x128xf32, #tpu.memory_space<vmem>>, vector<1x16xf32>,
      %get3A_460 = vector.shape_cast %get3A_459 : vector<1x16xf32> to vector<16xf32>
      %add3A_461 = arith.addf %add3A_357, %get3A_460 : vector<16xf32>
      %mul3A_462 = arith.constant 4 : i32
      %mul3A_463 = arith.muli %scan3A_168, %mul3A_462 : i32
      %add3A_464 = arith.constant 2 : i32
      %add3A_465 = arith.addi %mul3A_463, %add3A_464 : i32
      %get3A_466 = arith.constant 0 : i32
      %get3A_467 = arith.constant 0 : i32
      %get3A_468 = tpu.memref_slice %arg6[%scan3A, %get3A_466, %get3A_467] : memref<4x128x128xf32, #tpu.memory_space<vmem>> -> memref<1x128x128xf32, #tpu.memory_space<vmem>>
      %get3A_469 = tpu.memref_squeeze %get3A_468 : memref<1x128x128xf32, #tpu.memory_space<vmem>> -> memref<128x128xf32, #tpu.memory_space<vmem>>
      %get3A_470 = arith.index_cast %add3A_465 : i32 to index
      %get3A_471 = arith.constant 96 : index
      %get3A_472 = tpu.vector_load %get3A_469[%get3A_470, %get3A_471] {strides = array<i32>} : memref<128x128xf32, #tpu.memory_space<vmem>>, vector<1x16xf32>,
      %get3A_473 = vector.shape_cast %get3A_472 : vector<1x16xf32> to vector<16xf32>
      %add3A_474 = arith.addf %add3A_370, %get3A_473 : vector<16xf32>
      %mul3A_475 = arith.constant 4 : i32
      %mul3A_476 = arith.muli %scan3A_168, %mul3A_475 : i32
      %add3A_477 = arith.constant 2 : i32
      %add3A_478 = arith.addi %mul3A_476, %add3A_477 : i32
      %get3A_479 = arith.constant 0 : i32
      %get3A_480 = arith.constant 0 : i32
      %get3A_481 = tpu.memref_slice %arg6[%scan3A, %get3A_479, %get3A_480] : memref<4x128x128xf32, #tpu.memory_space<vmem>> -> memref<1x128x128xf32, #tpu.memory_space<vmem>>
      %get3A_482 = tpu.memref_squeeze %get3A_481 : memref<1x128x128xf32, #tpu.memory_space<vmem>> -> memref<128x128xf32, #tpu.memory_space<vmem>>
      %get3A_483 = arith.index_cast %add3A_478 : i32 to index
      %get3A_484 = arith.constant 112 : index
      %get3A_485 = tpu.vector_load %get3A_482[%get3A_483, %get3A_484] {strides = array<i32>} : memref<128x128xf32, #tpu.memory_space<vmem>>, vector<1x16xf32>,
      %get3A_486 = vector.shape_cast %get3A_485 : vector<1x16xf32> to vector<16xf32>
      %add3A_487 = arith.addf %add3A_383, %get3A_486 : vector<16xf32>
      %mul3A_488 = arith.constant 4 : i32
      %mul3A_489 = arith.muli %scan3A_168, %mul3A_488 : i32
      %add3A_490 = arith.constant 3 : i32
      %add3A_491 = arith.addi %mul3A_489, %add3A_490 : i32
      %get3A_492 = arith.constant 0 : i32
      %get3A_493 = arith.constant 0 : i32
      %get3A_494 = tpu.memref_slice %arg6[%scan3A, %get3A_492, %get3A_493] : memref<4x128x128xf32, #tpu.memory_space<vmem>> -> memref<1x128x128xf32, #tpu.memory_space<vmem>>
      %get3A_495 = tpu.memref_squeeze %get3A_494 : memref<1x128x128xf32, #tpu.memory_space<vmem>> -> memref<128x128xf32, #tpu.memory_space<vmem>>
      %get3A_496 = arith.index_cast %add3A_491 : i32 to index
      %get3A_497 = arith.constant 0 : index
      %get3A_498 = tpu.vector_load %get3A_495[%get3A_496, %get3A_497] {strides = array<i32>} : memref<128x128xf32, #tpu.memory_space<vmem>>, vector<1x16xf32>,
      %get3A_499 = vector.shape_cast %get3A_498 : vector<1x16xf32> to vector<16xf32>
      %add3A_500 = arith.addf %add3A_396, %get3A_499 : vector<16xf32>
      %mul3A_501 = arith.constant 4 : i32
      %mul3A_502 = arith.muli %scan3A_168, %mul3A_501 : i32
      %add3A_503 = arith.constant 3 : i32
      %add3A_504 = arith.addi %mul3A_502, %add3A_503 : i32
      %get3A_505 = arith.constant 0 : i32
      %get3A_506 = arith.constant 0 : i32
      %get3A_507 = tpu.memref_slice %arg6[%scan3A, %get3A_505, %get3A_506] : memref<4x128x128xf32, #tpu.memory_space<vmem>> -> memref<1x128x128xf32, #tpu.memory_space<vmem>>
      %get3A_508 = tpu.memref_squeeze %get3A_507 : memref<1x128x128xf32, #tpu.memory_space<vmem>> -> memref<128x128xf32, #tpu.memory_space<vmem>>
      %get3A_509 = arith.index_cast %add3A_504 : i32 to index
      %get3A_510 = arith.constant 16 : index
      %get3A_511 = tpu.vector_load %get3A_508[%get3A_509, %get3A_510] {strides = array<i32>} : memref<128x128xf32, #tpu.memory_space<vmem>>, vector<1x16xf32>,
      %get3A_512 = vector.shape_cast %get3A_511 : vector<1x16xf32> to vector<16xf32>
      %add3A_513 = arith.addf %add3A_409, %get3A_512 : vector<16xf32>
      %mul3A_514 = arith.constant 4 : i32
      %mul3A_515 = arith.muli %scan3A_168, %mul3A_514 : i32
      %add3A_516 = arith.constant 3 : i32
      %add3A_517 = arith.addi %mul3A_515, %add3A_516 : i32
      %get3A_518 = arith.constant 0 : i32
      %get3A_519 = arith.constant 0 : i32
      %get3A_520 = tpu.memref_slice %arg6[%scan3A, %get3A_518, %get3A_519] : memref<4x128x128xf32, #tpu.memory_space<vmem>> -> memref<1x128x128xf32, #tpu.memory_space<vmem>>
      %get3A_521 = tpu.memref_squeeze %get3A_520 : memref<1x128x128xf32, #tpu.memory_space<vmem>> -> memref<128x128xf32, #tpu.memory_space<vmem>>
      %get3A_522 = arith.index_cast %add3A_517 : i32 to index
      %get3A_523 = arith.constant 32 : index
      %get3A_524 = tpu.vector_load %get3A_521[%get3A_522, %get3A_523] {strides = array<i32>} : memref<128x128xf32, #tpu.memory_space<vmem>>, vector<1x16xf32>,
      %get3A_525 = vector.shape_cast %get3A_524 : vector<1x16xf32> to vector<16xf32>
      %add3A_526 = arith.addf %add3A_422, %get3A_525 : vector<16xf32>
      %mul3A_527 = arith.constant 4 : i32
      %mul3A_528 = arith.muli %scan3A_168, %mul3A_527 : i32
      %add3A_529 = arith.constant 3 : i32
      %add3A_530 = arith.addi %mul3A_528, %add3A_529 : i32
      %get3A_531 = arith.constant 0 : i32
      %get3A_532 = arith.constant 0 : i32
      %get3A_533 = tpu.memref_slice %arg6[%scan3A, %get3A_531, %get3A_532] : memref<4x128x128xf32, #tpu.memory_space<vmem>> -> memref<1x128x128xf32, #tpu.memory_space<vmem>>
      %get3A_534 = tpu.memref_squeeze %get3A_533 : memref<1x128x128xf32, #tpu.memory_space<vmem>> -> memref<128x128xf32, #tpu.memory_space<vmem>>
      %get3A_535 = arith.index_cast %add3A_530 : i32 to index
      %get3A_536 = arith.constant 48 : index
      %get3A_537 = tpu.vector_load %get3A_534[%get3A_535, %get3A_536] {strides = array<i32>} : memref<128x128xf32, #tpu.memory_space<vmem>>, vector<1x16xf32>,
      %get3A_538 = vector.shape_cast %get3A_537 : vector<1x16xf32> to vector<16xf32>
      %add3A_539 = arith.addf %add3A_435, %get3A_538 : vector<16xf32>
      %mul3A_540 = arith.constant 4 : i32
      %mul3A_541 = arith.muli %scan3A_168, %mul3A_540 : i32
      %add3A_542 = arith.constant 3 : i32
      %add3A_543 = arith.addi %mul3A_541, %add3A_542 : i32
      %get3A_544 = arith.constant 0 : i32
      %get3A_545 = arith.constant 0 : i32
      %get3A_546 = tpu.memref_slice %arg6[%scan3A, %get3A_544, %get3A_545] : memref<4x128x128xf32, #tpu.memory_space<vmem>> -> memref<1x128x128xf32, #tpu.memory_space<vmem>>
      %get3A_547 = tpu.memref_squeeze %get3A_546 : memref<1x128x128xf32, #tpu.memory_space<vmem>> -> memref<128x128xf32, #tpu.memory_space<vmem>>
      %get3A_548 = arith.index_cast %add3A_543 : i32 to index
      %get3A_549 = arith.constant 64 : index
      %get3A_550 = tpu.vector_load %get3A_547[%get3A_548, %get3A_549] {strides = array<i32>} : memref<128x128xf32, #tpu.memory_space<vmem>>, vector<1x16xf32>,
      %get3A_551 = vector.shape_cast %get3A_550 : vector<1x16xf32> to vector<16xf32>
      %add3A_552 = arith.addf %add3A_448, %get3A_551 : vector<16xf32>
      %mul3A_553 = arith.constant 4 : i32
      %mul3A_554 = arith.muli %scan3A_168, %mul3A_553 : i32
      %add3A_555 = arith.constant 3 : i32
      %add3A_556 = arith.addi %mul3A_554, %add3A_555 : i32
      %get3A_557 = arith.constant 0 : i32
      %get3A_558 = arith.constant 0 : i32
      %get3A_559 = tpu.memref_slice %arg6[%scan3A, %get3A_557, %get3A_558] : memref<4x128x128xf32, #tpu.memory_space<vmem>> -> memref<1x128x128xf32, #tpu.memory_space<vmem>>
      %get3A_560 = tpu.memref_squeeze %get3A_559 : memref<1x128x128xf32, #tpu.memory_space<vmem>> -> memref<128x128xf32, #tpu.memory_space<vmem>>
      %get3A_561 = arith.index_cast %add3A_556 : i32 to index
      %get3A_562 = arith.constant 80 : index
      %get3A_563 = tpu.vector_load %get3A_560[%get3A_561, %get3A_562] {strides = array<i32>} : memref<128x128xf32, #tpu.memory_space<vmem>>, vector<1x16xf32>,
      %get3A_564 = vector.shape_cast %get3A_563 : vector<1x16xf32> to vector<16xf32>
      %add3A_565 = arith.addf %add3A_461, %get3A_564 : vector<16xf32>
      %mul3A_566 = arith.constant 4 : i32
      %mul3A_567 = arith.muli %scan3A_168, %mul3A_566 : i32
      %add3A_568 = arith.constant 3 : i32
      %add3A_569 = arith.addi %mul3A_567, %add3A_568 : i32
      %get3A_570 = arith.constant 0 : i32
      %get3A_571 = arith.constant 0 : i32
      %get3A_572 = tpu.memref_slice %arg6[%scan3A, %get3A_570, %get3A_571] : memref<4x128x128xf32, #tpu.memory_space<vmem>> -> memref<1x128x128xf32, #tpu.memory_space<vmem>>
      %get3A_573 = tpu.memref_squeeze %get3A_572 : memref<1x128x128xf32, #tpu.memory_space<vmem>> -> memref<128x128xf32, #tpu.memory_space<vmem>>
      %get3A_574 = arith.index_cast %add3A_569 : i32 to index
      %get3A_575 = arith.constant 96 : index
      %get3A_576 = tpu.vector_load %get3A_573[%get3A_574, %get3A_575] {strides = array<i32>} : memref<128x128xf32, #tpu.memory_space<vmem>>, vector<1x16xf32>,
      %get3A_577 = vector.shape_cast %get3A_576 : vector<1x16xf32> to vector<16xf32>
      %add3A_578 = arith.addf %add3A_474, %get3A_577 : vector<16xf32>
      %mul3A_579 = arith.constant 4 : i32
      %mul3A_580 = arith.muli %scan3A_168, %mul3A_579 : i32
      %add3A_581 = arith.constant 3 : i32
      %add3A_582 = arith.addi %mul3A_580, %add3A_581 : i32
      %get3A_583 = arith.constant 0 : i32
      %get3A_584 = arith.constant 0 : i32
      %get3A_585 = tpu.memref_slice %arg6[%scan3A, %get3A_583, %get3A_584] : memref<4x128x128xf32, #tpu.memory_space<vmem>> -> memref<1x128x128xf32, #tpu.memory_space<vmem>>
      %get3A_586 = tpu.memref_squeeze %get3A_585 : memref<1x128x128xf32, #tpu.memory_space<vmem>> -> memref<128x128xf32, #tpu.memory_space<vmem>>
      %get3A_587 = arith.index_cast %add3A_582 : i32 to index
      %get3A_588 = arith.constant 112 : index
      %get3A_589 = tpu.vector_load %get3A_586[%get3A_587, %get3A_588] {strides = array<i32>} : memref<128x128xf32, #tpu.memory_space<vmem>>, vector<1x16xf32>,
      %get3A_590 = vector.shape_cast %get3A_589 : vector<1x16xf32> to vector<16xf32>
      %add3A_591 = arith.addf %add3A_487, %get3A_590 : vector<16xf32>
      scf.yield %add3A_500, %add3A_513, %add3A_526, %add3A_539, %add3A_552, %add3A_565, %add3A_578, %add3A_591 : vector<16xf32>, vector<16xf32>, vector<16xf32>, vector<16xf32>, vector<16xf32>, vector<16xf32>, vector<16xf32>, vector<16xf32>
    }
    %scan3A_79 = arith.constant 32 : i32
    %dma_wait3A_80 = arith.constant 1 : i32
    %dma_wait3A_81 = arith.constant 1 : i32
    %dma_wait3A_82 = arith.constant 0 : i32
    %dma_wait3A_83 = arith.constant 0 : i32
    %dma_wait3A_84 = tpu.memref_slice %arg6[%dma_wait3A_81, %dma_wait3A_82, %dma_wait3A_83] : memref<4x128x128xf32, #tpu.memory_space<vmem>> -> memref<1x128x128xf32, #tpu.memory_space<vmem>>
    %dma_wait3A_85 = tpu.memref_squeeze %dma_wait3A_84 : memref<1x128x128xf32, #tpu.memory_space<vmem>> -> memref<128x128xf32, #tpu.memory_space<vmem>>
    %dma_wait3A_86 = arith.constant 0 : i32
    %dma_wait3A_87 = tpu.memref_slice %arg5[%dma_wait3A_80, %dma_wait3A_86] : memref<4x128xi32, #tpu.memory_space<vmem>> -> memref<1x128xi32, #tpu.memory_space<vmem>>
    %dma_wait3A_88 = tpu.memref_squeeze %dma_wait3A_87 : memref<1x128xi32, #tpu.memory_space<vmem>> -> memref<128xi32, #tpu.memory_space<vmem>>
    %dma_wait3A_89 = arith.constant 0 : i32
    %dma_wait3A_90 = arith.constant 0 : i32
    %dma_wait3A_91 = tpu.memref_slice %arg3[%dma_wait3A_89, %dma_wait3A_90] : memref<100000x128xf32, #tpu.memory_space<hbm>> -> memref<100000x128xf32, #tpu.memory_space<hbm>>
    tpu.wait_indirect_dma semaphore(%arg9 : memref<!tpu.dma_semaphore, #tpu.memory_space<semaphore_mem>>) src(%dma_wait3A_91 : memref<100000x128xf32, #tpu.memory_space<hbm>>) dst(%dma_wait3A_85 : memref<128x128xf32, #tpu.memory_space<vmem>>)
    %scan3A_92 = arith.constant 1 : i32
    %scan3A_93 = arith.constant 0 : i32
    %scan3A_94 = arith.constant 32 : i32
    %scan3A_95 = arith.addi %scan3A_93, %scan3A_94 : i32
    %scan3A_96 = arith.constant 1 : i32
    %scan3A_97:8 = scf.for %scan3A_168 = %scan3A_93 to %scan3A_95 step %scan3A_96 iter_args(%scan3A_169 = %scan3A_78#0, %scan3A_170 = %scan3A_78#1, %scan3A_171 = %scan3A_78#2, %scan3A_172 = %scan3A_78#3, %scan3A_173 = %scan3A_78#4, %scan3A_174 = %scan3A_78#5, %scan3A_175 = %scan3A_78#6, %scan3A_176 = %scan3A_78#7) -> (vector<16xf32>, vector<16xf32>, vector<16xf32>, vector<16xf32>, vector<16xf32>, vector<16xf32>, vector<16xf32>, vector<16xf32>)  : i32 {
      %mul3A_177 = arith.constant 4 : i32
      %mul3A_178 = arith.muli %scan3A_168, %mul3A_177 : i32
      %add3A_179 = arith.constant 0 : i32
      %add3A_180 = arith.addi %mul3A_178, %add3A_179 : i32
      %get3A = arith.constant 0 : i32
      %get3A_181 = arith.constant 0 : i32
      %get3A_182 = tpu.memref_slice %arg6[%scan3A_92, %get3A, %get3A_181] : memref<4x128x128xf32, #tpu.memory_space<vmem>> -> memref<1x128x128xf32, #tpu.memory_space<vmem>>
      %get3A_183 = tpu.memref_squeeze %get3A_182 : memref<1x128x128xf32, #tpu.memory_space<vmem>> -> memref<128x128xf32, #tpu.memory_space<vmem>>
      %get3A_184 = arith.index_cast %add3A_180 : i32 to index
      %get3A_185 = arith.constant 0 : index
      %get3A_186 = tpu.vector_load %get3A_183[%get3A_184, %get3A_185] {strides = array<i32>} : memref<128x128xf32, #tpu.memory_space<vmem>>, vector<1x16xf32>,
      %get3A_187 = vector.shape_cast %get3A_186 : vector<1x16xf32> to vector<16xf32>
      %add3A_188 = arith.addf %scan3A_169, %get3A_187 : vector<16xf32>
      %mul3A_189 = arith.constant 4 : i32
      %mul3A_190 = arith.muli %scan3A_168, %mul3A_189 : i32
      %add3A_191 = arith.constant 0 : i32
      %add3A_192 = arith.addi %mul3A_190, %add3A_191 : i32
      %get3A_193 = arith.constant 0 : i32
      %get3A_194 = arith.constant 0 : i32
      %get3A_195 = tpu.memref_slice %arg6[%scan3A_92, %get3A_193, %get3A_194] : memref<4x128x128xf32, #tpu.memory_space<vmem>> -> memref<1x128x128xf32, #tpu.memory_space<vmem>>
      %get3A_196 = tpu.memref_squeeze %get3A_195 : memref<1x128x128xf32, #tpu.memory_space<vmem>> -> memref<128x128xf32, #tpu.memory_space<vmem>>
      %get3A_197 = arith.index_cast %add3A_192 : i32 to index
      %get3A_198 = arith.constant 16 : index
      %get3A_199 = tpu.vector_load %get3A_196[%get3A_197, %get3A_198] {strides = array<i32>} : memref<128x128xf32, #tpu.memory_space<vmem>>, vector<1x16xf32>,
      %get3A_200 = vector.shape_cast %get3A_199 : vector<1x16xf32> to vector<16xf32>
      %add3A_201 = arith.addf %scan3A_170, %get3A_200 : vector<16xf32>
      %mul3A_202 = arith.constant 4 : i32
      %mul3A_203 = arith.muli %scan3A_168, %mul3A_202 : i32
      %add3A_204 = arith.constant 0 : i32
      %add3A_205 = arith.addi %mul3A_203, %add3A_204 : i32
      %get3A_206 = arith.constant 0 : i32
      %get3A_207 = arith.constant 0 : i32
      %get3A_208 = tpu.memref_slice %arg6[%scan3A_92, %get3A_206, %get3A_207] : memref<4x128x128xf32, #tpu.memory_space<vmem>> -> memref<1x128x128xf32, #tpu.memory_space<vmem>>
      %get3A_209 = tpu.memref_squeeze %get3A_208 : memref<1x128x128xf32, #tpu.memory_space<vmem>> -> memref<128x128xf32, #tpu.memory_space<vmem>>
      %get3A_210 = arith.index_cast %add3A_205 : i32 to index
      %get3A_211 = arith.constant 32 : index
      %get3A_212 = tpu.vector_load %get3A_209[%get3A_210, %get3A_211] {strides = array<i32>} : memref<128x128xf32, #tpu.memory_space<vmem>>, vector<1x16xf32>,
      %get3A_213 = vector.shape_cast %get3A_212 : vector<1x16xf32> to vector<16xf32>
      %add3A_214 = arith.addf %scan3A_171, %get3A_213 : vector<16xf32>
      %mul3A_215 = arith.constant 4 : i32
      %mul3A_216 = arith.muli %scan3A_168, %mul3A_215 : i32
      %add3A_217 = arith.constant 0 : i32
      %add3A_218 = arith.addi %mul3A_216, %add3A_217 : i32
      %get3A_219 = arith.constant 0 : i32
      %get3A_220 = arith.constant 0 : i32
      %get3A_221 = tpu.memref_slice %arg6[%scan3A_92, %get3A_219, %get3A_220] : memref<4x128x128xf32, #tpu.memory_space<vmem>> -> memref<1x128x128xf32, #tpu.memory_space<vmem>>
      %get3A_222 = tpu.memref_squeeze %get3A_221 : memref<1x128x128xf32, #tpu.memory_space<vmem>> -> memref<128x128xf32, #tpu.memory_space<vmem>>
      %get3A_223 = arith.index_cast %add3A_218 : i32 to index
      %get3A_224 = arith.constant 48 : index
      %get3A_225 = tpu.vector_load %get3A_222[%get3A_223, %get3A_224] {strides = array<i32>} : memref<128x128xf32, #tpu.memory_space<vmem>>, vector<1x16xf32>,
      %get3A_226 = vector.shape_cast %get3A_225 : vector<1x16xf32> to vector<16xf32>
      %add3A_227 = arith.addf %scan3A_172, %get3A_226 : vector<16xf32>
      %mul3A_228 = arith.constant 4 : i32
      %mul3A_229 = arith.muli %scan3A_168, %mul3A_228 : i32
      %add3A_230 = arith.constant 0 : i32
      %add3A_231 = arith.addi %mul3A_229, %add3A_230 : i32
      %get3A_232 = arith.constant 0 : i32
      %get3A_233 = arith.constant 0 : i32
      %get3A_234 = tpu.memref_slice %arg6[%scan3A_92, %get3A_232, %get3A_233] : memref<4x128x128xf32, #tpu.memory_space<vmem>> -> memref<1x128x128xf32, #tpu.memory_space<vmem>>
      %get3A_235 = tpu.memref_squeeze %get3A_234 : memref<1x128x128xf32, #tpu.memory_space<vmem>> -> memref<128x128xf32, #tpu.memory_space<vmem>>
      %get3A_236 = arith.index_cast %add3A_231 : i32 to index
      %get3A_237 = arith.constant 64 : index
      %get3A_238 = tpu.vector_load %get3A_235[%get3A_236, %get3A_237] {strides = array<i32>} : memref<128x128xf32, #tpu.memory_space<vmem>>, vector<1x16xf32>,
      %get3A_239 = vector.shape_cast %get3A_238 : vector<1x16xf32> to vector<16xf32>
      %add3A_240 = arith.addf %scan3A_173, %get3A_239 : vector<16xf32>
      %mul3A_241 = arith.constant 4 : i32
      %mul3A_242 = arith.muli %scan3A_168, %mul3A_241 : i32
      %add3A_243 = arith.constant 0 : i32
      %add3A_244 = arith.addi %mul3A_242, %add3A_243 : i32
      %get3A_245 = arith.constant 0 : i32
      %get3A_246 = arith.constant 0 : i32
      %get3A_247 = tpu.memref_slice %arg6[%scan3A_92, %get3A_245, %get3A_246] : memref<4x128x128xf32, #tpu.memory_space<vmem>> -> memref<1x128x128xf32, #tpu.memory_space<vmem>>
      %get3A_248 = tpu.memref_squeeze %get3A_247 : memref<1x128x128xf32, #tpu.memory_space<vmem>> -> memref<128x128xf32, #tpu.memory_space<vmem>>
      %get3A_249 = arith.index_cast %add3A_244 : i32 to index
      %get3A_250 = arith.constant 80 : index
      %get3A_251 = tpu.vector_load %get3A_248[%get3A_249, %get3A_250] {strides = array<i32>} : memref<128x128xf32, #tpu.memory_space<vmem>>, vector<1x16xf32>,
      %get3A_252 = vector.shape_cast %get3A_251 : vector<1x16xf32> to vector<16xf32>
      %add3A_253 = arith.addf %scan3A_174, %get3A_252 : vector<16xf32>
      %mul3A_254 = arith.constant 4 : i32
      %mul3A_255 = arith.muli %scan3A_168, %mul3A_254 : i32
      %add3A_256 = arith.constant 0 : i32
      %add3A_257 = arith.addi %mul3A_255, %add3A_256 : i32
      %get3A_258 = arith.constant 0 : i32
      %get3A_259 = arith.constant 0 : i32
      %get3A_260 = tpu.memref_slice %arg6[%scan3A_92, %get3A_258, %get3A_259] : memref<4x128x128xf32, #tpu.memory_space<vmem>> -> memref<1x128x128xf32, #tpu.memory_space<vmem>>
      %get3A_261 = tpu.memref_squeeze %get3A_260 : memref<1x128x128xf32, #tpu.memory_space<vmem>> -> memref<128x128xf32, #tpu.memory_space<vmem>>
      %get3A_262 = arith.index_cast %add3A_257 : i32 to index
      %get3A_263 = arith.constant 96 : index
      %get3A_264 = tpu.vector_load %get3A_261[%get3A_262, %get3A_263] {strides = array<i32>} : memref<128x128xf32, #tpu.memory_space<vmem>>, vector<1x16xf32>,
      %get3A_265 = vector.shape_cast %get3A_264 : vector<1x16xf32> to vector<16xf32>
      %add3A_266 = arith.addf %scan3A_175, %get3A_265 : vector<16xf32>
      %mul3A_267 = arith.constant 4 : i32
      %mul3A_268 = arith.muli %scan3A_168, %mul3A_267 : i32
      %add3A_269 = arith.constant 0 : i32
      %add3A_270 = arith.addi %mul3A_268, %add3A_269 : i32
      %get3A_271 = arith.constant 0 : i32
      %get3A_272 = arith.constant 0 : i32
      %get3A_273 = tpu.memref_slice %arg6[%scan3A_92, %get3A_271, %get3A_272] : memref<4x128x128xf32, #tpu.memory_space<vmem>> -> memref<1x128x128xf32, #tpu.memory_space<vmem>>
      %get3A_274 = tpu.memref_squeeze %get3A_273 : memref<1x128x128xf32, #tpu.memory_space<vmem>> -> memref<128x128xf32, #tpu.memory_space<vmem>>
      %get3A_275 = arith.index_cast %add3A_270 : i32 to index
      %get3A_276 = arith.constant 112 : index
      %get3A_277 = tpu.vector_load %get3A_274[%get3A_275, %get3A_276] {strides = array<i32>} : memref<128x128xf32, #tpu.memory_space<vmem>>, vector<1x16xf32>,
      %get3A_278 = vector.shape_cast %get3A_277 : vector<1x16xf32> to vector<16xf32>
      %add3A_279 = arith.addf %scan3A_176, %get3A_278 : vector<16xf32>
      %mul3A_280 = arith.constant 4 : i32
      %mul3A_281 = arith.muli %scan3A_168, %mul3A_280 : i32
      %add3A_282 = arith.constant 1 : i32
      %add3A_283 = arith.addi %mul3A_281, %add3A_282 : i32
      %get3A_284 = arith.constant 0 : i32
      %get3A_285 = arith.constant 0 : i32
      %get3A_286 = tpu.memref_slice %arg6[%scan3A_92, %get3A_284, %get3A_285] : memref<4x128x128xf32, #tpu.memory_space<vmem>> -> memref<1x128x128xf32, #tpu.memory_space<vmem>>
      %get3A_287 = tpu.memref_squeeze %get3A_286 : memref<1x128x128xf32, #tpu.memory_space<vmem>> -> memref<128x128xf32, #tpu.memory_space<vmem>>
      %get3A_288 = arith.index_cast %add3A_283 : i32 to index
      %get3A_289 = arith.constant 0 : index
      %get3A_290 = tpu.vector_load %get3A_287[%get3A_288, %get3A_289] {strides = array<i32>} : memref<128x128xf32, #tpu.memory_space<vmem>>, vector<1x16xf32>,
      %get3A_291 = vector.shape_cast %get3A_290 : vector<1x16xf32> to vector<16xf32>
      %add3A_292 = arith.addf %add3A_188, %get3A_291 : vector<16xf32>
      %mul3A_293 = arith.constant 4 : i32
      %mul3A_294 = arith.muli %scan3A_168, %mul3A_293 : i32
      %add3A_295 = arith.constant 1 : i32
      %add3A_296 = arith.addi %mul3A_294, %add3A_295 : i32
      %get3A_297 = arith.constant 0 : i32
      %get3A_298 = arith.constant 0 : i32
      %get3A_299 = tpu.memref_slice %arg6[%scan3A_92, %get3A_297, %get3A_298] : memref<4x128x128xf32, #tpu.memory_space<vmem>> -> memref<1x128x128xf32, #tpu.memory_space<vmem>>
      %get3A_300 = tpu.memref_squeeze %get3A_299 : memref<1x128x128xf32, #tpu.memory_space<vmem>> -> memref<128x128xf32, #tpu.memory_space<vmem>>
      %get3A_301 = arith.index_cast %add3A_296 : i32 to index
      %get3A_302 = arith.constant 16 : index
      %get3A_303 = tpu.vector_load %get3A_300[%get3A_301, %get3A_302] {strides = array<i32>} : memref<128x128xf32, #tpu.memory_space<vmem>>, vector<1x16xf32>,
      %get3A_304 = vector.shape_cast %get3A_303 : vector<1x16xf32> to vector<16xf32>
      %add3A_305 = arith.addf %add3A_201, %get3A_304 : vector<16xf32>
      %mul3A_306 = arith.constant 4 : i32
      %mul3A_307 = arith.muli %scan3A_168, %mul3A_306 : i32
      %add3A_308 = arith.constant 1 : i32
      %add3A_309 = arith.addi %mul3A_307, %add3A_308 : i32
      %get3A_310 = arith.constant 0 : i32
      %get3A_311 = arith.constant 0 : i32
      %get3A_312 = tpu.memref_slice %arg6[%scan3A_92, %get3A_310, %get3A_311] : memref<4x128x128xf32, #tpu.memory_space<vmem>> -> memref<1x128x128xf32, #tpu.memory_space<vmem>>
      %get3A_313 = tpu.memref_squeeze %get3A_312 : memref<1x128x128xf32, #tpu.memory_space<vmem>> -> memref<128x128xf32, #tpu.memory_space<vmem>>
      %get3A_314 = arith.index_cast %add3A_309 : i32 to index
      %get3A_315 = arith.constant 32 : index
      %get3A_316 = tpu.vector_load %get3A_313[%get3A_314, %get3A_315] {strides = array<i32>} : memref<128x128xf32, #tpu.memory_space<vmem>>, vector<1x16xf32>,
      %get3A_317 = vector.shape_cast %get3A_316 : vector<1x16xf32> to vector<16xf32>
      %add3A_318 = arith.addf %add3A_214, %get3A_317 : vector<16xf32>
      %mul3A_319 = arith.constant 4 : i32
      %mul3A_320 = arith.muli %scan3A_168, %mul3A_319 : i32
      %add3A_321 = arith.constant 1 : i32
      %add3A_322 = arith.addi %mul3A_320, %add3A_321 : i32
      %get3A_323 = arith.constant 0 : i32
      %get3A_324 = arith.constant 0 : i32
      %get3A_325 = tpu.memref_slice %arg6[%scan3A_92, %get3A_323, %get3A_324] : memref<4x128x128xf32, #tpu.memory_space<vmem>> -> memref<1x128x128xf32, #tpu.memory_space<vmem>>
      %get3A_326 = tpu.memref_squeeze %get3A_325 : memref<1x128x128xf32, #tpu.memory_space<vmem>> -> memref<128x128xf32, #tpu.memory_space<vmem>>
      %get3A_327 = arith.index_cast %add3A_322 : i32 to index
      %get3A_328 = arith.constant 48 : index
      %get3A_329 = tpu.vector_load %get3A_326[%get3A_327, %get3A_328] {strides = array<i32>} : memref<128x128xf32, #tpu.memory_space<vmem>>, vector<1x16xf32>,
      %get3A_330 = vector.shape_cast %get3A_329 : vector<1x16xf32> to vector<16xf32>
      %add3A_331 = arith.addf %add3A_227, %get3A_330 : vector<16xf32>
      %mul3A_332 = arith.constant 4 : i32
      %mul3A_333 = arith.muli %scan3A_168, %mul3A_332 : i32
      %add3A_334 = arith.constant 1 : i32
      %add3A_335 = arith.addi %mul3A_333, %add3A_334 : i32
      %get3A_336 = arith.constant 0 : i32
      %get3A_337 = arith.constant 0 : i32
      %get3A_338 = tpu.memref_slice %arg6[%scan3A_92, %get3A_336, %get3A_337] : memref<4x128x128xf32, #tpu.memory_space<vmem>> -> memref<1x128x128xf32, #tpu.memory_space<vmem>>
      %get3A_339 = tpu.memref_squeeze %get3A_338 : memref<1x128x128xf32, #tpu.memory_space<vmem>> -> memref<128x128xf32, #tpu.memory_space<vmem>>
      %get3A_340 = arith.index_cast %add3A_335 : i32 to index
      %get3A_341 = arith.constant 64 : index
      %get3A_342 = tpu.vector_load %get3A_339[%get3A_340, %get3A_341] {strides = array<i32>} : memref<128x128xf32, #tpu.memory_space<vmem>>, vector<1x16xf32>,
      %get3A_343 = vector.shape_cast %get3A_342 : vector<1x16xf32> to vector<16xf32>
      %add3A_344 = arith.addf %add3A_240, %get3A_343 : vector<16xf32>
      %mul3A_345 = arith.constant 4 : i32
      %mul3A_346 = arith.muli %scan3A_168, %mul3A_345 : i32
      %add3A_347 = arith.constant 1 : i32
      %add3A_348 = arith.addi %mul3A_346, %add3A_347 : i32
      %get3A_349 = arith.constant 0 : i32
      %get3A_350 = arith.constant 0 : i32
      %get3A_351 = tpu.memref_slice %arg6[%scan3A_92, %get3A_349, %get3A_350] : memref<4x128x128xf32, #tpu.memory_space<vmem>> -> memref<1x128x128xf32, #tpu.memory_space<vmem>>
      %get3A_352 = tpu.memref_squeeze %get3A_351 : memref<1x128x128xf32, #tpu.memory_space<vmem>> -> memref<128x128xf32, #tpu.memory_space<vmem>>
      %get3A_353 = arith.index_cast %add3A_348 : i32 to index
      %get3A_354 = arith.constant 80 : index
      %get3A_355 = tpu.vector_load %get3A_352[%get3A_353, %get3A_354] {strides = array<i32>} : memref<128x128xf32, #tpu.memory_space<vmem>>, vector<1x16xf32>,
      %get3A_356 = vector.shape_cast %get3A_355 : vector<1x16xf32> to vector<16xf32>
      %add3A_357 = arith.addf %add3A_253, %get3A_356 : vector<16xf32>
      %mul3A_358 = arith.constant 4 : i32
      %mul3A_359 = arith.muli %scan3A_168, %mul3A_358 : i32
      %add3A_360 = arith.constant 1 : i32
      %add3A_361 = arith.addi %mul3A_359, %add3A_360 : i32
      %get3A_362 = arith.constant 0 : i32
      %get3A_363 = arith.constant 0 : i32
      %get3A_364 = tpu.memref_slice %arg6[%scan3A_92, %get3A_362, %get3A_363] : memref<4x128x128xf32, #tpu.memory_space<vmem>> -> memref<1x128x128xf32, #tpu.memory_space<vmem>>
      %get3A_365 = tpu.memref_squeeze %get3A_364 : memref<1x128x128xf32, #tpu.memory_space<vmem>> -> memref<128x128xf32, #tpu.memory_space<vmem>>
      %get3A_366 = arith.index_cast %add3A_361 : i32 to index
      %get3A_367 = arith.constant 96 : index
      %get3A_368 = tpu.vector_load %get3A_365[%get3A_366, %get3A_367] {strides = array<i32>} : memref<128x128xf32, #tpu.memory_space<vmem>>, vector<1x16xf32>,
      %get3A_369 = vector.shape_cast %get3A_368 : vector<1x16xf32> to vector<16xf32>
      %add3A_370 = arith.addf %add3A_266, %get3A_369 : vector<16xf32>
      %mul3A_371 = arith.constant 4 : i32
      %mul3A_372 = arith.muli %scan3A_168, %mul3A_371 : i32
      %add3A_373 = arith.constant 1 : i32
      %add3A_374 = arith.addi %mul3A_372, %add3A_373 : i32
      %get3A_375 = arith.constant 0 : i32
      %get3A_376 = arith.constant 0 : i32
      %get3A_377 = tpu.memref_slice %arg6[%scan3A_92, %get3A_375, %get3A_376] : memref<4x128x128xf32, #tpu.memory_space<vmem>> -> memref<1x128x128xf32, #tpu.memory_space<vmem>>
      %get3A_378 = tpu.memref_squeeze %get3A_377 : memref<1x128x128xf32, #tpu.memory_space<vmem>> -> memref<128x128xf32, #tpu.memory_space<vmem>>
      %get3A_379 = arith.index_cast %add3A_374 : i32 to index
      %get3A_380 = arith.constant 112 : index
      %get3A_381 = tpu.vector_load %get3A_378[%get3A_379, %get3A_380] {strides = array<i32>} : memref<128x128xf32, #tpu.memory_space<vmem>>, vector<1x16xf32>,
      %get3A_382 = vector.shape_cast %get3A_381 : vector<1x16xf32> to vector<16xf32>
      %add3A_383 = arith.addf %add3A_279, %get3A_382 : vector<16xf32>
      %mul3A_384 = arith.constant 4 : i32
      %mul3A_385 = arith.muli %scan3A_168, %mul3A_384 : i32
      %add3A_386 = arith.constant 2 : i32
      %add3A_387 = arith.addi %mul3A_385, %add3A_386 : i32
      %get3A_388 = arith.constant 0 : i32
      %get3A_389 = arith.constant 0 : i32
      %get3A_390 = tpu.memref_slice %arg6[%scan3A_92, %get3A_388, %get3A_389] : memref<4x128x128xf32, #tpu.memory_space<vmem>> -> memref<1x128x128xf32, #tpu.memory_space<vmem>>
      %get3A_391 = tpu.memref_squeeze %get3A_390 : memref<1x128x128xf32, #tpu.memory_space<vmem>> -> memref<128x128xf32, #tpu.memory_space<vmem>>
      %get3A_392 = arith.index_cast %add3A_387 : i32 to index
      %get3A_393 = arith.constant 0 : index
      %get3A_394 = tpu.vector_load %get3A_391[%get3A_392, %get3A_393] {strides = array<i32>} : memref<128x128xf32, #tpu.memory_space<vmem>>, vector<1x16xf32>,
      %get3A_395 = vector.shape_cast %get3A_394 : vector<1x16xf32> to vector<16xf32>
      %add3A_396 = arith.addf %add3A_292, %get3A_395 : vector<16xf32>
      %mul3A_397 = arith.constant 4 : i32
      %mul3A_398 = arith.muli %scan3A_168, %mul3A_397 : i32
      %add3A_399 = arith.constant 2 : i32
      %add3A_400 = arith.addi %mul3A_398, %add3A_399 : i32
      %get3A_401 = arith.constant 0 : i32
      %get3A_402 = arith.constant 0 : i32
      %get3A_403 = tpu.memref_slice %arg6[%scan3A_92, %get3A_401, %get3A_402] : memref<4x128x128xf32, #tpu.memory_space<vmem>> -> memref<1x128x128xf32, #tpu.memory_space<vmem>>
      %get3A_404 = tpu.memref_squeeze %get3A_403 : memref<1x128x128xf32, #tpu.memory_space<vmem>> -> memref<128x128xf32, #tpu.memory_space<vmem>>
      %get3A_405 = arith.index_cast %add3A_400 : i32 to index
      %get3A_406 = arith.constant 16 : index
      %get3A_407 = tpu.vector_load %get3A_404[%get3A_405, %get3A_406] {strides = array<i32>} : memref<128x128xf32, #tpu.memory_space<vmem>>, vector<1x16xf32>,
      %get3A_408 = vector.shape_cast %get3A_407 : vector<1x16xf32> to vector<16xf32>
      %add3A_409 = arith.addf %add3A_305, %get3A_408 : vector<16xf32>
      %mul3A_410 = arith.constant 4 : i32
      %mul3A_411 = arith.muli %scan3A_168, %mul3A_410 : i32
      %add3A_412 = arith.constant 2 : i32
      %add3A_413 = arith.addi %mul3A_411, %add3A_412 : i32
      %get3A_414 = arith.constant 0 : i32
      %get3A_415 = arith.constant 0 : i32
      %get3A_416 = tpu.memref_slice %arg6[%scan3A_92, %get3A_414, %get3A_415] : memref<4x128x128xf32, #tpu.memory_space<vmem>> -> memref<1x128x128xf32, #tpu.memory_space<vmem>>
      %get3A_417 = tpu.memref_squeeze %get3A_416 : memref<1x128x128xf32, #tpu.memory_space<vmem>> -> memref<128x128xf32, #tpu.memory_space<vmem>>
      %get3A_418 = arith.index_cast %add3A_413 : i32 to index
      %get3A_419 = arith.constant 32 : index
      %get3A_420 = tpu.vector_load %get3A_417[%get3A_418, %get3A_419] {strides = array<i32>} : memref<128x128xf32, #tpu.memory_space<vmem>>, vector<1x16xf32>,
      %get3A_421 = vector.shape_cast %get3A_420 : vector<1x16xf32> to vector<16xf32>
      %add3A_422 = arith.addf %add3A_318, %get3A_421 : vector<16xf32>
      %mul3A_423 = arith.constant 4 : i32
      %mul3A_424 = arith.muli %scan3A_168, %mul3A_423 : i32
      %add3A_425 = arith.constant 2 : i32
      %add3A_426 = arith.addi %mul3A_424, %add3A_425 : i32
      %get3A_427 = arith.constant 0 : i32
      %get3A_428 = arith.constant 0 : i32
      %get3A_429 = tpu.memref_slice %arg6[%scan3A_92, %get3A_427, %get3A_428] : memref<4x128x128xf32, #tpu.memory_space<vmem>> -> memref<1x128x128xf32, #tpu.memory_space<vmem>>
      %get3A_430 = tpu.memref_squeeze %get3A_429 : memref<1x128x128xf32, #tpu.memory_space<vmem>> -> memref<128x128xf32, #tpu.memory_space<vmem>>
      %get3A_431 = arith.index_cast %add3A_426 : i32 to index
      %get3A_432 = arith.constant 48 : index
      %get3A_433 = tpu.vector_load %get3A_430[%get3A_431, %get3A_432] {strides = array<i32>} : memref<128x128xf32, #tpu.memory_space<vmem>>, vector<1x16xf32>,
      %get3A_434 = vector.shape_cast %get3A_433 : vector<1x16xf32> to vector<16xf32>
      %add3A_435 = arith.addf %add3A_331, %get3A_434 : vector<16xf32>
      %mul3A_436 = arith.constant 4 : i32
      %mul3A_437 = arith.muli %scan3A_168, %mul3A_436 : i32
      %add3A_438 = arith.constant 2 : i32
      %add3A_439 = arith.addi %mul3A_437, %add3A_438 : i32
      %get3A_440 = arith.constant 0 : i32
      %get3A_441 = arith.constant 0 : i32
      %get3A_442 = tpu.memref_slice %arg6[%scan3A_92, %get3A_440, %get3A_441] : memref<4x128x128xf32, #tpu.memory_space<vmem>> -> memref<1x128x128xf32, #tpu.memory_space<vmem>>
      %get3A_443 = tpu.memref_squeeze %get3A_442 : memref<1x128x128xf32, #tpu.memory_space<vmem>> -> memref<128x128xf32, #tpu.memory_space<vmem>>
      %get3A_444 = arith.index_cast %add3A_439 : i32 to index
      %get3A_445 = arith.constant 64 : index
      %get3A_446 = tpu.vector_load %get3A_443[%get3A_444, %get3A_445] {strides = array<i32>} : memref<128x128xf32, #tpu.memory_space<vmem>>, vector<1x16xf32>,
      %get3A_447 = vector.shape_cast %get3A_446 : vector<1x16xf32> to vector<16xf32>
      %add3A_448 = arith.addf %add3A_344, %get3A_447 : vector<16xf32>
      %mul3A_449 = arith.constant 4 : i32
      %mul3A_450 = arith.muli %scan3A_168, %mul3A_449 : i32
      %add3A_451 = arith.constant 2 : i32
      %add3A_452 = arith.addi %mul3A_450, %add3A_451 : i32
      %get3A_453 = arith.constant 0 : i32
      %get3A_454 = arith.constant 0 : i32
      %get3A_455 = tpu.memref_slice %arg6[%scan3A_92, %get3A_453, %get3A_454] : memref<4x128x128xf32, #tpu.memory_space<vmem>> -> memref<1x128x128xf32, #tpu.memory_space<vmem>>
      %get3A_456 = tpu.memref_squeeze %get3A_455 : memref<1x128x128xf32, #tpu.memory_space<vmem>> -> memref<128x128xf32, #tpu.memory_space<vmem>>
      %get3A_457 = arith.index_cast %add3A_452 : i32 to index
      %get3A_458 = arith.constant 80 : index
      %get3A_459 = tpu.vector_load %get3A_456[%get3A_457, %get3A_458] {strides = array<i32>} : memref<128x128xf32, #tpu.memory_space<vmem>>, vector<1x16xf32>,
      %get3A_460 = vector.shape_cast %get3A_459 : vector<1x16xf32> to vector<16xf32>
      %add3A_461 = arith.addf %add3A_357, %get3A_460 : vector<16xf32>
      %mul3A_462 = arith.constant 4 : i32
      %mul3A_463 = arith.muli %scan3A_168, %mul3A_462 : i32
      %add3A_464 = arith.constant 2 : i32
      %add3A_465 = arith.addi %mul3A_463, %add3A_464 : i32
      %get3A_466 = arith.constant 0 : i32
      %get3A_467 = arith.constant 0 : i32
      %get3A_468 = tpu.memref_slice %arg6[%scan3A_92, %get3A_466, %get3A_467] : memref<4x128x128xf32, #tpu.memory_space<vmem>> -> memref<1x128x128xf32, #tpu.memory_space<vmem>>
      %get3A_469 = tpu.memref_squeeze %get3A_468 : memref<1x128x128xf32, #tpu.memory_space<vmem>> -> memref<128x128xf32, #tpu.memory_space<vmem>>
      %get3A_470 = arith.index_cast %add3A_465 : i32 to index
      %get3A_471 = arith.constant 96 : index
      %get3A_472 = tpu.vector_load %get3A_469[%get3A_470, %get3A_471] {strides = array<i32>} : memref<128x128xf32, #tpu.memory_space<vmem>>, vector<1x16xf32>,
      %get3A_473 = vector.shape_cast %get3A_472 : vector<1x16xf32> to vector<16xf32>
      %add3A_474 = arith.addf %add3A_370, %get3A_473 : vector<16xf32>
      %mul3A_475 = arith.constant 4 : i32
      %mul3A_476 = arith.muli %scan3A_168, %mul3A_475 : i32
      %add3A_477 = arith.constant 2 : i32
      %add3A_478 = arith.addi %mul3A_476, %add3A_477 : i32
      %get3A_479 = arith.constant 0 : i32
      %get3A_480 = arith.constant 0 : i32
      %get3A_481 = tpu.memref_slice %arg6[%scan3A_92, %get3A_479, %get3A_480] : memref<4x128x128xf32, #tpu.memory_space<vmem>> -> memref<1x128x128xf32, #tpu.memory_space<vmem>>
      %get3A_482 = tpu.memref_squeeze %get3A_481 : memref<1x128x128xf32, #tpu.memory_space<vmem>> -> memref<128x128xf32, #tpu.memory_space<vmem>>
      %get3A_483 = arith.index_cast %add3A_478 : i32 to index
      %get3A_484 = arith.constant 112 : index
      %get3A_485 = tpu.vector_load %get3A_482[%get3A_483, %get3A_484] {strides = array<i32>} : memref<128x128xf32, #tpu.memory_space<vmem>>, vector<1x16xf32>,
      %get3A_486 = vector.shape_cast %get3A_485 : vector<1x16xf32> to vector<16xf32>
      %add3A_487 = arith.addf %add3A_383, %get3A_486 : vector<16xf32>
      %mul3A_488 = arith.constant 4 : i32
      %mul3A_489 = arith.muli %scan3A_168, %mul3A_488 : i32
      %add3A_490 = arith.constant 3 : i32
      %add3A_491 = arith.addi %mul3A_489, %add3A_490 : i32
      %get3A_492 = arith.constant 0 : i32
      %get3A_493 = arith.constant 0 : i32
      %get3A_494 = tpu.memref_slice %arg6[%scan3A_92, %get3A_492, %get3A_493] : memref<4x128x128xf32, #tpu.memory_space<vmem>> -> memref<1x128x128xf32, #tpu.memory_space<vmem>>
      %get3A_495 = tpu.memref_squeeze %get3A_494 : memref<1x128x128xf32, #tpu.memory_space<vmem>> -> memref<128x128xf32, #tpu.memory_space<vmem>>
      %get3A_496 = arith.index_cast %add3A_491 : i32 to index
      %get3A_497 = arith.constant 0 : index
      %get3A_498 = tpu.vector_load %get3A_495[%get3A_496, %get3A_497] {strides = array<i32>} : memref<128x128xf32, #tpu.memory_space<vmem>>, vector<1x16xf32>,
      %get3A_499 = vector.shape_cast %get3A_498 : vector<1x16xf32> to vector<16xf32>
      %add3A_500 = arith.addf %add3A_396, %get3A_499 : vector<16xf32>
      %mul3A_501 = arith.constant 4 : i32
      %mul3A_502 = arith.muli %scan3A_168, %mul3A_501 : i32
      %add3A_503 = arith.constant 3 : i32
      %add3A_504 = arith.addi %mul3A_502, %add3A_503 : i32
      %get3A_505 = arith.constant 0 : i32
      %get3A_506 = arith.constant 0 : i32
      %get3A_507 = tpu.memref_slice %arg6[%scan3A_92, %get3A_505, %get3A_506] : memref<4x128x128xf32, #tpu.memory_space<vmem>> -> memref<1x128x128xf32, #tpu.memory_space<vmem>>
      %get3A_508 = tpu.memref_squeeze %get3A_507 : memref<1x128x128xf32, #tpu.memory_space<vmem>> -> memref<128x128xf32, #tpu.memory_space<vmem>>
      %get3A_509 = arith.index_cast %add3A_504 : i32 to index
      %get3A_510 = arith.constant 16 : index
      %get3A_511 = tpu.vector_load %get3A_508[%get3A_509, %get3A_510] {strides = array<i32>} : memref<128x128xf32, #tpu.memory_space<vmem>>, vector<1x16xf32>,
      %get3A_512 = vector.shape_cast %get3A_511 : vector<1x16xf32> to vector<16xf32>
      %add3A_513 = arith.addf %add3A_409, %get3A_512 : vector<16xf32>
      %mul3A_514 = arith.constant 4 : i32
      %mul3A_515 = arith.muli %scan3A_168, %mul3A_514 : i32
      %add3A_516 = arith.constant 3 : i32
      %add3A_517 = arith.addi %mul3A_515, %add3A_516 : i32
      %get3A_518 = arith.constant 0 : i32
      %get3A_519 = arith.constant 0 : i32
      %get3A_520 = tpu.memref_slice %arg6[%scan3A_92, %get3A_518, %get3A_519] : memref<4x128x128xf32, #tpu.memory_space<vmem>> -> memref<1x128x128xf32, #tpu.memory_space<vmem>>
      %get3A_521 = tpu.memref_squeeze %get3A_520 : memref<1x128x128xf32, #tpu.memory_space<vmem>> -> memref<128x128xf32, #tpu.memory_space<vmem>>
      %get3A_522 = arith.index_cast %add3A_517 : i32 to index
      %get3A_523 = arith.constant 32 : index
      %get3A_524 = tpu.vector_load %get3A_521[%get3A_522, %get3A_523] {strides = array<i32>} : memref<128x128xf32, #tpu.memory_space<vmem>>, vector<1x16xf32>,
      %get3A_525 = vector.shape_cast %get3A_524 : vector<1x16xf32> to vector<16xf32>
      %add3A_526 = arith.addf %add3A_422, %get3A_525 : vector<16xf32>
      %mul3A_527 = arith.constant 4 : i32
      %mul3A_528 = arith.muli %scan3A_168, %mul3A_527 : i32
      %add3A_529 = arith.constant 3 : i32
      %add3A_530 = arith.addi %mul3A_528, %add3A_529 : i32
      %get3A_531 = arith.constant 0 : i32
      %get3A_532 = arith.constant 0 : i32
      %get3A_533 = tpu.memref_slice %arg6[%scan3A_92, %get3A_531, %get3A_532] : memref<4x128x128xf32, #tpu.memory_space<vmem>> -> memref<1x128x128xf32, #tpu.memory_space<vmem>>
      %get3A_534 = tpu.memref_squeeze %get3A_533 : memref<1x128x128xf32, #tpu.memory_space<vmem>> -> memref<128x128xf32, #tpu.memory_space<vmem>>
      %get3A_535 = arith.index_cast %add3A_530 : i32 to index
      %get3A_536 = arith.constant 48 : index
      %get3A_537 = tpu.vector_load %get3A_534[%get3A_535, %get3A_536] {strides = array<i32>} : memref<128x128xf32, #tpu.memory_space<vmem>>, vector<1x16xf32>,
      %get3A_538 = vector.shape_cast %get3A_537 : vector<1x16xf32> to vector<16xf32>
      %add3A_539 = arith.addf %add3A_435, %get3A_538 : vector<16xf32>
      %mul3A_540 = arith.constant 4 : i32
      %mul3A_541 = arith.muli %scan3A_168, %mul3A_540 : i32
      %add3A_542 = arith.constant 3 : i32
      %add3A_543 = arith.addi %mul3A_541, %add3A_542 : i32
      %get3A_544 = arith.constant 0 : i32
      %get3A_545 = arith.constant 0 : i32
      %get3A_546 = tpu.memref_slice %arg6[%scan3A_92, %get3A_544, %get3A_545] : memref<4x128x128xf32, #tpu.memory_space<vmem>> -> memref<1x128x128xf32, #tpu.memory_space<vmem>>
      %get3A_547 = tpu.memref_squeeze %get3A_546 : memref<1x128x128xf32, #tpu.memory_space<vmem>> -> memref<128x128xf32, #tpu.memory_space<vmem>>
      %get3A_548 = arith.index_cast %add3A_543 : i32 to index
      %get3A_549 = arith.constant 64 : index
      %get3A_550 = tpu.vector_load %get3A_547[%get3A_548, %get3A_549] {strides = array<i32>} : memref<128x128xf32, #tpu.memory_space<vmem>>, vector<1x16xf32>,
      %get3A_551 = vector.shape_cast %get3A_550 : vector<1x16xf32> to vector<16xf32>
      %add3A_552 = arith.addf %add3A_448, %get3A_551 : vector<16xf32>
      %mul3A_553 = arith.constant 4 : i32
      %mul3A_554 = arith.muli %scan3A_168, %mul3A_553 : i32
      %add3A_555 = arith.constant 3 : i32
      %add3A_556 = arith.addi %mul3A_554, %add3A_555 : i32
      %get3A_557 = arith.constant 0 : i32
      %get3A_558 = arith.constant 0 : i32
      %get3A_559 = tpu.memref_slice %arg6[%scan3A_92, %get3A_557, %get3A_558] : memref<4x128x128xf32, #tpu.memory_space<vmem>> -> memref<1x128x128xf32, #tpu.memory_space<vmem>>
      %get3A_560 = tpu.memref_squeeze %get3A_559 : memref<1x128x128xf32, #tpu.memory_space<vmem>> -> memref<128x128xf32, #tpu.memory_space<vmem>>
      %get3A_561 = arith.index_cast %add3A_556 : i32 to index
      %get3A_562 = arith.constant 80 : index
      %get3A_563 = tpu.vector_load %get3A_560[%get3A_561, %get3A_562] {strides = array<i32>} : memref<128x128xf32, #tpu.memory_space<vmem>>, vector<1x16xf32>,
      %get3A_564 = vector.shape_cast %get3A_563 : vector<1x16xf32> to vector<16xf32>
      %add3A_565 = arith.addf %add3A_461, %get3A_564 : vector<16xf32>
      %mul3A_566 = arith.constant 4 : i32
      %mul3A_567 = arith.muli %scan3A_168, %mul3A_566 : i32
      %add3A_568 = arith.constant 3 : i32
      %add3A_569 = arith.addi %mul3A_567, %add3A_568 : i32
      %get3A_570 = arith.constant 0 : i32
      %get3A_571 = arith.constant 0 : i32
      %get3A_572 = tpu.memref_slice %arg6[%scan3A_92, %get3A_570, %get3A_571] : memref<4x128x128xf32, #tpu.memory_space<vmem>> -> memref<1x128x128xf32, #tpu.memory_space<vmem>>
      %get3A_573 = tpu.memref_squeeze %get3A_572 : memref<1x128x128xf32, #tpu.memory_space<vmem>> -> memref<128x128xf32, #tpu.memory_space<vmem>>
      %get3A_574 = arith.index_cast %add3A_569 : i32 to index
      %get3A_575 = arith.constant 96 : index
      %get3A_576 = tpu.vector_load %get3A_573[%get3A_574, %get3A_575] {strides = array<i32>} : memref<128x128xf32, #tpu.memory_space<vmem>>, vector<1x16xf32>,
      %get3A_577 = vector.shape_cast %get3A_576 : vector<1x16xf32> to vector<16xf32>
      %add3A_578 = arith.addf %add3A_474, %get3A_577 : vector<16xf32>
      %mul3A_579 = arith.constant 4 : i32
      %mul3A_580 = arith.muli %scan3A_168, %mul3A_579 : i32
      %add3A_581 = arith.constant 3 : i32
      %add3A_582 = arith.addi %mul3A_580, %add3A_581 : i32
      %get3A_583 = arith.constant 0 : i32
      %get3A_584 = arith.constant 0 : i32
      %get3A_585 = tpu.memref_slice %arg6[%scan3A_92, %get3A_583, %get3A_584] : memref<4x128x128xf32, #tpu.memory_space<vmem>> -> memref<1x128x128xf32, #tpu.memory_space<vmem>>
      %get3A_586 = tpu.memref_squeeze %get3A_585 : memref<1x128x128xf32, #tpu.memory_space<vmem>> -> memref<128x128xf32, #tpu.memory_space<vmem>>
      %get3A_587 = arith.index_cast %add3A_582 : i32 to index
      %get3A_588 = arith.constant 112 : index
      %get3A_589 = tpu.vector_load %get3A_586[%get3A_587, %get3A_588] {strides = array<i32>} : memref<128x128xf32, #tpu.memory_space<vmem>>, vector<1x16xf32>,
      %get3A_590 = vector.shape_cast %get3A_589 : vector<1x16xf32> to vector<16xf32>
      %add3A_591 = arith.addf %add3A_487, %get3A_590 : vector<16xf32>
      scf.yield %add3A_500, %add3A_513, %add3A_526, %add3A_539, %add3A_552, %add3A_565, %add3A_578, %add3A_591 : vector<16xf32>, vector<16xf32>, vector<16xf32>, vector<16xf32>, vector<16xf32>, vector<16xf32>, vector<16xf32>, vector<16xf32>
    }
    %scan3A_98 = arith.constant 32 : i32
    %dma_wait3A_99 = arith.constant 2 : i32
    %dma_wait3A_100 = arith.constant 2 : i32
    %dma_wait3A_101 = arith.constant 0 : i32
    %dma_wait3A_102 = arith.constant 0 : i32
    %dma_wait3A_103 = tpu.memref_slice %arg6[%dma_wait3A_100, %dma_wait3A_101, %dma_wait3A_102] : memref<4x128x128xf32, #tpu.memory_space<vmem>> -> memref<1x128x128xf32, #tpu.memory_space<vmem>>
    %dma_wait3A_104 = tpu.memref_squeeze %dma_wait3A_103 : memref<1x128x128xf32, #tpu.memory_space<vmem>> -> memref<128x128xf32, #tpu.memory_space<vmem>>
    %dma_wait3A_105 = arith.constant 0 : i32
    %dma_wait3A_106 = tpu.memref_slice %arg5[%dma_wait3A_99, %dma_wait3A_105] : memref<4x128xi32, #tpu.memory_space<vmem>> -> memref<1x128xi32, #tpu.memory_space<vmem>>
    %dma_wait3A_107 = tpu.memref_squeeze %dma_wait3A_106 : memref<1x128xi32, #tpu.memory_space<vmem>> -> memref<128xi32, #tpu.memory_space<vmem>>
    %dma_wait3A_108 = arith.constant 0 : i32
    %dma_wait3A_109 = arith.constant 0 : i32
    %dma_wait3A_110 = tpu.memref_slice %arg3[%dma_wait3A_108, %dma_wait3A_109] : memref<100000x128xf32, #tpu.memory_space<hbm>> -> memref<100000x128xf32, #tpu.memory_space<hbm>>
    tpu.wait_indirect_dma semaphore(%arg10 : memref<!tpu.dma_semaphore, #tpu.memory_space<semaphore_mem>>) src(%dma_wait3A_110 : memref<100000x128xf32, #tpu.memory_space<hbm>>) dst(%dma_wait3A_104 : memref<128x128xf32, #tpu.memory_space<vmem>>)
    %scan3A_111 = arith.constant 2 : i32
    %scan3A_112 = arith.constant 0 : i32
    %scan3A_113 = arith.constant 32 : i32
    %scan3A_114 = arith.addi %scan3A_112, %scan3A_113 : i32
    %scan3A_115 = arith.constant 1 : i32
    %scan3A_116:8 = scf.for %scan3A_168 = %scan3A_112 to %scan3A_114 step %scan3A_115 iter_args(%scan3A_169 = %scan3A_97#0, %scan3A_170 = %scan3A_97#1, %scan3A_171 = %scan3A_97#2, %scan3A_172 = %scan3A_97#3, %scan3A_173 = %scan3A_97#4, %scan3A_174 = %scan3A_97#5, %scan3A_175 = %scan3A_97#6, %scan3A_176 = %scan3A_97#7) -> (vector<16xf32>, vector<16xf32>, vector<16xf32>, vector<16xf32>, vector<16xf32>, vector<16xf32>, vector<16xf32>, vector<16xf32>)  : i32 {
      %mul3A_177 = arith.constant 4 : i32
      %mul3A_178 = arith.muli %scan3A_168, %mul3A_177 : i32
      %add3A_179 = arith.constant 0 : i32
      %add3A_180 = arith.addi %mul3A_178, %add3A_179 : i32
      %get3A = arith.constant 0 : i32
      %get3A_181 = arith.constant 0 : i32
      %get3A_182 = tpu.memref_slice %arg6[%scan3A_111, %get3A, %get3A_181] : memref<4x128x128xf32, #tpu.memory_space<vmem>> -> memref<1x128x128xf32, #tpu.memory_space<vmem>>
      %get3A_183 = tpu.memref_squeeze %get3A_182 : memref<1x128x128xf32, #tpu.memory_space<vmem>> -> memref<128x128xf32, #tpu.memory_space<vmem>>
      %get3A_184 = arith.index_cast %add3A_180 : i32 to index
      %get3A_185 = arith.constant 0 : index
      %get3A_186 = tpu.vector_load %get3A_183[%get3A_184, %get3A_185] {strides = array<i32>} : memref<128x128xf32, #tpu.memory_space<vmem>>, vector<1x16xf32>,
      %get3A_187 = vector.shape_cast %get3A_186 : vector<1x16xf32> to vector<16xf32>
      %add3A_188 = arith.addf %scan3A_169, %get3A_187 : vector<16xf32>
      %mul3A_189 = arith.constant 4 : i32
      %mul3A_190 = arith.muli %scan3A_168, %mul3A_189 : i32
      %add3A_191 = arith.constant 0 : i32
      %add3A_192 = arith.addi %mul3A_190, %add3A_191 : i32
      %get3A_193 = arith.constant 0 : i32
      %get3A_194 = arith.constant 0 : i32
      %get3A_195 = tpu.memref_slice %arg6[%scan3A_111, %get3A_193, %get3A_194] : memref<4x128x128xf32, #tpu.memory_space<vmem>> -> memref<1x128x128xf32, #tpu.memory_space<vmem>>
      %get3A_196 = tpu.memref_squeeze %get3A_195 : memref<1x128x128xf32, #tpu.memory_space<vmem>> -> memref<128x128xf32, #tpu.memory_space<vmem>>
      %get3A_197 = arith.index_cast %add3A_192 : i32 to index
      %get3A_198 = arith.constant 16 : index
      %get3A_199 = tpu.vector_load %get3A_196[%get3A_197, %get3A_198] {strides = array<i32>} : memref<128x128xf32, #tpu.memory_space<vmem>>, vector<1x16xf32>,
      %get3A_200 = vector.shape_cast %get3A_199 : vector<1x16xf32> to vector<16xf32>
      %add3A_201 = arith.addf %scan3A_170, %get3A_200 : vector<16xf32>
      %mul3A_202 = arith.constant 4 : i32
      %mul3A_203 = arith.muli %scan3A_168, %mul3A_202 : i32
      %add3A_204 = arith.constant 0 : i32
      %add3A_205 = arith.addi %mul3A_203, %add3A_204 : i32
      %get3A_206 = arith.constant 0 : i32
      %get3A_207 = arith.constant 0 : i32
      %get3A_208 = tpu.memref_slice %arg6[%scan3A_111, %get3A_206, %get3A_207] : memref<4x128x128xf32, #tpu.memory_space<vmem>> -> memref<1x128x128xf32, #tpu.memory_space<vmem>>
      %get3A_209 = tpu.memref_squeeze %get3A_208 : memref<1x128x128xf32, #tpu.memory_space<vmem>> -> memref<128x128xf32, #tpu.memory_space<vmem>>
      %get3A_210 = arith.index_cast %add3A_205 : i32 to index
      %get3A_211 = arith.constant 32 : index
      %get3A_212 = tpu.vector_load %get3A_209[%get3A_210, %get3A_211] {strides = array<i32>} : memref<128x128xf32, #tpu.memory_space<vmem>>, vector<1x16xf32>,
      %get3A_213 = vector.shape_cast %get3A_212 : vector<1x16xf32> to vector<16xf32>
      %add3A_214 = arith.addf %scan3A_171, %get3A_213 : vector<16xf32>
      %mul3A_215 = arith.constant 4 : i32
      %mul3A_216 = arith.muli %scan3A_168, %mul3A_215 : i32
      %add3A_217 = arith.constant 0 : i32
      %add3A_218 = arith.addi %mul3A_216, %add3A_217 : i32
      %get3A_219 = arith.constant 0 : i32
      %get3A_220 = arith.constant 0 : i32
      %get3A_221 = tpu.memref_slice %arg6[%scan3A_111, %get3A_219, %get3A_220] : memref<4x128x128xf32, #tpu.memory_space<vmem>> -> memref<1x128x128xf32, #tpu.memory_space<vmem>>
      %get3A_222 = tpu.memref_squeeze %get3A_221 : memref<1x128x128xf32, #tpu.memory_space<vmem>> -> memref<128x128xf32, #tpu.memory_space<vmem>>
      %get3A_223 = arith.index_cast %add3A_218 : i32 to index
      %get3A_224 = arith.constant 48 : index
      %get3A_225 = tpu.vector_load %get3A_222[%get3A_223, %get3A_224] {strides = array<i32>} : memref<128x128xf32, #tpu.memory_space<vmem>>, vector<1x16xf32>,
      %get3A_226 = vector.shape_cast %get3A_225 : vector<1x16xf32> to vector<16xf32>
      %add3A_227 = arith.addf %scan3A_172, %get3A_226 : vector<16xf32>
      %mul3A_228 = arith.constant 4 : i32
      %mul3A_229 = arith.muli %scan3A_168, %mul3A_228 : i32
      %add3A_230 = arith.constant 0 : i32
      %add3A_231 = arith.addi %mul3A_229, %add3A_230 : i32
      %get3A_232 = arith.constant 0 : i32
      %get3A_233 = arith.constant 0 : i32
      %get3A_234 = tpu.memref_slice %arg6[%scan3A_111, %get3A_232, %get3A_233] : memref<4x128x128xf32, #tpu.memory_space<vmem>> -> memref<1x128x128xf32, #tpu.memory_space<vmem>>
      %get3A_235 = tpu.memref_squeeze %get3A_234 : memref<1x128x128xf32, #tpu.memory_space<vmem>> -> memref<128x128xf32, #tpu.memory_space<vmem>>
      %get3A_236 = arith.index_cast %add3A_231 : i32 to index
      %get3A_237 = arith.constant 64 : index
      %get3A_238 = tpu.vector_load %get3A_235[%get3A_236, %get3A_237] {strides = array<i32>} : memref<128x128xf32, #tpu.memory_space<vmem>>, vector<1x16xf32>,
      %get3A_239 = vector.shape_cast %get3A_238 : vector<1x16xf32> to vector<16xf32>
      %add3A_240 = arith.addf %scan3A_173, %get3A_239 : vector<16xf32>
      %mul3A_241 = arith.constant 4 : i32
      %mul3A_242 = arith.muli %scan3A_168, %mul3A_241 : i32
      %add3A_243 = arith.constant 0 : i32
      %add3A_244 = arith.addi %mul3A_242, %add3A_243 : i32
      %get3A_245 = arith.constant 0 : i32
      %get3A_246 = arith.constant 0 : i32
      %get3A_247 = tpu.memref_slice %arg6[%scan3A_111, %get3A_245, %get3A_246] : memref<4x128x128xf32, #tpu.memory_space<vmem>> -> memref<1x128x128xf32, #tpu.memory_space<vmem>>
      %get3A_248 = tpu.memref_squeeze %get3A_247 : memref<1x128x128xf32, #tpu.memory_space<vmem>> -> memref<128x128xf32, #tpu.memory_space<vmem>>
      %get3A_249 = arith.index_cast %add3A_244 : i32 to index
      %get3A_250 = arith.constant 80 : index
      %get3A_251 = tpu.vector_load %get3A_248[%get3A_249, %get3A_250] {strides = array<i32>} : memref<128x128xf32, #tpu.memory_space<vmem>>, vector<1x16xf32>,
      %get3A_252 = vector.shape_cast %get3A_251 : vector<1x16xf32> to vector<16xf32>
      %add3A_253 = arith.addf %scan3A_174, %get3A_252 : vector<16xf32>
      %mul3A_254 = arith.constant 4 : i32
      %mul3A_255 = arith.muli %scan3A_168, %mul3A_254 : i32
      %add3A_256 = arith.constant 0 : i32
      %add3A_257 = arith.addi %mul3A_255, %add3A_256 : i32
      %get3A_258 = arith.constant 0 : i32
      %get3A_259 = arith.constant 0 : i32
      %get3A_260 = tpu.memref_slice %arg6[%scan3A_111, %get3A_258, %get3A_259] : memref<4x128x128xf32, #tpu.memory_space<vmem>> -> memref<1x128x128xf32, #tpu.memory_space<vmem>>
      %get3A_261 = tpu.memref_squeeze %get3A_260 : memref<1x128x128xf32, #tpu.memory_space<vmem>> -> memref<128x128xf32, #tpu.memory_space<vmem>>
      %get3A_262 = arith.index_cast %add3A_257 : i32 to index
      %get3A_263 = arith.constant 96 : index
      %get3A_264 = tpu.vector_load %get3A_261[%get3A_262, %get3A_263] {strides = array<i32>} : memref<128x128xf32, #tpu.memory_space<vmem>>, vector<1x16xf32>,
      %get3A_265 = vector.shape_cast %get3A_264 : vector<1x16xf32> to vector<16xf32>
      %add3A_266 = arith.addf %scan3A_175, %get3A_265 : vector<16xf32>
      %mul3A_267 = arith.constant 4 : i32
      %mul3A_268 = arith.muli %scan3A_168, %mul3A_267 : i32
      %add3A_269 = arith.constant 0 : i32
      %add3A_270 = arith.addi %mul3A_268, %add3A_269 : i32
      %get3A_271 = arith.constant 0 : i32
      %get3A_272 = arith.constant 0 : i32
      %get3A_273 = tpu.memref_slice %arg6[%scan3A_111, %get3A_271, %get3A_272] : memref<4x128x128xf32, #tpu.memory_space<vmem>> -> memref<1x128x128xf32, #tpu.memory_space<vmem>>
      %get3A_274 = tpu.memref_squeeze %get3A_273 : memref<1x128x128xf32, #tpu.memory_space<vmem>> -> memref<128x128xf32, #tpu.memory_space<vmem>>
      %get3A_275 = arith.index_cast %add3A_270 : i32 to index
      %get3A_276 = arith.constant 112 : index
      %get3A_277 = tpu.vector_load %get3A_274[%get3A_275, %get3A_276] {strides = array<i32>} : memref<128x128xf32, #tpu.memory_space<vmem>>, vector<1x16xf32>,
      %get3A_278 = vector.shape_cast %get3A_277 : vector<1x16xf32> to vector<16xf32>
      %add3A_279 = arith.addf %scan3A_176, %get3A_278 : vector<16xf32>
      %mul3A_280 = arith.constant 4 : i32
      %mul3A_281 = arith.muli %scan3A_168, %mul3A_280 : i32
      %add3A_282 = arith.constant 1 : i32
      %add3A_283 = arith.addi %mul3A_281, %add3A_282 : i32
      %get3A_284 = arith.constant 0 : i32
      %get3A_285 = arith.constant 0 : i32
      %get3A_286 = tpu.memref_slice %arg6[%scan3A_111, %get3A_284, %get3A_285] : memref<4x128x128xf32, #tpu.memory_space<vmem>> -> memref<1x128x128xf32, #tpu.memory_space<vmem>>
      %get3A_287 = tpu.memref_squeeze %get3A_286 : memref<1x128x128xf32, #tpu.memory_space<vmem>> -> memref<128x128xf32, #tpu.memory_space<vmem>>
      %get3A_288 = arith.index_cast %add3A_283 : i32 to index
      %get3A_289 = arith.constant 0 : index
      %get3A_290 = tpu.vector_load %get3A_287[%get3A_288, %get3A_289] {strides = array<i32>} : memref<128x128xf32, #tpu.memory_space<vmem>>, vector<1x16xf32>,
      %get3A_291 = vector.shape_cast %get3A_290 : vector<1x16xf32> to vector<16xf32>
      %add3A_292 = arith.addf %add3A_188, %get3A_291 : vector<16xf32>
      %mul3A_293 = arith.constant 4 : i32
      %mul3A_294 = arith.muli %scan3A_168, %mul3A_293 : i32
      %add3A_295 = arith.constant 1 : i32
      %add3A_296 = arith.addi %mul3A_294, %add3A_295 : i32
      %get3A_297 = arith.constant 0 : i32
      %get3A_298 = arith.constant 0 : i32
      %get3A_299 = tpu.memref_slice %arg6[%scan3A_111, %get3A_297, %get3A_298] : memref<4x128x128xf32, #tpu.memory_space<vmem>> -> memref<1x128x128xf32, #tpu.memory_space<vmem>>
      %get3A_300 = tpu.memref_squeeze %get3A_299 : memref<1x128x128xf32, #tpu.memory_space<vmem>> -> memref<128x128xf32, #tpu.memory_space<vmem>>
      %get3A_301 = arith.index_cast %add3A_296 : i32 to index
      %get3A_302 = arith.constant 16 : index
      %get3A_303 = tpu.vector_load %get3A_300[%get3A_301, %get3A_302] {strides = array<i32>} : memref<128x128xf32, #tpu.memory_space<vmem>>, vector<1x16xf32>,
      %get3A_304 = vector.shape_cast %get3A_303 : vector<1x16xf32> to vector<16xf32>
      %add3A_305 = arith.addf %add3A_201, %get3A_304 : vector<16xf32>
      %mul3A_306 = arith.constant 4 : i32
      %mul3A_307 = arith.muli %scan3A_168, %mul3A_306 : i32
      %add3A_308 = arith.constant 1 : i32
      %add3A_309 = arith.addi %mul3A_307, %add3A_308 : i32
      %get3A_310 = arith.constant 0 : i32
      %get3A_311 = arith.constant 0 : i32
      %get3A_312 = tpu.memref_slice %arg6[%scan3A_111, %get3A_310, %get3A_311] : memref<4x128x128xf32, #tpu.memory_space<vmem>> -> memref<1x128x128xf32, #tpu.memory_space<vmem>>
      %get3A_313 = tpu.memref_squeeze %get3A_312 : memref<1x128x128xf32, #tpu.memory_space<vmem>> -> memref<128x128xf32, #tpu.memory_space<vmem>>
      %get3A_314 = arith.index_cast %add3A_309 : i32 to index
      %get3A_315 = arith.constant 32 : index
      %get3A_316 = tpu.vector_load %get3A_313[%get3A_314, %get3A_315] {strides = array<i32>} : memref<128x128xf32, #tpu.memory_space<vmem>>, vector<1x16xf32>,
      %get3A_317 = vector.shape_cast %get3A_316 : vector<1x16xf32> to vector<16xf32>
      %add3A_318 = arith.addf %add3A_214, %get3A_317 : vector<16xf32>
      %mul3A_319 = arith.constant 4 : i32
      %mul3A_320 = arith.muli %scan3A_168, %mul3A_319 : i32
      %add3A_321 = arith.constant 1 : i32
      %add3A_322 = arith.addi %mul3A_320, %add3A_321 : i32
      %get3A_323 = arith.constant 0 : i32
      %get3A_324 = arith.constant 0 : i32
      %get3A_325 = tpu.memref_slice %arg6[%scan3A_111, %get3A_323, %get3A_324] : memref<4x128x128xf32, #tpu.memory_space<vmem>> -> memref<1x128x128xf32, #tpu.memory_space<vmem>>
      %get3A_326 = tpu.memref_squeeze %get3A_325 : memref<1x128x128xf32, #tpu.memory_space<vmem>> -> memref<128x128xf32, #tpu.memory_space<vmem>>
      %get3A_327 = arith.index_cast %add3A_322 : i32 to index
      %get3A_328 = arith.constant 48 : index
      %get3A_329 = tpu.vector_load %get3A_326[%get3A_327, %get3A_328] {strides = array<i32>} : memref<128x128xf32, #tpu.memory_space<vmem>>, vector<1x16xf32>,
      %get3A_330 = vector.shape_cast %get3A_329 : vector<1x16xf32> to vector<16xf32>
      %add3A_331 = arith.addf %add3A_227, %get3A_330 : vector<16xf32>
      %mul3A_332 = arith.constant 4 : i32
      %mul3A_333 = arith.muli %scan3A_168, %mul3A_332 : i32
      %add3A_334 = arith.constant 1 : i32
      %add3A_335 = arith.addi %mul3A_333, %add3A_334 : i32
      %get3A_336 = arith.constant 0 : i32
      %get3A_337 = arith.constant 0 : i32
      %get3A_338 = tpu.memref_slice %arg6[%scan3A_111, %get3A_336, %get3A_337] : memref<4x128x128xf32, #tpu.memory_space<vmem>> -> memref<1x128x128xf32, #tpu.memory_space<vmem>>
      %get3A_339 = tpu.memref_squeeze %get3A_338 : memref<1x128x128xf32, #tpu.memory_space<vmem>> -> memref<128x128xf32, #tpu.memory_space<vmem>>
      %get3A_340 = arith.index_cast %add3A_335 : i32 to index
      %get3A_341 = arith.constant 64 : index
      %get3A_342 = tpu.vector_load %get3A_339[%get3A_340, %get3A_341] {strides = array<i32>} : memref<128x128xf32, #tpu.memory_space<vmem>>, vector<1x16xf32>,
      %get3A_343 = vector.shape_cast %get3A_342 : vector<1x16xf32> to vector<16xf32>
      %add3A_344 = arith.addf %add3A_240, %get3A_343 : vector<16xf32>
      %mul3A_345 = arith.constant 4 : i32
      %mul3A_346 = arith.muli %scan3A_168, %mul3A_345 : i32
      %add3A_347 = arith.constant 1 : i32
      %add3A_348 = arith.addi %mul3A_346, %add3A_347 : i32
      %get3A_349 = arith.constant 0 : i32
      %get3A_350 = arith.constant 0 : i32
      %get3A_351 = tpu.memref_slice %arg6[%scan3A_111, %get3A_349, %get3A_350] : memref<4x128x128xf32, #tpu.memory_space<vmem>> -> memref<1x128x128xf32, #tpu.memory_space<vmem>>
      %get3A_352 = tpu.memref_squeeze %get3A_351 : memref<1x128x128xf32, #tpu.memory_space<vmem>> -> memref<128x128xf32, #tpu.memory_space<vmem>>
      %get3A_353 = arith.index_cast %add3A_348 : i32 to index
      %get3A_354 = arith.constant 80 : index
      %get3A_355 = tpu.vector_load %get3A_352[%get3A_353, %get3A_354] {strides = array<i32>} : memref<128x128xf32, #tpu.memory_space<vmem>>, vector<1x16xf32>,
      %get3A_356 = vector.shape_cast %get3A_355 : vector<1x16xf32> to vector<16xf32>
      %add3A_357 = arith.addf %add3A_253, %get3A_356 : vector<16xf32>
      %mul3A_358 = arith.constant 4 : i32
      %mul3A_359 = arith.muli %scan3A_168, %mul3A_358 : i32
      %add3A_360 = arith.constant 1 : i32
      %add3A_361 = arith.addi %mul3A_359, %add3A_360 : i32
      %get3A_362 = arith.constant 0 : i32
      %get3A_363 = arith.constant 0 : i32
      %get3A_364 = tpu.memref_slice %arg6[%scan3A_111, %get3A_362, %get3A_363] : memref<4x128x128xf32, #tpu.memory_space<vmem>> -> memref<1x128x128xf32, #tpu.memory_space<vmem>>
      %get3A_365 = tpu.memref_squeeze %get3A_364 : memref<1x128x128xf32, #tpu.memory_space<vmem>> -> memref<128x128xf32, #tpu.memory_space<vmem>>
      %get3A_366 = arith.index_cast %add3A_361 : i32 to index
      %get3A_367 = arith.constant 96 : index
      %get3A_368 = tpu.vector_load %get3A_365[%get3A_366, %get3A_367] {strides = array<i32>} : memref<128x128xf32, #tpu.memory_space<vmem>>, vector<1x16xf32>,
      %get3A_369 = vector.shape_cast %get3A_368 : vector<1x16xf32> to vector<16xf32>
      %add3A_370 = arith.addf %add3A_266, %get3A_369 : vector<16xf32>
      %mul3A_371 = arith.constant 4 : i32
      %mul3A_372 = arith.muli %scan3A_168, %mul3A_371 : i32
      %add3A_373 = arith.constant 1 : i32
      %add3A_374 = arith.addi %mul3A_372, %add3A_373 : i32
      %get3A_375 = arith.constant 0 : i32
      %get3A_376 = arith.constant 0 : i32
      %get3A_377 = tpu.memref_slice %arg6[%scan3A_111, %get3A_375, %get3A_376] : memref<4x128x128xf32, #tpu.memory_space<vmem>> -> memref<1x128x128xf32, #tpu.memory_space<vmem>>
      %get3A_378 = tpu.memref_squeeze %get3A_377 : memref<1x128x128xf32, #tpu.memory_space<vmem>> -> memref<128x128xf32, #tpu.memory_space<vmem>>
      %get3A_379 = arith.index_cast %add3A_374 : i32 to index
      %get3A_380 = arith.constant 112 : index
      %get3A_381 = tpu.vector_load %get3A_378[%get3A_379, %get3A_380] {strides = array<i32>} : memref<128x128xf32, #tpu.memory_space<vmem>>, vector<1x16xf32>,
      %get3A_382 = vector.shape_cast %get3A_381 : vector<1x16xf32> to vector<16xf32>
      %add3A_383 = arith.addf %add3A_279, %get3A_382 : vector<16xf32>
      %mul3A_384 = arith.constant 4 : i32
      %mul3A_385 = arith.muli %scan3A_168, %mul3A_384 : i32
      %add3A_386 = arith.constant 2 : i32
      %add3A_387 = arith.addi %mul3A_385, %add3A_386 : i32
      %get3A_388 = arith.constant 0 : i32
      %get3A_389 = arith.constant 0 : i32
      %get3A_390 = tpu.memref_slice %arg6[%scan3A_111, %get3A_388, %get3A_389] : memref<4x128x128xf32, #tpu.memory_space<vmem>> -> memref<1x128x128xf32, #tpu.memory_space<vmem>>
      %get3A_391 = tpu.memref_squeeze %get3A_390 : memref<1x128x128xf32, #tpu.memory_space<vmem>> -> memref<128x128xf32, #tpu.memory_space<vmem>>
      %get3A_392 = arith.index_cast %add3A_387 : i32 to index
      %get3A_393 = arith.constant 0 : index
      %get3A_394 = tpu.vector_load %get3A_391[%get3A_392, %get3A_393] {strides = array<i32>} : memref<128x128xf32, #tpu.memory_space<vmem>>, vector<1x16xf32>,
      %get3A_395 = vector.shape_cast %get3A_394 : vector<1x16xf32> to vector<16xf32>
      %add3A_396 = arith.addf %add3A_292, %get3A_395 : vector<16xf32>
      %mul3A_397 = arith.constant 4 : i32
      %mul3A_398 = arith.muli %scan3A_168, %mul3A_397 : i32
      %add3A_399 = arith.constant 2 : i32
      %add3A_400 = arith.addi %mul3A_398, %add3A_399 : i32
      %get3A_401 = arith.constant 0 : i32
      %get3A_402 = arith.constant 0 : i32
      %get3A_403 = tpu.memref_slice %arg6[%scan3A_111, %get3A_401, %get3A_402] : memref<4x128x128xf32, #tpu.memory_space<vmem>> -> memref<1x128x128xf32, #tpu.memory_space<vmem>>
      %get3A_404 = tpu.memref_squeeze %get3A_403 : memref<1x128x128xf32, #tpu.memory_space<vmem>> -> memref<128x128xf32, #tpu.memory_space<vmem>>
      %get3A_405 = arith.index_cast %add3A_400 : i32 to index
      %get3A_406 = arith.constant 16 : index
      %get3A_407 = tpu.vector_load %get3A_404[%get3A_405, %get3A_406] {strides = array<i32>} : memref<128x128xf32, #tpu.memory_space<vmem>>, vector<1x16xf32>,
      %get3A_408 = vector.shape_cast %get3A_407 : vector<1x16xf32> to vector<16xf32>
      %add3A_409 = arith.addf %add3A_305, %get3A_408 : vector<16xf32>
      %mul3A_410 = arith.constant 4 : i32
      %mul3A_411 = arith.muli %scan3A_168, %mul3A_410 : i32
      %add3A_412 = arith.constant 2 : i32
      %add3A_413 = arith.addi %mul3A_411, %add3A_412 : i32
      %get3A_414 = arith.constant 0 : i32
      %get3A_415 = arith.constant 0 : i32
      %get3A_416 = tpu.memref_slice %arg6[%scan3A_111, %get3A_414, %get3A_415] : memref<4x128x128xf32, #tpu.memory_space<vmem>> -> memref<1x128x128xf32, #tpu.memory_space<vmem>>
      %get3A_417 = tpu.memref_squeeze %get3A_416 : memref<1x128x128xf32, #tpu.memory_space<vmem>> -> memref<128x128xf32, #tpu.memory_space<vmem>>
      %get3A_418 = arith.index_cast %add3A_413 : i32 to index
      %get3A_419 = arith.constant 32 : index
      %get3A_420 = tpu.vector_load %get3A_417[%get3A_418, %get3A_419] {strides = array<i32>} : memref<128x128xf32, #tpu.memory_space<vmem>>, vector<1x16xf32>,
      %get3A_421 = vector.shape_cast %get3A_420 : vector<1x16xf32> to vector<16xf32>
      %add3A_422 = arith.addf %add3A_318, %get3A_421 : vector<16xf32>
      %mul3A_423 = arith.constant 4 : i32
      %mul3A_424 = arith.muli %scan3A_168, %mul3A_423 : i32
      %add3A_425 = arith.constant 2 : i32
      %add3A_426 = arith.addi %mul3A_424, %add3A_425 : i32
      %get3A_427 = arith.constant 0 : i32
      %get3A_428 = arith.constant 0 : i32
      %get3A_429 = tpu.memref_slice %arg6[%scan3A_111, %get3A_427, %get3A_428] : memref<4x128x128xf32, #tpu.memory_space<vmem>> -> memref<1x128x128xf32, #tpu.memory_space<vmem>>
      %get3A_430 = tpu.memref_squeeze %get3A_429 : memref<1x128x128xf32, #tpu.memory_space<vmem>> -> memref<128x128xf32, #tpu.memory_space<vmem>>
      %get3A_431 = arith.index_cast %add3A_426 : i32 to index
      %get3A_432 = arith.constant 48 : index
      %get3A_433 = tpu.vector_load %get3A_430[%get3A_431, %get3A_432] {strides = array<i32>} : memref<128x128xf32, #tpu.memory_space<vmem>>, vector<1x16xf32>,
      %get3A_434 = vector.shape_cast %get3A_433 : vector<1x16xf32> to vector<16xf32>
      %add3A_435 = arith.addf %add3A_331, %get3A_434 : vector<16xf32>
      %mul3A_436 = arith.constant 4 : i32
      %mul3A_437 = arith.muli %scan3A_168, %mul3A_436 : i32
      %add3A_438 = arith.constant 2 : i32
      %add3A_439 = arith.addi %mul3A_437, %add3A_438 : i32
      %get3A_440 = arith.constant 0 : i32
      %get3A_441 = arith.constant 0 : i32
      %get3A_442 = tpu.memref_slice %arg6[%scan3A_111, %get3A_440, %get3A_441] : memref<4x128x128xf32, #tpu.memory_space<vmem>> -> memref<1x128x128xf32, #tpu.memory_space<vmem>>
      %get3A_443 = tpu.memref_squeeze %get3A_442 : memref<1x128x128xf32, #tpu.memory_space<vmem>> -> memref<128x128xf32, #tpu.memory_space<vmem>>
      %get3A_444 = arith.index_cast %add3A_439 : i32 to index
      %get3A_445 = arith.constant 64 : index
      %get3A_446 = tpu.vector_load %get3A_443[%get3A_444, %get3A_445] {strides = array<i32>} : memref<128x128xf32, #tpu.memory_space<vmem>>, vector<1x16xf32>,
      %get3A_447 = vector.shape_cast %get3A_446 : vector<1x16xf32> to vector<16xf32>
      %add3A_448 = arith.addf %add3A_344, %get3A_447 : vector<16xf32>
      %mul3A_449 = arith.constant 4 : i32
      %mul3A_450 = arith.muli %scan3A_168, %mul3A_449 : i32
      %add3A_451 = arith.constant 2 : i32
      %add3A_452 = arith.addi %mul3A_450, %add3A_451 : i32
      %get3A_453 = arith.constant 0 : i32
      %get3A_454 = arith.constant 0 : i32
      %get3A_455 = tpu.memref_slice %arg6[%scan3A_111, %get3A_453, %get3A_454] : memref<4x128x128xf32, #tpu.memory_space<vmem>> -> memref<1x128x128xf32, #tpu.memory_space<vmem>>
      %get3A_456 = tpu.memref_squeeze %get3A_455 : memref<1x128x128xf32, #tpu.memory_space<vmem>> -> memref<128x128xf32, #tpu.memory_space<vmem>>
      %get3A_457 = arith.index_cast %add3A_452 : i32 to index
      %get3A_458 = arith.constant 80 : index
      %get3A_459 = tpu.vector_load %get3A_456[%get3A_457, %get3A_458] {strides = array<i32>} : memref<128x128xf32, #tpu.memory_space<vmem>>, vector<1x16xf32>,
      %get3A_460 = vector.shape_cast %get3A_459 : vector<1x16xf32> to vector<16xf32>
      %add3A_461 = arith.addf %add3A_357, %get3A_460 : vector<16xf32>
      %mul3A_462 = arith.constant 4 : i32
      %mul3A_463 = arith.muli %scan3A_168, %mul3A_462 : i32
      %add3A_464 = arith.constant 2 : i32
      %add3A_465 = arith.addi %mul3A_463, %add3A_464 : i32
      %get3A_466 = arith.constant 0 : i32
      %get3A_467 = arith.constant 0 : i32
      %get3A_468 = tpu.memref_slice %arg6[%scan3A_111, %get3A_466, %get3A_467] : memref<4x128x128xf32, #tpu.memory_space<vmem>> -> memref<1x128x128xf32, #tpu.memory_space<vmem>>
      %get3A_469 = tpu.memref_squeeze %get3A_468 : memref<1x128x128xf32, #tpu.memory_space<vmem>> -> memref<128x128xf32, #tpu.memory_space<vmem>>
      %get3A_470 = arith.index_cast %add3A_465 : i32 to index
      %get3A_471 = arith.constant 96 : index
      %get3A_472 = tpu.vector_load %get3A_469[%get3A_470, %get3A_471] {strides = array<i32>} : memref<128x128xf32, #tpu.memory_space<vmem>>, vector<1x16xf32>,
      %get3A_473 = vector.shape_cast %get3A_472 : vector<1x16xf32> to vector<16xf32>
      %add3A_474 = arith.addf %add3A_370, %get3A_473 : vector<16xf32>
      %mul3A_475 = arith.constant 4 : i32
      %mul3A_476 = arith.muli %scan3A_168, %mul3A_475 : i32
      %add3A_477 = arith.constant 2 : i32
      %add3A_478 = arith.addi %mul3A_476, %add3A_477 : i32
      %get3A_479 = arith.constant 0 : i32
      %get3A_480 = arith.constant 0 : i32
      %get3A_481 = tpu.memref_slice %arg6[%scan3A_111, %get3A_479, %get3A_480] : memref<4x128x128xf32, #tpu.memory_space<vmem>> -> memref<1x128x128xf32, #tpu.memory_space<vmem>>
      %get3A_482 = tpu.memref_squeeze %get3A_481 : memref<1x128x128xf32, #tpu.memory_space<vmem>> -> memref<128x128xf32, #tpu.memory_space<vmem>>
      %get3A_483 = arith.index_cast %add3A_478 : i32 to index
      %get3A_484 = arith.constant 112 : index
      %get3A_485 = tpu.vector_load %get3A_482[%get3A_483, %get3A_484] {strides = array<i32>} : memref<128x128xf32, #tpu.memory_space<vmem>>, vector<1x16xf32>,
      %get3A_486 = vector.shape_cast %get3A_485 : vector<1x16xf32> to vector<16xf32>
      %add3A_487 = arith.addf %add3A_383, %get3A_486 : vector<16xf32>
      %mul3A_488 = arith.constant 4 : i32
      %mul3A_489 = arith.muli %scan3A_168, %mul3A_488 : i32
      %add3A_490 = arith.constant 3 : i32
      %add3A_491 = arith.addi %mul3A_489, %add3A_490 : i32
      %get3A_492 = arith.constant 0 : i32
      %get3A_493 = arith.constant 0 : i32
      %get3A_494 = tpu.memref_slice %arg6[%scan3A_111, %get3A_492, %get3A_493] : memref<4x128x128xf32, #tpu.memory_space<vmem>> -> memref<1x128x128xf32, #tpu.memory_space<vmem>>
      %get3A_495 = tpu.memref_squeeze %get3A_494 : memref<1x128x128xf32, #tpu.memory_space<vmem>> -> memref<128x128xf32, #tpu.memory_space<vmem>>
      %get3A_496 = arith.index_cast %add3A_491 : i32 to index
      %get3A_497 = arith.constant 0 : index
      %get3A_498 = tpu.vector_load %get3A_495[%get3A_496, %get3A_497] {strides = array<i32>} : memref<128x128xf32, #tpu.memory_space<vmem>>, vector<1x16xf32>,
      %get3A_499 = vector.shape_cast %get3A_498 : vector<1x16xf32> to vector<16xf32>
      %add3A_500 = arith.addf %add3A_396, %get3A_499 : vector<16xf32>
      %mul3A_501 = arith.constant 4 : i32
      %mul3A_502 = arith.muli %scan3A_168, %mul3A_501 : i32
      %add3A_503 = arith.constant 3 : i32
      %add3A_504 = arith.addi %mul3A_502, %add3A_503 : i32
      %get3A_505 = arith.constant 0 : i32
      %get3A_506 = arith.constant 0 : i32
      %get3A_507 = tpu.memref_slice %arg6[%scan3A_111, %get3A_505, %get3A_506] : memref<4x128x128xf32, #tpu.memory_space<vmem>> -> memref<1x128x128xf32, #tpu.memory_space<vmem>>
      %get3A_508 = tpu.memref_squeeze %get3A_507 : memref<1x128x128xf32, #tpu.memory_space<vmem>> -> memref<128x128xf32, #tpu.memory_space<vmem>>
      %get3A_509 = arith.index_cast %add3A_504 : i32 to index
      %get3A_510 = arith.constant 16 : index
      %get3A_511 = tpu.vector_load %get3A_508[%get3A_509, %get3A_510] {strides = array<i32>} : memref<128x128xf32, #tpu.memory_space<vmem>>, vector<1x16xf32>,
      %get3A_512 = vector.shape_cast %get3A_511 : vector<1x16xf32> to vector<16xf32>
      %add3A_513 = arith.addf %add3A_409, %get3A_512 : vector<16xf32>
      %mul3A_514 = arith.constant 4 : i32
      %mul3A_515 = arith.muli %scan3A_168, %mul3A_514 : i32
      %add3A_516 = arith.constant 3 : i32
      %add3A_517 = arith.addi %mul3A_515, %add3A_516 : i32
      %get3A_518 = arith.constant 0 : i32
      %get3A_519 = arith.constant 0 : i32
      %get3A_520 = tpu.memref_slice %arg6[%scan3A_111, %get3A_518, %get3A_519] : memref<4x128x128xf32, #tpu.memory_space<vmem>> -> memref<1x128x128xf32, #tpu.memory_space<vmem>>
      %get3A_521 = tpu.memref_squeeze %get3A_520 : memref<1x128x128xf32, #tpu.memory_space<vmem>> -> memref<128x128xf32, #tpu.memory_space<vmem>>
      %get3A_522 = arith.index_cast %add3A_517 : i32 to index
      %get3A_523 = arith.constant 32 : index
      %get3A_524 = tpu.vector_load %get3A_521[%get3A_522, %get3A_523] {strides = array<i32>} : memref<128x128xf32, #tpu.memory_space<vmem>>, vector<1x16xf32>,
      %get3A_525 = vector.shape_cast %get3A_524 : vector<1x16xf32> to vector<16xf32>
      %add3A_526 = arith.addf %add3A_422, %get3A_525 : vector<16xf32>
      %mul3A_527 = arith.constant 4 : i32
      %mul3A_528 = arith.muli %scan3A_168, %mul3A_527 : i32
      %add3A_529 = arith.constant 3 : i32
      %add3A_530 = arith.addi %mul3A_528, %add3A_529 : i32
      %get3A_531 = arith.constant 0 : i32
      %get3A_532 = arith.constant 0 : i32
      %get3A_533 = tpu.memref_slice %arg6[%scan3A_111, %get3A_531, %get3A_532] : memref<4x128x128xf32, #tpu.memory_space<vmem>> -> memref<1x128x128xf32, #tpu.memory_space<vmem>>
      %get3A_534 = tpu.memref_squeeze %get3A_533 : memref<1x128x128xf32, #tpu.memory_space<vmem>> -> memref<128x128xf32, #tpu.memory_space<vmem>>
      %get3A_535 = arith.index_cast %add3A_530 : i32 to index
      %get3A_536 = arith.constant 48 : index
      %get3A_537 = tpu.vector_load %get3A_534[%get3A_535, %get3A_536] {strides = array<i32>} : memref<128x128xf32, #tpu.memory_space<vmem>>, vector<1x16xf32>,
      %get3A_538 = vector.shape_cast %get3A_537 : vector<1x16xf32> to vector<16xf32>
      %add3A_539 = arith.addf %add3A_435, %get3A_538 : vector<16xf32>
      %mul3A_540 = arith.constant 4 : i32
      %mul3A_541 = arith.muli %scan3A_168, %mul3A_540 : i32
      %add3A_542 = arith.constant 3 : i32
      %add3A_543 = arith.addi %mul3A_541, %add3A_542 : i32
      %get3A_544 = arith.constant 0 : i32
      %get3A_545 = arith.constant 0 : i32
      %get3A_546 = tpu.memref_slice %arg6[%scan3A_111, %get3A_544, %get3A_545] : memref<4x128x128xf32, #tpu.memory_space<vmem>> -> memref<1x128x128xf32, #tpu.memory_space<vmem>>
      %get3A_547 = tpu.memref_squeeze %get3A_546 : memref<1x128x128xf32, #tpu.memory_space<vmem>> -> memref<128x128xf32, #tpu.memory_space<vmem>>
      %get3A_548 = arith.index_cast %add3A_543 : i32 to index
      %get3A_549 = arith.constant 64 : index
      %get3A_550 = tpu.vector_load %get3A_547[%get3A_548, %get3A_549] {strides = array<i32>} : memref<128x128xf32, #tpu.memory_space<vmem>>, vector<1x16xf32>,
      %get3A_551 = vector.shape_cast %get3A_550 : vector<1x16xf32> to vector<16xf32>
      %add3A_552 = arith.addf %add3A_448, %get3A_551 : vector<16xf32>
      %mul3A_553 = arith.constant 4 : i32
      %mul3A_554 = arith.muli %scan3A_168, %mul3A_553 : i32
      %add3A_555 = arith.constant 3 : i32
      %add3A_556 = arith.addi %mul3A_554, %add3A_555 : i32
      %get3A_557 = arith.constant 0 : i32
      %get3A_558 = arith.constant 0 : i32
      %get3A_559 = tpu.memref_slice %arg6[%scan3A_111, %get3A_557, %get3A_558] : memref<4x128x128xf32, #tpu.memory_space<vmem>> -> memref<1x128x128xf32, #tpu.memory_space<vmem>>
      %get3A_560 = tpu.memref_squeeze %get3A_559 : memref<1x128x128xf32, #tpu.memory_space<vmem>> -> memref<128x128xf32, #tpu.memory_space<vmem>>
      %get3A_561 = arith.index_cast %add3A_556 : i32 to index
      %get3A_562 = arith.constant 80 : index
      %get3A_563 = tpu.vector_load %get3A_560[%get3A_561, %get3A_562] {strides = array<i32>} : memref<128x128xf32, #tpu.memory_space<vmem>>, vector<1x16xf32>,
      %get3A_564 = vector.shape_cast %get3A_563 : vector<1x16xf32> to vector<16xf32>
      %add3A_565 = arith.addf %add3A_461, %get3A_564 : vector<16xf32>
      %mul3A_566 = arith.constant 4 : i32
      %mul3A_567 = arith.muli %scan3A_168, %mul3A_566 : i32
      %add3A_568 = arith.constant 3 : i32
      %add3A_569 = arith.addi %mul3A_567, %add3A_568 : i32
      %get3A_570 = arith.constant 0 : i32
      %get3A_571 = arith.constant 0 : i32
      %get3A_572 = tpu.memref_slice %arg6[%scan3A_111, %get3A_570, %get3A_571] : memref<4x128x128xf32, #tpu.memory_space<vmem>> -> memref<1x128x128xf32, #tpu.memory_space<vmem>>
      %get3A_573 = tpu.memref_squeeze %get3A_572 : memref<1x128x128xf32, #tpu.memory_space<vmem>> -> memref<128x128xf32, #tpu.memory_space<vmem>>
      %get3A_574 = arith.index_cast %add3A_569 : i32 to index
      %get3A_575 = arith.constant 96 : index
      %get3A_576 = tpu.vector_load %get3A_573[%get3A_574, %get3A_575] {strides = array<i32>} : memref<128x128xf32, #tpu.memory_space<vmem>>, vector<1x16xf32>,
      %get3A_577 = vector.shape_cast %get3A_576 : vector<1x16xf32> to vector<16xf32>
      %add3A_578 = arith.addf %add3A_474, %get3A_577 : vector<16xf32>
      %mul3A_579 = arith.constant 4 : i32
      %mul3A_580 = arith.muli %scan3A_168, %mul3A_579 : i32
      %add3A_581 = arith.constant 3 : i32
      %add3A_582 = arith.addi %mul3A_580, %add3A_581 : i32
      %get3A_583 = arith.constant 0 : i32
      %get3A_584 = arith.constant 0 : i32
      %get3A_585 = tpu.memref_slice %arg6[%scan3A_111, %get3A_583, %get3A_584] : memref<4x128x128xf32, #tpu.memory_space<vmem>> -> memref<1x128x128xf32, #tpu.memory_space<vmem>>
      %get3A_586 = tpu.memref_squeeze %get3A_585 : memref<1x128x128xf32, #tpu.memory_space<vmem>> -> memref<128x128xf32, #tpu.memory_space<vmem>>
      %get3A_587 = arith.index_cast %add3A_582 : i32 to index
      %get3A_588 = arith.constant 112 : index
      %get3A_589 = tpu.vector_load %get3A_586[%get3A_587, %get3A_588] {strides = array<i32>} : memref<128x128xf32, #tpu.memory_space<vmem>>, vector<1x16xf32>,
      %get3A_590 = vector.shape_cast %get3A_589 : vector<1x16xf32> to vector<16xf32>
      %add3A_591 = arith.addf %add3A_487, %get3A_590 : vector<16xf32>
      scf.yield %add3A_500, %add3A_513, %add3A_526, %add3A_539, %add3A_552, %add3A_565, %add3A_578, %add3A_591 : vector<16xf32>, vector<16xf32>, vector<16xf32>, vector<16xf32>, vector<16xf32>, vector<16xf32>, vector<16xf32>, vector<16xf32>
    }
    %scan3A_117 = arith.constant 32 : i32
    %dma_wait3A_118 = arith.constant 3 : i32
    %dma_wait3A_119 = arith.constant 3 : i32
    %dma_wait3A_120 = arith.constant 0 : i32
    %dma_wait3A_121 = arith.constant 0 : i32
    %dma_wait3A_122 = tpu.memref_slice %arg6[%dma_wait3A_119, %dma_wait3A_120, %dma_wait3A_121] : memref<4x128x128xf32, #tpu.memory_space<vmem>> -> memref<1x128x128xf32, #tpu.memory_space<vmem>>
    %dma_wait3A_123 = tpu.memref_squeeze %dma_wait3A_122 : memref<1x128x128xf32, #tpu.memory_space<vmem>> -> memref<128x128xf32, #tpu.memory_space<vmem>>
    %dma_wait3A_124 = arith.constant 0 : i32
    %dma_wait3A_125 = tpu.memref_slice %arg5[%dma_wait3A_118, %dma_wait3A_124] : memref<4x128xi32, #tpu.memory_space<vmem>> -> memref<1x128xi32, #tpu.memory_space<vmem>>
    %dma_wait3A_126 = tpu.memref_squeeze %dma_wait3A_125 : memref<1x128xi32, #tpu.memory_space<vmem>> -> memref<128xi32, #tpu.memory_space<vmem>>
    %dma_wait3A_127 = arith.constant 0 : i32
    %dma_wait3A_128 = arith.constant 0 : i32
    %dma_wait3A_129 = tpu.memref_slice %arg3[%dma_wait3A_127, %dma_wait3A_128] : memref<100000x128xf32, #tpu.memory_space<hbm>> -> memref<100000x128xf32, #tpu.memory_space<hbm>>
    tpu.wait_indirect_dma semaphore(%arg11 : memref<!tpu.dma_semaphore, #tpu.memory_space<semaphore_mem>>) src(%dma_wait3A_129 : memref<100000x128xf32, #tpu.memory_space<hbm>>) dst(%dma_wait3A_123 : memref<128x128xf32, #tpu.memory_space<vmem>>)
    %scan3A_130 = arith.constant 3 : i32
    %scan3A_131 = arith.constant 0 : i32
    %scan3A_132 = arith.constant 32 : i32
    %scan3A_133 = arith.addi %scan3A_131, %scan3A_132 : i32
    %scan3A_134 = arith.constant 1 : i32
    %scan3A_135:8 = scf.for %scan3A_168 = %scan3A_131 to %scan3A_133 step %scan3A_134 iter_args(%scan3A_169 = %scan3A_116#0, %scan3A_170 = %scan3A_116#1, %scan3A_171 = %scan3A_116#2, %scan3A_172 = %scan3A_116#3, %scan3A_173 = %scan3A_116#4, %scan3A_174 = %scan3A_116#5, %scan3A_175 = %scan3A_116#6, %scan3A_176 = %scan3A_116#7) -> (vector<16xf32>, vector<16xf32>, vector<16xf32>, vector<16xf32>, vector<16xf32>, vector<16xf32>, vector<16xf32>, vector<16xf32>)  : i32 {
      %mul3A_177 = arith.constant 4 : i32
      %mul3A_178 = arith.muli %scan3A_168, %mul3A_177 : i32
      %add3A_179 = arith.constant 0 : i32
      %add3A_180 = arith.addi %mul3A_178, %add3A_179 : i32
      %get3A = arith.constant 0 : i32
      %get3A_181 = arith.constant 0 : i32
      %get3A_182 = tpu.memref_slice %arg6[%scan3A_130, %get3A, %get3A_181] : memref<4x128x128xf32, #tpu.memory_space<vmem>> -> memref<1x128x128xf32, #tpu.memory_space<vmem>>
      %get3A_183 = tpu.memref_squeeze %get3A_182 : memref<1x128x128xf32, #tpu.memory_space<vmem>> -> memref<128x128xf32, #tpu.memory_space<vmem>>
      %get3A_184 = arith.index_cast %add3A_180 : i32 to index
      %get3A_185 = arith.constant 0 : index
      %get3A_186 = tpu.vector_load %get3A_183[%get3A_184, %get3A_185] {strides = array<i32>} : memref<128x128xf32, #tpu.memory_space<vmem>>, vector<1x16xf32>,
      %get3A_187 = vector.shape_cast %get3A_186 : vector<1x16xf32> to vector<16xf32>
      %add3A_188 = arith.addf %scan3A_169, %get3A_187 : vector<16xf32>
      %mul3A_189 = arith.constant 4 : i32
      %mul3A_190 = arith.muli %scan3A_168, %mul3A_189 : i32
      %add3A_191 = arith.constant 0 : i32
      %add3A_192 = arith.addi %mul3A_190, %add3A_191 : i32
      %get3A_193 = arith.constant 0 : i32
      %get3A_194 = arith.constant 0 : i32
      %get3A_195 = tpu.memref_slice %arg6[%scan3A_130, %get3A_193, %get3A_194] : memref<4x128x128xf32, #tpu.memory_space<vmem>> -> memref<1x128x128xf32, #tpu.memory_space<vmem>>
      %get3A_196 = tpu.memref_squeeze %get3A_195 : memref<1x128x128xf32, #tpu.memory_space<vmem>> -> memref<128x128xf32, #tpu.memory_space<vmem>>
      %get3A_197 = arith.index_cast %add3A_192 : i32 to index
      %get3A_198 = arith.constant 16 : index
      %get3A_199 = tpu.vector_load %get3A_196[%get3A_197, %get3A_198] {strides = array<i32>} : memref<128x128xf32, #tpu.memory_space<vmem>>, vector<1x16xf32>,
      %get3A_200 = vector.shape_cast %get3A_199 : vector<1x16xf32> to vector<16xf32>
      %add3A_201 = arith.addf %scan3A_170, %get3A_200 : vector<16xf32>
      %mul3A_202 = arith.constant 4 : i32
      %mul3A_203 = arith.muli %scan3A_168, %mul3A_202 : i32
      %add3A_204 = arith.constant 0 : i32
      %add3A_205 = arith.addi %mul3A_203, %add3A_204 : i32
      %get3A_206 = arith.constant 0 : i32
      %get3A_207 = arith.constant 0 : i32
      %get3A_208 = tpu.memref_slice %arg6[%scan3A_130, %get3A_206, %get3A_207] : memref<4x128x128xf32, #tpu.memory_space<vmem>> -> memref<1x128x128xf32, #tpu.memory_space<vmem>>
      %get3A_209 = tpu.memref_squeeze %get3A_208 : memref<1x128x128xf32, #tpu.memory_space<vmem>> -> memref<128x128xf32, #tpu.memory_space<vmem>>
      %get3A_210 = arith.index_cast %add3A_205 : i32 to index
      %get3A_211 = arith.constant 32 : index
      %get3A_212 = tpu.vector_load %get3A_209[%get3A_210, %get3A_211] {strides = array<i32>} : memref<128x128xf32, #tpu.memory_space<vmem>>, vector<1x16xf32>,
      %get3A_213 = vector.shape_cast %get3A_212 : vector<1x16xf32> to vector<16xf32>
      %add3A_214 = arith.addf %scan3A_171, %get3A_213 : vector<16xf32>
      %mul3A_215 = arith.constant 4 : i32
      %mul3A_216 = arith.muli %scan3A_168, %mul3A_215 : i32
      %add3A_217 = arith.constant 0 : i32
      %add3A_218 = arith.addi %mul3A_216, %add3A_217 : i32
      %get3A_219 = arith.constant 0 : i32
      %get3A_220 = arith.constant 0 : i32
      %get3A_221 = tpu.memref_slice %arg6[%scan3A_130, %get3A_219, %get3A_220] : memref<4x128x128xf32, #tpu.memory_space<vmem>> -> memref<1x128x128xf32, #tpu.memory_space<vmem>>
      %get3A_222 = tpu.memref_squeeze %get3A_221 : memref<1x128x128xf32, #tpu.memory_space<vmem>> -> memref<128x128xf32, #tpu.memory_space<vmem>>
      %get3A_223 = arith.index_cast %add3A_218 : i32 to index
      %get3A_224 = arith.constant 48 : index
      %get3A_225 = tpu.vector_load %get3A_222[%get3A_223, %get3A_224] {strides = array<i32>} : memref<128x128xf32, #tpu.memory_space<vmem>>, vector<1x16xf32>,
      %get3A_226 = vector.shape_cast %get3A_225 : vector<1x16xf32> to vector<16xf32>
      %add3A_227 = arith.addf %scan3A_172, %get3A_226 : vector<16xf32>
      %mul3A_228 = arith.constant 4 : i32
      %mul3A_229 = arith.muli %scan3A_168, %mul3A_228 : i32
      %add3A_230 = arith.constant 0 : i32
      %add3A_231 = arith.addi %mul3A_229, %add3A_230 : i32
      %get3A_232 = arith.constant 0 : i32
      %get3A_233 = arith.constant 0 : i32
      %get3A_234 = tpu.memref_slice %arg6[%scan3A_130, %get3A_232, %get3A_233] : memref<4x128x128xf32, #tpu.memory_space<vmem>> -> memref<1x128x128xf32, #tpu.memory_space<vmem>>
      %get3A_235 = tpu.memref_squeeze %get3A_234 : memref<1x128x128xf32, #tpu.memory_space<vmem>> -> memref<128x128xf32, #tpu.memory_space<vmem>>
      %get3A_236 = arith.index_cast %add3A_231 : i32 to index
      %get3A_237 = arith.constant 64 : index
      %get3A_238 = tpu.vector_load %get3A_235[%get3A_236, %get3A_237] {strides = array<i32>} : memref<128x128xf32, #tpu.memory_space<vmem>>, vector<1x16xf32>,
      %get3A_239 = vector.shape_cast %get3A_238 : vector<1x16xf32> to vector<16xf32>
      %add3A_240 = arith.addf %scan3A_173, %get3A_239 : vector<16xf32>
      %mul3A_241 = arith.constant 4 : i32
      %mul3A_242 = arith.muli %scan3A_168, %mul3A_241 : i32
      %add3A_243 = arith.constant 0 : i32
      %add3A_244 = arith.addi %mul3A_242, %add3A_243 : i32
      %get3A_245 = arith.constant 0 : i32
      %get3A_246 = arith.constant 0 : i32
      %get3A_247 = tpu.memref_slice %arg6[%scan3A_130, %get3A_245, %get3A_246] : memref<4x128x128xf32, #tpu.memory_space<vmem>> -> memref<1x128x128xf32, #tpu.memory_space<vmem>>
      %get3A_248 = tpu.memref_squeeze %get3A_247 : memref<1x128x128xf32, #tpu.memory_space<vmem>> -> memref<128x128xf32, #tpu.memory_space<vmem>>
      %get3A_249 = arith.index_cast %add3A_244 : i32 to index
      %get3A_250 = arith.constant 80 : index
      %get3A_251 = tpu.vector_load %get3A_248[%get3A_249, %get3A_250] {strides = array<i32>} : memref<128x128xf32, #tpu.memory_space<vmem>>, vector<1x16xf32>,
      %get3A_252 = vector.shape_cast %get3A_251 : vector<1x16xf32> to vector<16xf32>
      %add3A_253 = arith.addf %scan3A_174, %get3A_252 : vector<16xf32>
      %mul3A_254 = arith.constant 4 : i32
      %mul3A_255 = arith.muli %scan3A_168, %mul3A_254 : i32
      %add3A_256 = arith.constant 0 : i32
      %add3A_257 = arith.addi %mul3A_255, %add3A_256 : i32
      %get3A_258 = arith.constant 0 : i32
      %get3A_259 = arith.constant 0 : i32
      %get3A_260 = tpu.memref_slice %arg6[%scan3A_130, %get3A_258, %get3A_259] : memref<4x128x128xf32, #tpu.memory_space<vmem>> -> memref<1x128x128xf32, #tpu.memory_space<vmem>>
      %get3A_261 = tpu.memref_squeeze %get3A_260 : memref<1x128x128xf32, #tpu.memory_space<vmem>> -> memref<128x128xf32, #tpu.memory_space<vmem>>
      %get3A_262 = arith.index_cast %add3A_257 : i32 to index
      %get3A_263 = arith.constant 96 : index
      %get3A_264 = tpu.vector_load %get3A_261[%get3A_262, %get3A_263] {strides = array<i32>} : memref<128x128xf32, #tpu.memory_space<vmem>>, vector<1x16xf32>,
      %get3A_265 = vector.shape_cast %get3A_264 : vector<1x16xf32> to vector<16xf32>
      %add3A_266 = arith.addf %scan3A_175, %get3A_265 : vector<16xf32>
      %mul3A_267 = arith.constant 4 : i32
      %mul3A_268 = arith.muli %scan3A_168, %mul3A_267 : i32
      %add3A_269 = arith.constant 0 : i32
      %add3A_270 = arith.addi %mul3A_268, %add3A_269 : i32
      %get3A_271 = arith.constant 0 : i32
      %get3A_272 = arith.constant 0 : i32
      %get3A_273 = tpu.memref_slice %arg6[%scan3A_130, %get3A_271, %get3A_272] : memref<4x128x128xf32, #tpu.memory_space<vmem>> -> memref<1x128x128xf32, #tpu.memory_space<vmem>>
      %get3A_274 = tpu.memref_squeeze %get3A_273 : memref<1x128x128xf32, #tpu.memory_space<vmem>> -> memref<128x128xf32, #tpu.memory_space<vmem>>
      %get3A_275 = arith.index_cast %add3A_270 : i32 to index
      %get3A_276 = arith.constant 112 : index
      %get3A_277 = tpu.vector_load %get3A_274[%get3A_275, %get3A_276] {strides = array<i32>} : memref<128x128xf32, #tpu.memory_space<vmem>>, vector<1x16xf32>,
      %get3A_278 = vector.shape_cast %get3A_277 : vector<1x16xf32> to vector<16xf32>
      %add3A_279 = arith.addf %scan3A_176, %get3A_278 : vector<16xf32>
      %mul3A_280 = arith.constant 4 : i32
      %mul3A_281 = arith.muli %scan3A_168, %mul3A_280 : i32
      %add3A_282 = arith.constant 1 : i32
      %add3A_283 = arith.addi %mul3A_281, %add3A_282 : i32
      %get3A_284 = arith.constant 0 : i32
      %get3A_285 = arith.constant 0 : i32
      %get3A_286 = tpu.memref_slice %arg6[%scan3A_130, %get3A_284, %get3A_285] : memref<4x128x128xf32, #tpu.memory_space<vmem>> -> memref<1x128x128xf32, #tpu.memory_space<vmem>>
      %get3A_287 = tpu.memref_squeeze %get3A_286 : memref<1x128x128xf32, #tpu.memory_space<vmem>> -> memref<128x128xf32, #tpu.memory_space<vmem>>
      %get3A_288 = arith.index_cast %add3A_283 : i32 to index
      %get3A_289 = arith.constant 0 : index
      %get3A_290 = tpu.vector_load %get3A_287[%get3A_288, %get3A_289] {strides = array<i32>} : memref<128x128xf32, #tpu.memory_space<vmem>>, vector<1x16xf32>,
      %get3A_291 = vector.shape_cast %get3A_290 : vector<1x16xf32> to vector<16xf32>
      %add3A_292 = arith.addf %add3A_188, %get3A_291 : vector<16xf32>
      %mul3A_293 = arith.constant 4 : i32
      %mul3A_294 = arith.muli %scan3A_168, %mul3A_293 : i32
      %add3A_295 = arith.constant 1 : i32
      %add3A_296 = arith.addi %mul3A_294, %add3A_295 : i32
      %get3A_297 = arith.constant 0 : i32
      %get3A_298 = arith.constant 0 : i32
      %get3A_299 = tpu.memref_slice %arg6[%scan3A_130, %get3A_297, %get3A_298] : memref<4x128x128xf32, #tpu.memory_space<vmem>> -> memref<1x128x128xf32, #tpu.memory_space<vmem>>
      %get3A_300 = tpu.memref_squeeze %get3A_299 : memref<1x128x128xf32, #tpu.memory_space<vmem>> -> memref<128x128xf32, #tpu.memory_space<vmem>>
      %get3A_301 = arith.index_cast %add3A_296 : i32 to index
      %get3A_302 = arith.constant 16 : index
      %get3A_303 = tpu.vector_load %get3A_300[%get3A_301, %get3A_302] {strides = array<i32>} : memref<128x128xf32, #tpu.memory_space<vmem>>, vector<1x16xf32>,
      %get3A_304 = vector.shape_cast %get3A_303 : vector<1x16xf32> to vector<16xf32>
      %add3A_305 = arith.addf %add3A_201, %get3A_304 : vector<16xf32>
      %mul3A_306 = arith.constant 4 : i32
      %mul3A_307 = arith.muli %scan3A_168, %mul3A_306 : i32
      %add3A_308 = arith.constant 1 : i32
      %add3A_309 = arith.addi %mul3A_307, %add3A_308 : i32
      %get3A_310 = arith.constant 0 : i32
      %get3A_311 = arith.constant 0 : i32
      %get3A_312 = tpu.memref_slice %arg6[%scan3A_130, %get3A_310, %get3A_311] : memref<4x128x128xf32, #tpu.memory_space<vmem>> -> memref<1x128x128xf32, #tpu.memory_space<vmem>>
      %get3A_313 = tpu.memref_squeeze %get3A_312 : memref<1x128x128xf32, #tpu.memory_space<vmem>> -> memref<128x128xf32, #tpu.memory_space<vmem>>
      %get3A_314 = arith.index_cast %add3A_309 : i32 to index
      %get3A_315 = arith.constant 32 : index
      %get3A_316 = tpu.vector_load %get3A_313[%get3A_314, %get3A_315] {strides = array<i32>} : memref<128x128xf32, #tpu.memory_space<vmem>>, vector<1x16xf32>,
      %get3A_317 = vector.shape_cast %get3A_316 : vector<1x16xf32> to vector<16xf32>
      %add3A_318 = arith.addf %add3A_214, %get3A_317 : vector<16xf32>
      %mul3A_319 = arith.constant 4 : i32
      %mul3A_320 = arith.muli %scan3A_168, %mul3A_319 : i32
      %add3A_321 = arith.constant 1 : i32
      %add3A_322 = arith.addi %mul3A_320, %add3A_321 : i32
      %get3A_323 = arith.constant 0 : i32
      %get3A_324 = arith.constant 0 : i32
      %get3A_325 = tpu.memref_slice %arg6[%scan3A_130, %get3A_323, %get3A_324] : memref<4x128x128xf32, #tpu.memory_space<vmem>> -> memref<1x128x128xf32, #tpu.memory_space<vmem>>
      %get3A_326 = tpu.memref_squeeze %get3A_325 : memref<1x128x128xf32, #tpu.memory_space<vmem>> -> memref<128x128xf32, #tpu.memory_space<vmem>>
      %get3A_327 = arith.index_cast %add3A_322 : i32 to index
      %get3A_328 = arith.constant 48 : index
      %get3A_329 = tpu.vector_load %get3A_326[%get3A_327, %get3A_328] {strides = array<i32>} : memref<128x128xf32, #tpu.memory_space<vmem>>, vector<1x16xf32>,
      %get3A_330 = vector.shape_cast %get3A_329 : vector<1x16xf32> to vector<16xf32>
      %add3A_331 = arith.addf %add3A_227, %get3A_330 : vector<16xf32>
      %mul3A_332 = arith.constant 4 : i32
      %mul3A_333 = arith.muli %scan3A_168, %mul3A_332 : i32
      %add3A_334 = arith.constant 1 : i32
      %add3A_335 = arith.addi %mul3A_333, %add3A_334 : i32
      %get3A_336 = arith.constant 0 : i32
      %get3A_337 = arith.constant 0 : i32
      %get3A_338 = tpu.memref_slice %arg6[%scan3A_130, %get3A_336, %get3A_337] : memref<4x128x128xf32, #tpu.memory_space<vmem>> -> memref<1x128x128xf32, #tpu.memory_space<vmem>>
      %get3A_339 = tpu.memref_squeeze %get3A_338 : memref<1x128x128xf32, #tpu.memory_space<vmem>> -> memref<128x128xf32, #tpu.memory_space<vmem>>
      %get3A_340 = arith.index_cast %add3A_335 : i32 to index
      %get3A_341 = arith.constant 64 : index
      %get3A_342 = tpu.vector_load %get3A_339[%get3A_340, %get3A_341] {strides = array<i32>} : memref<128x128xf32, #tpu.memory_space<vmem>>, vector<1x16xf32>,
      %get3A_343 = vector.shape_cast %get3A_342 : vector<1x16xf32> to vector<16xf32>
      %add3A_344 = arith.addf %add3A_240, %get3A_343 : vector<16xf32>
      %mul3A_345 = arith.constant 4 : i32
      %mul3A_346 = arith.muli %scan3A_168, %mul3A_345 : i32
      %add3A_347 = arith.constant 1 : i32
      %add3A_348 = arith.addi %mul3A_346, %add3A_347 : i32
      %get3A_349 = arith.constant 0 : i32
      %get3A_350 = arith.constant 0 : i32
      %get3A_351 = tpu.memref_slice %arg6[%scan3A_130, %get3A_349, %get3A_350] : memref<4x128x128xf32, #tpu.memory_space<vmem>> -> memref<1x128x128xf32, #tpu.memory_space<vmem>>
      %get3A_352 = tpu.memref_squeeze %get3A_351 : memref<1x128x128xf32, #tpu.memory_space<vmem>> -> memref<128x128xf32, #tpu.memory_space<vmem>>
      %get3A_353 = arith.index_cast %add3A_348 : i32 to index
      %get3A_354 = arith.constant 80 : index
      %get3A_355 = tpu.vector_load %get3A_352[%get3A_353, %get3A_354] {strides = array<i32>} : memref<128x128xf32, #tpu.memory_space<vmem>>, vector<1x16xf32>,
      %get3A_356 = vector.shape_cast %get3A_355 : vector<1x16xf32> to vector<16xf32>
      %add3A_357 = arith.addf %add3A_253, %get3A_356 : vector<16xf32>
      %mul3A_358 = arith.constant 4 : i32
      %mul3A_359 = arith.muli %scan3A_168, %mul3A_358 : i32
      %add3A_360 = arith.constant 1 : i32
      %add3A_361 = arith.addi %mul3A_359, %add3A_360 : i32
      %get3A_362 = arith.constant 0 : i32
      %get3A_363 = arith.constant 0 : i32
      %get3A_364 = tpu.memref_slice %arg6[%scan3A_130, %get3A_362, %get3A_363] : memref<4x128x128xf32, #tpu.memory_space<vmem>> -> memref<1x128x128xf32, #tpu.memory_space<vmem>>
      %get3A_365 = tpu.memref_squeeze %get3A_364 : memref<1x128x128xf32, #tpu.memory_space<vmem>> -> memref<128x128xf32, #tpu.memory_space<vmem>>
      %get3A_366 = arith.index_cast %add3A_361 : i32 to index
      %get3A_367 = arith.constant 96 : index
      %get3A_368 = tpu.vector_load %get3A_365[%get3A_366, %get3A_367] {strides = array<i32>} : memref<128x128xf32, #tpu.memory_space<vmem>>, vector<1x16xf32>,
      %get3A_369 = vector.shape_cast %get3A_368 : vector<1x16xf32> to vector<16xf32>
      %add3A_370 = arith.addf %add3A_266, %get3A_369 : vector<16xf32>
      %mul3A_371 = arith.constant 4 : i32
      %mul3A_372 = arith.muli %scan3A_168, %mul3A_371 : i32
      %add3A_373 = arith.constant 1 : i32
      %add3A_374 = arith.addi %mul3A_372, %add3A_373 : i32
      %get3A_375 = arith.constant 0 : i32
      %get3A_376 = arith.constant 0 : i32
      %get3A_377 = tpu.memref_slice %arg6[%scan3A_130, %get3A_375, %get3A_376] : memref<4x128x128xf32, #tpu.memory_space<vmem>> -> memref<1x128x128xf32, #tpu.memory_space<vmem>>
      %get3A_378 = tpu.memref_squeeze %get3A_377 : memref<1x128x128xf32, #tpu.memory_space<vmem>> -> memref<128x128xf32, #tpu.memory_space<vmem>>
      %get3A_379 = arith.index_cast %add3A_374 : i32 to index
      %get3A_380 = arith.constant 112 : index
      %get3A_381 = tpu.vector_load %get3A_378[%get3A_379, %get3A_380] {strides = array<i32>} : memref<128x128xf32, #tpu.memory_space<vmem>>, vector<1x16xf32>,
      %get3A_382 = vector.shape_cast %get3A_381 : vector<1x16xf32> to vector<16xf32>
      %add3A_383 = arith.addf %add3A_279, %get3A_382 : vector<16xf32>
      %mul3A_384 = arith.constant 4 : i32
      %mul3A_385 = arith.muli %scan3A_168, %mul3A_384 : i32
      %add3A_386 = arith.constant 2 : i32
      %add3A_387 = arith.addi %mul3A_385, %add3A_386 : i32
      %get3A_388 = arith.constant 0 : i32
      %get3A_389 = arith.constant 0 : i32
      %get3A_390 = tpu.memref_slice %arg6[%scan3A_130, %get3A_388, %get3A_389] : memref<4x128x128xf32, #tpu.memory_space<vmem>> -> memref<1x128x128xf32, #tpu.memory_space<vmem>>
      %get3A_391 = tpu.memref_squeeze %get3A_390 : memref<1x128x128xf32, #tpu.memory_space<vmem>> -> memref<128x128xf32, #tpu.memory_space<vmem>>
      %get3A_392 = arith.index_cast %add3A_387 : i32 to index
      %get3A_393 = arith.constant 0 : index
      %get3A_394 = tpu.vector_load %get3A_391[%get3A_392, %get3A_393] {strides = array<i32>} : memref<128x128xf32, #tpu.memory_space<vmem>>, vector<1x16xf32>,
      %get3A_395 = vector.shape_cast %get3A_394 : vector<1x16xf32> to vector<16xf32>
      %add3A_396 = arith.addf %add3A_292, %get3A_395 : vector<16xf32>
      %mul3A_397 = arith.constant 4 : i32
      %mul3A_398 = arith.muli %scan3A_168, %mul3A_397 : i32
      %add3A_399 = arith.constant 2 : i32
      %add3A_400 = arith.addi %mul3A_398, %add3A_399 : i32
      %get3A_401 = arith.constant 0 : i32
      %get3A_402 = arith.constant 0 : i32
      %get3A_403 = tpu.memref_slice %arg6[%scan3A_130, %get3A_401, %get3A_402] : memref<4x128x128xf32, #tpu.memory_space<vmem>> -> memref<1x128x128xf32, #tpu.memory_space<vmem>>
      %get3A_404 = tpu.memref_squeeze %get3A_403 : memref<1x128x128xf32, #tpu.memory_space<vmem>> -> memref<128x128xf32, #tpu.memory_space<vmem>>
      %get3A_405 = arith.index_cast %add3A_400 : i32 to index
      %get3A_406 = arith.constant 16 : index
      %get3A_407 = tpu.vector_load %get3A_404[%get3A_405, %get3A_406] {strides = array<i32>} : memref<128x128xf32, #tpu.memory_space<vmem>>, vector<1x16xf32>,
      %get3A_408 = vector.shape_cast %get3A_407 : vector<1x16xf32> to vector<16xf32>
      %add3A_409 = arith.addf %add3A_305, %get3A_408 : vector<16xf32>
      %mul3A_410 = arith.constant 4 : i32
      %mul3A_411 = arith.muli %scan3A_168, %mul3A_410 : i32
      %add3A_412 = arith.constant 2 : i32
      %add3A_413 = arith.addi %mul3A_411, %add3A_412 : i32
      %get3A_414 = arith.constant 0 : i32
      %get3A_415 = arith.constant 0 : i32
      %get3A_416 = tpu.memref_slice %arg6[%scan3A_130, %get3A_414, %get3A_415] : memref<4x128x128xf32, #tpu.memory_space<vmem>> -> memref<1x128x128xf32, #tpu.memory_space<vmem>>
      %get3A_417 = tpu.memref_squeeze %get3A_416 : memref<1x128x128xf32, #tpu.memory_space<vmem>> -> memref<128x128xf32, #tpu.memory_space<vmem>>
      %get3A_418 = arith.index_cast %add3A_413 : i32 to index
      %get3A_419 = arith.constant 32 : index
      %get3A_420 = tpu.vector_load %get3A_417[%get3A_418, %get3A_419] {strides = array<i32>} : memref<128x128xf32, #tpu.memory_space<vmem>>, vector<1x16xf32>,
      %get3A_421 = vector.shape_cast %get3A_420 : vector<1x16xf32> to vector<16xf32>
      %add3A_422 = arith.addf %add3A_318, %get3A_421 : vector<16xf32>
      %mul3A_423 = arith.constant 4 : i32
      %mul3A_424 = arith.muli %scan3A_168, %mul3A_423 : i32
      %add3A_425 = arith.constant 2 : i32
      %add3A_426 = arith.addi %mul3A_424, %add3A_425 : i32
      %get3A_427 = arith.constant 0 : i32
      %get3A_428 = arith.constant 0 : i32
      %get3A_429 = tpu.memref_slice %arg6[%scan3A_130, %get3A_427, %get3A_428] : memref<4x128x128xf32, #tpu.memory_space<vmem>> -> memref<1x128x128xf32, #tpu.memory_space<vmem>>
      %get3A_430 = tpu.memref_squeeze %get3A_429 : memref<1x128x128xf32, #tpu.memory_space<vmem>> -> memref<128x128xf32, #tpu.memory_space<vmem>>
      %get3A_431 = arith.index_cast %add3A_426 : i32 to index
      %get3A_432 = arith.constant 48 : index
      %get3A_433 = tpu.vector_load %get3A_430[%get3A_431, %get3A_432] {strides = array<i32>} : memref<128x128xf32, #tpu.memory_space<vmem>>, vector<1x16xf32>,
      %get3A_434 = vector.shape_cast %get3A_433 : vector<1x16xf32> to vector<16xf32>
      %add3A_435 = arith.addf %add3A_331, %get3A_434 : vector<16xf32>
      %mul3A_436 = arith.constant 4 : i32
      %mul3A_437 = arith.muli %scan3A_168, %mul3A_436 : i32
      %add3A_438 = arith.constant 2 : i32
      %add3A_439 = arith.addi %mul3A_437, %add3A_438 : i32
      %get3A_440 = arith.constant 0 : i32
      %get3A_441 = arith.constant 0 : i32
      %get3A_442 = tpu.memref_slice %arg6[%scan3A_130, %get3A_440, %get3A_441] : memref<4x128x128xf32, #tpu.memory_space<vmem>> -> memref<1x128x128xf32, #tpu.memory_space<vmem>>
      %get3A_443 = tpu.memref_squeeze %get3A_442 : memref<1x128x128xf32, #tpu.memory_space<vmem>> -> memref<128x128xf32, #tpu.memory_space<vmem>>
      %get3A_444 = arith.index_cast %add3A_439 : i32 to index
      %get3A_445 = arith.constant 64 : index
      %get3A_446 = tpu.vector_load %get3A_443[%get3A_444, %get3A_445] {strides = array<i32>} : memref<128x128xf32, #tpu.memory_space<vmem>>, vector<1x16xf32>,
      %get3A_447 = vector.shape_cast %get3A_446 : vector<1x16xf32> to vector<16xf32>
      %add3A_448 = arith.addf %add3A_344, %get3A_447 : vector<16xf32>
      %mul3A_449 = arith.constant 4 : i32
      %mul3A_450 = arith.muli %scan3A_168, %mul3A_449 : i32
      %add3A_451 = arith.constant 2 : i32
      %add3A_452 = arith.addi %mul3A_450, %add3A_451 : i32
      %get3A_453 = arith.constant 0 : i32
      %get3A_454 = arith.constant 0 : i32
      %get3A_455 = tpu.memref_slice %arg6[%scan3A_130, %get3A_453, %get3A_454] : memref<4x128x128xf32, #tpu.memory_space<vmem>> -> memref<1x128x128xf32, #tpu.memory_space<vmem>>
      %get3A_456 = tpu.memref_squeeze %get3A_455 : memref<1x128x128xf32, #tpu.memory_space<vmem>> -> memref<128x128xf32, #tpu.memory_space<vmem>>
      %get3A_457 = arith.index_cast %add3A_452 : i32 to index
      %get3A_458 = arith.constant 80 : index
      %get3A_459 = tpu.vector_load %get3A_456[%get3A_457, %get3A_458] {strides = array<i32>} : memref<128x128xf32, #tpu.memory_space<vmem>>, vector<1x16xf32>,
      %get3A_460 = vector.shape_cast %get3A_459 : vector<1x16xf32> to vector<16xf32>
      %add3A_461 = arith.addf %add3A_357, %get3A_460 : vector<16xf32>
      %mul3A_462 = arith.constant 4 : i32
      %mul3A_463 = arith.muli %scan3A_168, %mul3A_462 : i32
      %add3A_464 = arith.constant 2 : i32
      %add3A_465 = arith.addi %mul3A_463, %add3A_464 : i32
      %get3A_466 = arith.constant 0 : i32
      %get3A_467 = arith.constant 0 : i32
      %get3A_468 = tpu.memref_slice %arg6[%scan3A_130, %get3A_466, %get3A_467] : memref<4x128x128xf32, #tpu.memory_space<vmem>> -> memref<1x128x128xf32, #tpu.memory_space<vmem>>
      %get3A_469 = tpu.memref_squeeze %get3A_468 : memref<1x128x128xf32, #tpu.memory_space<vmem>> -> memref<128x128xf32, #tpu.memory_space<vmem>>
      %get3A_470 = arith.index_cast %add3A_465 : i32 to index
      %get3A_471 = arith.constant 96 : index
      %get3A_472 = tpu.vector_load %get3A_469[%get3A_470, %get3A_471] {strides = array<i32>} : memref<128x128xf32, #tpu.memory_space<vmem>>, vector<1x16xf32>,
      %get3A_473 = vector.shape_cast %get3A_472 : vector<1x16xf32> to vector<16xf32>
      %add3A_474 = arith.addf %add3A_370, %get3A_473 : vector<16xf32>
      %mul3A_475 = arith.constant 4 : i32
      %mul3A_476 = arith.muli %scan3A_168, %mul3A_475 : i32
      %add3A_477 = arith.constant 2 : i32
      %add3A_478 = arith.addi %mul3A_476, %add3A_477 : i32
      %get3A_479 = arith.constant 0 : i32
      %get3A_480 = arith.constant 0 : i32
      %get3A_481 = tpu.memref_slice %arg6[%scan3A_130, %get3A_479, %get3A_480] : memref<4x128x128xf32, #tpu.memory_space<vmem>> -> memref<1x128x128xf32, #tpu.memory_space<vmem>>
      %get3A_482 = tpu.memref_squeeze %get3A_481 : memref<1x128x128xf32, #tpu.memory_space<vmem>> -> memref<128x128xf32, #tpu.memory_space<vmem>>
      %get3A_483 = arith.index_cast %add3A_478 : i32 to index
      %get3A_484 = arith.constant 112 : index
      %get3A_485 = tpu.vector_load %get3A_482[%get3A_483, %get3A_484] {strides = array<i32>} : memref<128x128xf32, #tpu.memory_space<vmem>>, vector<1x16xf32>,
      %get3A_486 = vector.shape_cast %get3A_485 : vector<1x16xf32> to vector<16xf32>
      %add3A_487 = arith.addf %add3A_383, %get3A_486 : vector<16xf32>
      %mul3A_488 = arith.constant 4 : i32
      %mul3A_489 = arith.muli %scan3A_168, %mul3A_488 : i32
      %add3A_490 = arith.constant 3 : i32
      %add3A_491 = arith.addi %mul3A_489, %add3A_490 : i32
      %get3A_492 = arith.constant 0 : i32
      %get3A_493 = arith.constant 0 : i32
      %get3A_494 = tpu.memref_slice %arg6[%scan3A_130, %get3A_492, %get3A_493] : memref<4x128x128xf32, #tpu.memory_space<vmem>> -> memref<1x128x128xf32, #tpu.memory_space<vmem>>
      %get3A_495 = tpu.memref_squeeze %get3A_494 : memref<1x128x128xf32, #tpu.memory_space<vmem>> -> memref<128x128xf32, #tpu.memory_space<vmem>>
      %get3A_496 = arith.index_cast %add3A_491 : i32 to index
      %get3A_497 = arith.constant 0 : index
      %get3A_498 = tpu.vector_load %get3A_495[%get3A_496, %get3A_497] {strides = array<i32>} : memref<128x128xf32, #tpu.memory_space<vmem>>, vector<1x16xf32>,
      %get3A_499 = vector.shape_cast %get3A_498 : vector<1x16xf32> to vector<16xf32>
      %add3A_500 = arith.addf %add3A_396, %get3A_499 : vector<16xf32>
      %mul3A_501 = arith.constant 4 : i32
      %mul3A_502 = arith.muli %scan3A_168, %mul3A_501 : i32
      %add3A_503 = arith.constant 3 : i32
      %add3A_504 = arith.addi %mul3A_502, %add3A_503 : i32
      %get3A_505 = arith.constant 0 : i32
      %get3A_506 = arith.constant 0 : i32
      %get3A_507 = tpu.memref_slice %arg6[%scan3A_130, %get3A_505, %get3A_506] : memref<4x128x128xf32, #tpu.memory_space<vmem>> -> memref<1x128x128xf32, #tpu.memory_space<vmem>>
      %get3A_508 = tpu.memref_squeeze %get3A_507 : memref<1x128x128xf32, #tpu.memory_space<vmem>> -> memref<128x128xf32, #tpu.memory_space<vmem>>
      %get3A_509 = arith.index_cast %add3A_504 : i32 to index
      %get3A_510 = arith.constant 16 : index
      %get3A_511 = tpu.vector_load %get3A_508[%get3A_509, %get3A_510] {strides = array<i32>} : memref<128x128xf32, #tpu.memory_space<vmem>>, vector<1x16xf32>,
      %get3A_512 = vector.shape_cast %get3A_511 : vector<1x16xf32> to vector<16xf32>
      %add3A_513 = arith.addf %add3A_409, %get3A_512 : vector<16xf32>
      %mul3A_514 = arith.constant 4 : i32
      %mul3A_515 = arith.muli %scan3A_168, %mul3A_514 : i32
      %add3A_516 = arith.constant 3 : i32
      %add3A_517 = arith.addi %mul3A_515, %add3A_516 : i32
      %get3A_518 = arith.constant 0 : i32
      %get3A_519 = arith.constant 0 : i32
      %get3A_520 = tpu.memref_slice %arg6[%scan3A_130, %get3A_518, %get3A_519] : memref<4x128x128xf32, #tpu.memory_space<vmem>> -> memref<1x128x128xf32, #tpu.memory_space<vmem>>
      %get3A_521 = tpu.memref_squeeze %get3A_520 : memref<1x128x128xf32, #tpu.memory_space<vmem>> -> memref<128x128xf32, #tpu.memory_space<vmem>>
      %get3A_522 = arith.index_cast %add3A_517 : i32 to index
      %get3A_523 = arith.constant 32 : index
      %get3A_524 = tpu.vector_load %get3A_521[%get3A_522, %get3A_523] {strides = array<i32>} : memref<128x128xf32, #tpu.memory_space<vmem>>, vector<1x16xf32>,
      %get3A_525 = vector.shape_cast %get3A_524 : vector<1x16xf32> to vector<16xf32>
      %add3A_526 = arith.addf %add3A_422, %get3A_525 : vector<16xf32>
      %mul3A_527 = arith.constant 4 : i32
      %mul3A_528 = arith.muli %scan3A_168, %mul3A_527 : i32
      %add3A_529 = arith.constant 3 : i32
      %add3A_530 = arith.addi %mul3A_528, %add3A_529 : i32
      %get3A_531 = arith.constant 0 : i32
      %get3A_532 = arith.constant 0 : i32
      %get3A_533 = tpu.memref_slice %arg6[%scan3A_130, %get3A_531, %get3A_532] : memref<4x128x128xf32, #tpu.memory_space<vmem>> -> memref<1x128x128xf32, #tpu.memory_space<vmem>>
      %get3A_534 = tpu.memref_squeeze %get3A_533 : memref<1x128x128xf32, #tpu.memory_space<vmem>> -> memref<128x128xf32, #tpu.memory_space<vmem>>
      %get3A_535 = arith.index_cast %add3A_530 : i32 to index
      %get3A_536 = arith.constant 48 : index
      %get3A_537 = tpu.vector_load %get3A_534[%get3A_535, %get3A_536] {strides = array<i32>} : memref<128x128xf32, #tpu.memory_space<vmem>>, vector<1x16xf32>,
      %get3A_538 = vector.shape_cast %get3A_537 : vector<1x16xf32> to vector<16xf32>
      %add3A_539 = arith.addf %add3A_435, %get3A_538 : vector<16xf32>
      %mul3A_540 = arith.constant 4 : i32
      %mul3A_541 = arith.muli %scan3A_168, %mul3A_540 : i32
      %add3A_542 = arith.constant 3 : i32
      %add3A_543 = arith.addi %mul3A_541, %add3A_542 : i32
      %get3A_544 = arith.constant 0 : i32
      %get3A_545 = arith.constant 0 : i32
      %get3A_546 = tpu.memref_slice %arg6[%scan3A_130, %get3A_544, %get3A_545] : memref<4x128x128xf32, #tpu.memory_space<vmem>> -> memref<1x128x128xf32, #tpu.memory_space<vmem>>
      %get3A_547 = tpu.memref_squeeze %get3A_546 : memref<1x128x128xf32, #tpu.memory_space<vmem>> -> memref<128x128xf32, #tpu.memory_space<vmem>>
      %get3A_548 = arith.index_cast %add3A_543 : i32 to index
      %get3A_549 = arith.constant 64 : index
      %get3A_550 = tpu.vector_load %get3A_547[%get3A_548, %get3A_549] {strides = array<i32>} : memref<128x128xf32, #tpu.memory_space<vmem>>, vector<1x16xf32>,
      %get3A_551 = vector.shape_cast %get3A_550 : vector<1x16xf32> to vector<16xf32>
      %add3A_552 = arith.addf %add3A_448, %get3A_551 : vector<16xf32>
      %mul3A_553 = arith.constant 4 : i32
      %mul3A_554 = arith.muli %scan3A_168, %mul3A_553 : i32
      %add3A_555 = arith.constant 3 : i32
      %add3A_556 = arith.addi %mul3A_554, %add3A_555 : i32
      %get3A_557 = arith.constant 0 : i32
      %get3A_558 = arith.constant 0 : i32
      %get3A_559 = tpu.memref_slice %arg6[%scan3A_130, %get3A_557, %get3A_558] : memref<4x128x128xf32, #tpu.memory_space<vmem>> -> memref<1x128x128xf32, #tpu.memory_space<vmem>>
      %get3A_560 = tpu.memref_squeeze %get3A_559 : memref<1x128x128xf32, #tpu.memory_space<vmem>> -> memref<128x128xf32, #tpu.memory_space<vmem>>
      %get3A_561 = arith.index_cast %add3A_556 : i32 to index
      %get3A_562 = arith.constant 80 : index
      %get3A_563 = tpu.vector_load %get3A_560[%get3A_561, %get3A_562] {strides = array<i32>} : memref<128x128xf32, #tpu.memory_space<vmem>>, vector<1x16xf32>,
      %get3A_564 = vector.shape_cast %get3A_563 : vector<1x16xf32> to vector<16xf32>
      %add3A_565 = arith.addf %add3A_461, %get3A_564 : vector<16xf32>
      %mul3A_566 = arith.constant 4 : i32
      %mul3A_567 = arith.muli %scan3A_168, %mul3A_566 : i32
      %add3A_568 = arith.constant 3 : i32
      %add3A_569 = arith.addi %mul3A_567, %add3A_568 : i32
      %get3A_570 = arith.constant 0 : i32
      %get3A_571 = arith.constant 0 : i32
      %get3A_572 = tpu.memref_slice %arg6[%scan3A_130, %get3A_570, %get3A_571] : memref<4x128x128xf32, #tpu.memory_space<vmem>> -> memref<1x128x128xf32, #tpu.memory_space<vmem>>
      %get3A_573 = tpu.memref_squeeze %get3A_572 : memref<1x128x128xf32, #tpu.memory_space<vmem>> -> memref<128x128xf32, #tpu.memory_space<vmem>>
      %get3A_574 = arith.index_cast %add3A_569 : i32 to index
      %get3A_575 = arith.constant 96 : index
      %get3A_576 = tpu.vector_load %get3A_573[%get3A_574, %get3A_575] {strides = array<i32>} : memref<128x128xf32, #tpu.memory_space<vmem>>, vector<1x16xf32>,
      %get3A_577 = vector.shape_cast %get3A_576 : vector<1x16xf32> to vector<16xf32>
      %add3A_578 = arith.addf %add3A_474, %get3A_577 : vector<16xf32>
      %mul3A_579 = arith.constant 4 : i32
      %mul3A_580 = arith.muli %scan3A_168, %mul3A_579 : i32
      %add3A_581 = arith.constant 3 : i32
      %add3A_582 = arith.addi %mul3A_580, %add3A_581 : i32
      %get3A_583 = arith.constant 0 : i32
      %get3A_584 = arith.constant 0 : i32
      %get3A_585 = tpu.memref_slice %arg6[%scan3A_130, %get3A_583, %get3A_584] : memref<4x128x128xf32, #tpu.memory_space<vmem>> -> memref<1x128x128xf32, #tpu.memory_space<vmem>>
      %get3A_586 = tpu.memref_squeeze %get3A_585 : memref<1x128x128xf32, #tpu.memory_space<vmem>> -> memref<128x128xf32, #tpu.memory_space<vmem>>
      %get3A_587 = arith.index_cast %add3A_582 : i32 to index
      %get3A_588 = arith.constant 112 : index
      %get3A_589 = tpu.vector_load %get3A_586[%get3A_587, %get3A_588] {strides = array<i32>} : memref<128x128xf32, #tpu.memory_space<vmem>>, vector<1x16xf32>,
      %get3A_590 = vector.shape_cast %get3A_589 : vector<1x16xf32> to vector<16xf32>
      %add3A_591 = arith.addf %add3A_487, %get3A_590 : vector<16xf32>
      scf.yield %add3A_500, %add3A_513, %add3A_526, %add3A_539, %add3A_552, %add3A_565, %add3A_578, %add3A_591 : vector<16xf32>, vector<16xf32>, vector<16xf32>, vector<16xf32>, vector<16xf32>, vector<16xf32>, vector<16xf32>, vector<16xf32>
    }
    %scan3A_136 = arith.constant 32 : i32
    %swap3A = arith.constant 0 : index
    %swap3A_137 = tpu.vector_load %arg7[%swap3A] {strides = array<i32>} : memref<128xf32, #tpu.memory_space<vmem>>, vector<16xf32>,
    %swap3A_138 = vector.shape_cast %swap3A_137 : vector<16xf32> to vector<16xf32>
    %swap3A_139 = vector.shape_cast %scan3A_135#0 : vector<16xf32> to vector<16xf32>
    tpu.vector_store %arg7[%swap3A], %swap3A_139 {strides = array<i32>} : memref<128xf32, #tpu.memory_space<vmem>>, vector<16xf32>,
    %swap3A_140 = arith.constant 16 : index
    %swap3A_141 = tpu.vector_load %arg7[%swap3A_140] {strides = array<i32>} : memref<128xf32, #tpu.memory_space<vmem>>, vector<16xf32>,
    %swap3A_142 = vector.shape_cast %swap3A_141 : vector<16xf32> to vector<16xf32>
    %swap3A_143 = vector.shape_cast %scan3A_135#1 : vector<16xf32> to vector<16xf32>
    tpu.vector_store %arg7[%swap3A_140], %swap3A_143 {strides = array<i32>} : memref<128xf32, #tpu.memory_space<vmem>>, vector<16xf32>,
    %swap3A_144 = arith.constant 32 : index
    %swap3A_145 = tpu.vector_load %arg7[%swap3A_144] {strides = array<i32>} : memref<128xf32, #tpu.memory_space<vmem>>, vector<16xf32>,
    %swap3A_146 = vector.shape_cast %swap3A_145 : vector<16xf32> to vector<16xf32>
    %swap3A_147 = vector.shape_cast %scan3A_135#2 : vector<16xf32> to vector<16xf32>
    tpu.vector_store %arg7[%swap3A_144], %swap3A_147 {strides = array<i32>} : memref<128xf32, #tpu.memory_space<vmem>>, vector<16xf32>,
    %swap3A_148 = arith.constant 48 : index
    %swap3A_149 = tpu.vector_load %arg7[%swap3A_148] {strides = array<i32>} : memref<128xf32, #tpu.memory_space<vmem>>, vector<16xf32>,
    %swap3A_150 = vector.shape_cast %swap3A_149 : vector<16xf32> to vector<16xf32>
    %swap3A_151 = vector.shape_cast %scan3A_135#3 : vector<16xf32> to vector<16xf32>
    tpu.vector_store %arg7[%swap3A_148], %swap3A_151 {strides = array<i32>} : memref<128xf32, #tpu.memory_space<vmem>>, vector<16xf32>,
    %swap3A_152 = arith.constant 64 : index
    %swap3A_153 = tpu.vector_load %arg7[%swap3A_152] {strides = array<i32>} : memref<128xf32, #tpu.memory_space<vmem>>, vector<16xf32>,
    %swap3A_154 = vector.shape_cast %swap3A_153 : vector<16xf32> to vector<16xf32>
    %swap3A_155 = vector.shape_cast %scan3A_135#4 : vector<16xf32> to vector<16xf32>
    tpu.vector_store %arg7[%swap3A_152], %swap3A_155 {strides = array<i32>} : memref<128xf32, #tpu.memory_space<vmem>>, vector<16xf32>,
    %swap3A_156 = arith.constant 80 : index
    %swap3A_157 = tpu.vector_load %arg7[%swap3A_156] {strides = array<i32>} : memref<128xf32, #tpu.memory_space<vmem>>, vector<16xf32>,
    %swap3A_158 = vector.shape_cast %swap3A_157 : vector<16xf32> to vector<16xf32>
    %swap3A_159 = vector.shape_cast %scan3A_135#5 : vector<16xf32> to vector<16xf32>
    tpu.vector_store %arg7[%swap3A_156], %swap3A_159 {strides = array<i32>} : memref<128xf32, #tpu.memory_space<vmem>>, vector<16xf32>,
    %swap3A_160 = arith.constant 96 : index
    %swap3A_161 = tpu.vector_load %arg7[%swap3A_160] {strides = array<i32>} : memref<128xf32, #tpu.memory_space<vmem>>, vector<16xf32>,
    %swap3A_162 = vector.shape_cast %swap3A_161 : vector<16xf32> to vector<16xf32>
    %swap3A_163 = vector.shape_cast %scan3A_135#6 : vector<16xf32> to vector<16xf32>
    tpu.vector_store %arg7[%swap3A_160], %swap3A_163 {strides = array<i32>} : memref<128xf32, #tpu.memory_space<vmem>>, vector<16xf32>,
    %swap3A_164 = arith.constant 112 : index
    %swap3A_165 = tpu.vector_load %arg7[%swap3A_164] {strides = array<i32>} : memref<128xf32, #tpu.memory_space<vmem>>, vector<16xf32>,
    %swap3A_166 = vector.shape_cast %swap3A_165 : vector<16xf32> to vector<16xf32>
    %swap3A_167 = vector.shape_cast %scan3A_135#7 : vector<16xf32> to vector<16xf32>
    tpu.vector_store %arg7[%swap3A_164], %swap3A_167 {strides = array<i32>} : memref<128xf32, #tpu.memory_space<vmem>>, vector<16xf32>,
    "tpu.region"() ({
      %run_scoped3A = tpu.sem_alloc : memref<!tpu.dma_semaphore, #tpu.memory_space<semaphore_mem>>
      %dma_start3A_168 = arith.constant 0 : i32
      %dma_start3A_169 = tpu.memref_slice %arg4[%add3A, %dma_start3A_168] : memref<32x128xf32, #tpu.memory_space<hbm>> -> memref<1x128xf32, #tpu.memory_space<hbm>>
      %dma_start3A_170 = tpu.memref_squeeze %dma_start3A_169 : memref<1x128xf32, #tpu.memory_space<hbm>> -> memref<128xf32, #tpu.memory_space<hbm>>
      %dma_start3A_171 = arith.constant 0 : i32
      %dma_start3A_172 = tpu.memref_slice %arg4[%add3A, %dma_start3A_171] : memref<32x128xf32, #tpu.memory_space<hbm>> -> memref<1x128xf32, #tpu.memory_space<hbm>>
      %dma_start3A_173 = tpu.memref_squeeze %dma_start3A_172 : memref<1x128xf32, #tpu.memory_space<hbm>> -> memref<128xf32, #tpu.memory_space<hbm>>
      tpu.enqueue_dma source(%arg7 : memref<128xf32, #tpu.memory_space<vmem>>) target(%dma_start3A_173 : memref<128xf32, #tpu.memory_space<hbm>>) target_semaphore(%run_scoped3A : memref<!tpu.dma_semaphore, #tpu.memory_space<semaphore_mem>>)
      %dma_wait3A_174 = arith.constant 0 : i32
      %dma_wait3A_175 = tpu.memref_slice %arg4[%add3A, %dma_wait3A_174] : memref<32x128xf32, #tpu.memory_space<hbm>> -> memref<1x128xf32, #tpu.memory_space<hbm>>
      %dma_wait3A_176 = tpu.memref_squeeze %dma_wait3A_175 : memref<1x128xf32, #tpu.memory_space<hbm>> -> memref<128xf32, #tpu.memory_space<hbm>>
      %dma_wait3A_177 = arith.constant 0 : i32
      %dma_wait3A_178 = tpu.memref_slice %arg4[%add3A, %dma_wait3A_177] : memref<32x128xf32, #tpu.memory_space<hbm>> -> memref<1x128xf32, #tpu.memory_space<hbm>>
      %dma_wait3A_179 = tpu.memref_squeeze %dma_wait3A_178 : memref<1x128xf32, #tpu.memory_space<hbm>> -> memref<128xf32, #tpu.memory_space<hbm>>
      tpu.wait_dma2 semaphore(%run_scoped3A : memref<!tpu.dma_semaphore, #tpu.memory_space<semaphore_mem>>) src(%arg7 : memref<128xf32, #tpu.memory_space<vmem>>) dst(%dma_wait3A_179 : memref<128xf32, #tpu.memory_space<hbm>>)
      tpu.yield
    }) : () -> ()
    return
  }
}

module attributes {stable_mosaic.version = 14 : i64} {
  func.func @_matvec_body(%arg0: memref<32x128xf32, #tpu.memory_space<vmem>>, %arg1: memref<100000x128xf32, #tpu.memory_space<any>>, %arg2: memref<1x98304xf32, #tpu.memory_space<vmem>>, %arg3: memref<1x1696xf32, #tpu.memory_space<vmem>>, %arg4: memref<1x98304xf32, #tpu.memory_space<vmem>>, %arg5: memref<1x1696xf32, #tpu.memory_space<vmem>>, %arg6: memref<8192x128xf32, #tpu.memory_space<vmem>>, %arg7: memref<8192x128xf32, #tpu.memory_space<vmem>>, %arg8: memref<8192x128xf32, #tpu.memory_space<vmem>>, %arg9: memref<8192x128xf32, #tpu.memory_space<vmem>>, %arg10: memref<!tpu.dma_semaphore, #tpu.memory_space<semaphore_mem>>, %arg11: memref<!tpu.dma_semaphore, #tpu.memory_space<semaphore_mem>>, %arg12: memref<!tpu.dma_semaphore, #tpu.memory_space<semaphore_mem>>, %arg13: memref<!tpu.dma_semaphore, #tpu.memory_space<semaphore_mem>>, %arg14: memref<1696x128xf32, #tpu.memory_space<vmem>>, %arg15: memref<!tpu.dma_semaphore, #tpu.memory_space<semaphore_mem>>) attributes {dimension_semantics = [], scalar_prefetch = 0 : i64, scratch_operands = 10 : i64, tpu.core_type = #tpu.core_type<tc>} {
    %dma_start3A = arith.constant 98304 : i32
    %dma_start3A_0 = arith.constant 0 : i32
    %dma_start3A_1 = tpu.memref_slice %arg1[%dma_start3A, %dma_start3A_0] : memref<100000x128xf32, #tpu.memory_space<any>> -> memref<1696x128xf32, #tpu.memory_space<any>>
    tpu.enqueue_dma source(%dma_start3A_1 : memref<1696x128xf32, #tpu.memory_space<any>>) target(%arg14 : memref<1696x128xf32, #tpu.memory_space<vmem>>) target_semaphore(%arg15 : memref<!tpu.dma_semaphore, #tpu.memory_space<semaphore_mem>>)
    %dma_start3A_2 = arith.constant 0 : i32
    %dma_start3A_3 = arith.constant 0 : i32
    %dma_start3A_4 = tpu.memref_slice %arg1[%dma_start3A_2, %dma_start3A_3] : memref<100000x128xf32, #tpu.memory_space<any>> -> memref<8192x128xf32, #tpu.memory_space<any>>
    tpu.enqueue_dma source(%dma_start3A_4 : memref<8192x128xf32, #tpu.memory_space<any>>) target(%arg6 : memref<8192x128xf32, #tpu.memory_space<vmem>>) target_semaphore(%arg10 : memref<!tpu.dma_semaphore, #tpu.memory_space<semaphore_mem>>)
    %dma_start3A_5 = arith.constant 8192 : i32
    %dma_start3A_6 = arith.constant 0 : i32
    %dma_start3A_7 = tpu.memref_slice %arg1[%dma_start3A_5, %dma_start3A_6] : memref<100000x128xf32, #tpu.memory_space<any>> -> memref<8192x128xf32, #tpu.memory_space<any>>
    tpu.enqueue_dma source(%dma_start3A_7 : memref<8192x128xf32, #tpu.memory_space<any>>) target(%arg7 : memref<8192x128xf32, #tpu.memory_space<vmem>>) target_semaphore(%arg11 : memref<!tpu.dma_semaphore, #tpu.memory_space<semaphore_mem>>)
    %dma_start3A_8 = arith.constant 16384 : i32
    %dma_start3A_9 = arith.constant 0 : i32
    %dma_start3A_10 = tpu.memref_slice %arg1[%dma_start3A_8, %dma_start3A_9] : memref<100000x128xf32, #tpu.memory_space<any>> -> memref<8192x128xf32, #tpu.memory_space<any>>
    tpu.enqueue_dma source(%dma_start3A_10 : memref<8192x128xf32, #tpu.memory_space<any>>) target(%arg8 : memref<8192x128xf32, #tpu.memory_space<vmem>>) target_semaphore(%arg12 : memref<!tpu.dma_semaphore, #tpu.memory_space<semaphore_mem>>)
    %dma_start3A_11 = arith.constant 24576 : i32
    %dma_start3A_12 = arith.constant 0 : i32
    %dma_start3A_13 = tpu.memref_slice %arg1[%dma_start3A_11, %dma_start3A_12] : memref<100000x128xf32, #tpu.memory_space<any>> -> memref<8192x128xf32, #tpu.memory_space<any>>
    tpu.enqueue_dma source(%dma_start3A_13 : memref<8192x128xf32, #tpu.memory_space<any>>) target(%arg9 : memref<8192x128xf32, #tpu.memory_space<vmem>>) target_semaphore(%arg13 : memref<!tpu.dma_semaphore, #tpu.memory_space<semaphore_mem>>)
    %get3A = arith.constant 0 : index
    %get3A_14 = arith.constant 0 : index
    %get3A_15 = vector.load %arg0[%get3A, %get3A_14] : memref<32x128xf32, #tpu.memory_space<vmem>>, vector<32x128xf32>
    %reduce_sum3A = arith.constant dense<0.000000e+00> : vector<128xf32>
    %reduce_sum3A_16 = vector.multi_reduction <add>, %get3A_15, %reduce_sum3A [0] : vector<32x128xf32> to vector<128xf32>
    %broadcast_in_dim3A = vector.shape_cast %reduce_sum3A_16 : vector<128xf32> to vector<1x128xf32>
    %dma_wait3A = arith.constant 0 : i32
    %dma_wait3A_17 = arith.constant 0 : i32
    %dma_wait3A_18 = tpu.memref_slice %arg1[%dma_wait3A, %dma_wait3A_17] : memref<100000x128xf32, #tpu.memory_space<any>> -> memref<8192x128xf32, #tpu.memory_space<any>>
    tpu.wait_dma2 semaphore(%arg10 : memref<!tpu.dma_semaphore, #tpu.memory_space<semaphore_mem>>) src(%dma_wait3A_18 : memref<8192x128xf32, #tpu.memory_space<any>>) dst(%arg6 : memref<8192x128xf32, #tpu.memory_space<vmem>>)
    %get3A_19 = arith.constant 0 : index
    %get3A_20 = arith.constant 0 : index
    %get3A_21 = vector.load %arg6[%get3A_19, %get3A_20] : memref<8192x128xf32, #tpu.memory_space<vmem>>, vector<8192x128xf32>
    %dot_general3A = arith.constant dense<0.000000e+00> : vector<1x8192xf32>
    %dot_general3A_22 = tpu.matmul %broadcast_in_dim3A, %get3A_21, %dot_general3A {dimension_numbers = #tpu.dot_dimension_numbers<[1], [1], [0], [0], [0, 0, 1, 0], [], []>, transpose_lhs_hint = false} : vector<1x128xf32>, vector<8192x128xf32>, vector<1x8192xf32> -> vector<1x8192xf32>
    %get3A_23 = arith.constant 0 : index
    %get3A_24 = arith.constant 0 : index
    %get3A_25 = vector.load %arg2[%get3A_23, %get3A_24] : memref<1x98304xf32, #tpu.memory_space<vmem>>, vector<1x8192xf32>
    %add3A = arith.addf %dot_general3A_22, %get3A_25 : vector<1x8192xf32>
    %swap3A = arith.constant 0 : index
    %swap3A_26 = arith.constant 0 : index
    %swap3A_27 = vector.load %arg4[%swap3A, %swap3A_26] : memref<1x98304xf32, #tpu.memory_space<vmem>>, vector<1x8192xf32>
    tpu.vector_store %arg4[%swap3A, %swap3A_26], %add3A {strides = array<i32>} : memref<1x98304xf32, #tpu.memory_space<vmem>>, vector<1x8192xf32>,
    %dma_start3A_28 = arith.constant 32768 : i32
    %dma_start3A_29 = arith.constant 0 : i32
    %dma_start3A_30 = tpu.memref_slice %arg1[%dma_start3A_28, %dma_start3A_29] : memref<100000x128xf32, #tpu.memory_space<any>> -> memref<8192x128xf32, #tpu.memory_space<any>>
    tpu.enqueue_dma source(%dma_start3A_30 : memref<8192x128xf32, #tpu.memory_space<any>>) target(%arg6 : memref<8192x128xf32, #tpu.memory_space<vmem>>) target_semaphore(%arg10 : memref<!tpu.dma_semaphore, #tpu.memory_space<semaphore_mem>>)
    %dma_wait3A_31 = arith.constant 8192 : i32
    %dma_wait3A_32 = arith.constant 0 : i32
    %dma_wait3A_33 = tpu.memref_slice %arg1[%dma_wait3A_31, %dma_wait3A_32] : memref<100000x128xf32, #tpu.memory_space<any>> -> memref<8192x128xf32, #tpu.memory_space<any>>
    tpu.wait_dma2 semaphore(%arg11 : memref<!tpu.dma_semaphore, #tpu.memory_space<semaphore_mem>>) src(%dma_wait3A_33 : memref<8192x128xf32, #tpu.memory_space<any>>) dst(%arg7 : memref<8192x128xf32, #tpu.memory_space<vmem>>)
    %get3A_34 = arith.constant 0 : index
    %get3A_35 = arith.constant 0 : index
    %get3A_36 = vector.load %arg7[%get3A_34, %get3A_35] : memref<8192x128xf32, #tpu.memory_space<vmem>>, vector<8192x128xf32>
    %dot_general3A_37 = arith.constant dense<0.000000e+00> : vector<1x8192xf32>
    %dot_general3A_38 = tpu.matmul %broadcast_in_dim3A, %get3A_36, %dot_general3A_37 {dimension_numbers = #tpu.dot_dimension_numbers<[1], [1], [0], [0], [0, 0, 1, 0], [], []>, transpose_lhs_hint = false} : vector<1x128xf32>, vector<8192x128xf32>, vector<1x8192xf32> -> vector<1x8192xf32>
    %get3A_39 = arith.constant 0 : index
    %get3A_40 = arith.constant 8192 : index
    %get3A_41 = vector.load %arg2[%get3A_39, %get3A_40] : memref<1x98304xf32, #tpu.memory_space<vmem>>, vector<1x8192xf32>
    %add3A_42 = arith.addf %dot_general3A_38, %get3A_41 : vector<1x8192xf32>
    %swap3A_43 = arith.constant 0 : index
    %swap3A_44 = arith.constant 8192 : index
    %swap3A_45 = vector.load %arg4[%swap3A_43, %swap3A_44] : memref<1x98304xf32, #tpu.memory_space<vmem>>, vector<1x8192xf32>
    tpu.vector_store %arg4[%swap3A_43, %swap3A_44], %add3A_42 {strides = array<i32>} : memref<1x98304xf32, #tpu.memory_space<vmem>>, vector<1x8192xf32>,
    %dma_start3A_46 = arith.constant 40960 : i32
    %dma_start3A_47 = arith.constant 0 : i32
    %dma_start3A_48 = tpu.memref_slice %arg1[%dma_start3A_46, %dma_start3A_47] : memref<100000x128xf32, #tpu.memory_space<any>> -> memref<8192x128xf32, #tpu.memory_space<any>>
    tpu.enqueue_dma source(%dma_start3A_48 : memref<8192x128xf32, #tpu.memory_space<any>>) target(%arg7 : memref<8192x128xf32, #tpu.memory_space<vmem>>) target_semaphore(%arg11 : memref<!tpu.dma_semaphore, #tpu.memory_space<semaphore_mem>>)
    %dma_wait3A_49 = arith.constant 16384 : i32
    %dma_wait3A_50 = arith.constant 0 : i32
    %dma_wait3A_51 = tpu.memref_slice %arg1[%dma_wait3A_49, %dma_wait3A_50] : memref<100000x128xf32, #tpu.memory_space<any>> -> memref<8192x128xf32, #tpu.memory_space<any>>
    tpu.wait_dma2 semaphore(%arg12 : memref<!tpu.dma_semaphore, #tpu.memory_space<semaphore_mem>>) src(%dma_wait3A_51 : memref<8192x128xf32, #tpu.memory_space<any>>) dst(%arg8 : memref<8192x128xf32, #tpu.memory_space<vmem>>)
    %get3A_52 = arith.constant 0 : index
    %get3A_53 = arith.constant 0 : index
    %get3A_54 = vector.load %arg8[%get3A_52, %get3A_53] : memref<8192x128xf32, #tpu.memory_space<vmem>>, vector<8192x128xf32>
    %dot_general3A_55 = arith.constant dense<0.000000e+00> : vector<1x8192xf32>
    %dot_general3A_56 = tpu.matmul %broadcast_in_dim3A, %get3A_54, %dot_general3A_55 {dimension_numbers = #tpu.dot_dimension_numbers<[1], [1], [0], [0], [0, 0, 1, 0], [], []>, transpose_lhs_hint = false} : vector<1x128xf32>, vector<8192x128xf32>, vector<1x8192xf32> -> vector<1x8192xf32>
    %get3A_57 = arith.constant 0 : index
    %get3A_58 = arith.constant 16384 : index
    %get3A_59 = vector.load %arg2[%get3A_57, %get3A_58] : memref<1x98304xf32, #tpu.memory_space<vmem>>, vector<1x8192xf32>
    %add3A_60 = arith.addf %dot_general3A_56, %get3A_59 : vector<1x8192xf32>
    %swap3A_61 = arith.constant 0 : index
    %swap3A_62 = arith.constant 16384 : index
    %swap3A_63 = vector.load %arg4[%swap3A_61, %swap3A_62] : memref<1x98304xf32, #tpu.memory_space<vmem>>, vector<1x8192xf32>
    tpu.vector_store %arg4[%swap3A_61, %swap3A_62], %add3A_60 {strides = array<i32>} : memref<1x98304xf32, #tpu.memory_space<vmem>>, vector<1x8192xf32>,
    %dma_start3A_64 = arith.constant 49152 : i32
    %dma_start3A_65 = arith.constant 0 : i32
    %dma_start3A_66 = tpu.memref_slice %arg1[%dma_start3A_64, %dma_start3A_65] : memref<100000x128xf32, #tpu.memory_space<any>> -> memref<8192x128xf32, #tpu.memory_space<any>>
    tpu.enqueue_dma source(%dma_start3A_66 : memref<8192x128xf32, #tpu.memory_space<any>>) target(%arg8 : memref<8192x128xf32, #tpu.memory_space<vmem>>) target_semaphore(%arg12 : memref<!tpu.dma_semaphore, #tpu.memory_space<semaphore_mem>>)
    %dma_wait3A_67 = arith.constant 24576 : i32
    %dma_wait3A_68 = arith.constant 0 : i32
    %dma_wait3A_69 = tpu.memref_slice %arg1[%dma_wait3A_67, %dma_wait3A_68] : memref<100000x128xf32, #tpu.memory_space<any>> -> memref<8192x128xf32, #tpu.memory_space<any>>
    tpu.wait_dma2 semaphore(%arg13 : memref<!tpu.dma_semaphore, #tpu.memory_space<semaphore_mem>>) src(%dma_wait3A_69 : memref<8192x128xf32, #tpu.memory_space<any>>) dst(%arg9 : memref<8192x128xf32, #tpu.memory_space<vmem>>)
    %get3A_70 = arith.constant 0 : index
    %get3A_71 = arith.constant 0 : index
    %get3A_72 = vector.load %arg9[%get3A_70, %get3A_71] : memref<8192x128xf32, #tpu.memory_space<vmem>>, vector<8192x128xf32>
    %dot_general3A_73 = arith.constant dense<0.000000e+00> : vector<1x8192xf32>
    %dot_general3A_74 = tpu.matmul %broadcast_in_dim3A, %get3A_72, %dot_general3A_73 {dimension_numbers = #tpu.dot_dimension_numbers<[1], [1], [0], [0], [0, 0, 1, 0], [], []>, transpose_lhs_hint = false} : vector<1x128xf32>, vector<8192x128xf32>, vector<1x8192xf32> -> vector<1x8192xf32>
    %get3A_75 = arith.constant 0 : index
    %get3A_76 = arith.constant 24576 : index
    %get3A_77 = vector.load %arg2[%get3A_75, %get3A_76] : memref<1x98304xf32, #tpu.memory_space<vmem>>, vector<1x8192xf32>
    %add3A_78 = arith.addf %dot_general3A_74, %get3A_77 : vector<1x8192xf32>
    %swap3A_79 = arith.constant 0 : index
    %swap3A_80 = arith.constant 24576 : index
    %swap3A_81 = vector.load %arg4[%swap3A_79, %swap3A_80] : memref<1x98304xf32, #tpu.memory_space<vmem>>, vector<1x8192xf32>
    tpu.vector_store %arg4[%swap3A_79, %swap3A_80], %add3A_78 {strides = array<i32>} : memref<1x98304xf32, #tpu.memory_space<vmem>>, vector<1x8192xf32>,
    %dma_start3A_82 = arith.constant 57344 : i32
    %dma_start3A_83 = arith.constant 0 : i32
    %dma_start3A_84 = tpu.memref_slice %arg1[%dma_start3A_82, %dma_start3A_83] : memref<100000x128xf32, #tpu.memory_space<any>> -> memref<8192x128xf32, #tpu.memory_space<any>>
    tpu.enqueue_dma source(%dma_start3A_84 : memref<8192x128xf32, #tpu.memory_space<any>>) target(%arg9 : memref<8192x128xf32, #tpu.memory_space<vmem>>) target_semaphore(%arg13 : memref<!tpu.dma_semaphore, #tpu.memory_space<semaphore_mem>>)
    %dma_wait3A_85 = arith.constant 32768 : i32
    %dma_wait3A_86 = arith.constant 0 : i32
    %dma_wait3A_87 = tpu.memref_slice %arg1[%dma_wait3A_85, %dma_wait3A_86] : memref<100000x128xf32, #tpu.memory_space<any>> -> memref<8192x128xf32, #tpu.memory_space<any>>
    tpu.wait_dma2 semaphore(%arg10 : memref<!tpu.dma_semaphore, #tpu.memory_space<semaphore_mem>>) src(%dma_wait3A_87 : memref<8192x128xf32, #tpu.memory_space<any>>) dst(%arg6 : memref<8192x128xf32, #tpu.memory_space<vmem>>)
    %get3A_88 = arith.constant 0 : index
    %get3A_89 = arith.constant 0 : index
    %get3A_90 = vector.load %arg6[%get3A_88, %get3A_89] : memref<8192x128xf32, #tpu.memory_space<vmem>>, vector<8192x128xf32>
    %dot_general3A_91 = arith.constant dense<0.000000e+00> : vector<1x8192xf32>
    %dot_general3A_92 = tpu.matmul %broadcast_in_dim3A, %get3A_90, %dot_general3A_91 {dimension_numbers = #tpu.dot_dimension_numbers<[1], [1], [0], [0], [0, 0, 1, 0], [], []>, transpose_lhs_hint = false} : vector<1x128xf32>, vector<8192x128xf32>, vector<1x8192xf32> -> vector<1x8192xf32>
    %get3A_93 = arith.constant 0 : index
    %get3A_94 = arith.constant 32768 : index
    %get3A_95 = vector.load %arg2[%get3A_93, %get3A_94] : memref<1x98304xf32, #tpu.memory_space<vmem>>, vector<1x8192xf32>
    %add3A_96 = arith.addf %dot_general3A_92, %get3A_95 : vector<1x8192xf32>
    %swap3A_97 = arith.constant 0 : index
    %swap3A_98 = arith.constant 32768 : index
    %swap3A_99 = vector.load %arg4[%swap3A_97, %swap3A_98] : memref<1x98304xf32, #tpu.memory_space<vmem>>, vector<1x8192xf32>
    tpu.vector_store %arg4[%swap3A_97, %swap3A_98], %add3A_96 {strides = array<i32>} : memref<1x98304xf32, #tpu.memory_space<vmem>>, vector<1x8192xf32>,
    %dma_start3A_100 = arith.constant 65536 : i32
    %dma_start3A_101 = arith.constant 0 : i32
    %dma_start3A_102 = tpu.memref_slice %arg1[%dma_start3A_100, %dma_start3A_101] : memref<100000x128xf32, #tpu.memory_space<any>> -> memref<8192x128xf32, #tpu.memory_space<any>>
    tpu.enqueue_dma source(%dma_start3A_102 : memref<8192x128xf32, #tpu.memory_space<any>>) target(%arg6 : memref<8192x128xf32, #tpu.memory_space<vmem>>) target_semaphore(%arg10 : memref<!tpu.dma_semaphore, #tpu.memory_space<semaphore_mem>>)
    %dma_wait3A_103 = arith.constant 40960 : i32
    %dma_wait3A_104 = arith.constant 0 : i32
    %dma_wait3A_105 = tpu.memref_slice %arg1[%dma_wait3A_103, %dma_wait3A_104] : memref<100000x128xf32, #tpu.memory_space<any>> -> memref<8192x128xf32, #tpu.memory_space<any>>
    tpu.wait_dma2 semaphore(%arg11 : memref<!tpu.dma_semaphore, #tpu.memory_space<semaphore_mem>>) src(%dma_wait3A_105 : memref<8192x128xf32, #tpu.memory_space<any>>) dst(%arg7 : memref<8192x128xf32, #tpu.memory_space<vmem>>)
    %get3A_106 = arith.constant 0 : index
    %get3A_107 = arith.constant 0 : index
    %get3A_108 = vector.load %arg7[%get3A_106, %get3A_107] : memref<8192x128xf32, #tpu.memory_space<vmem>>, vector<8192x128xf32>
    %dot_general3A_109 = arith.constant dense<0.000000e+00> : vector<1x8192xf32>
    %dot_general3A_110 = tpu.matmul %broadcast_in_dim3A, %get3A_108, %dot_general3A_109 {dimension_numbers = #tpu.dot_dimension_numbers<[1], [1], [0], [0], [0, 0, 1, 0], [], []>, transpose_lhs_hint = false} : vector<1x128xf32>, vector<8192x128xf32>, vector<1x8192xf32> -> vector<1x8192xf32>
    %get3A_111 = arith.constant 0 : index
    %get3A_112 = arith.constant 40960 : index
    %get3A_113 = vector.load %arg2[%get3A_111, %get3A_112] : memref<1x98304xf32, #tpu.memory_space<vmem>>, vector<1x8192xf32>
    %add3A_114 = arith.addf %dot_general3A_110, %get3A_113 : vector<1x8192xf32>
    %swap3A_115 = arith.constant 0 : index
    %swap3A_116 = arith.constant 40960 : index
    %swap3A_117 = vector.load %arg4[%swap3A_115, %swap3A_116] : memref<1x98304xf32, #tpu.memory_space<vmem>>, vector<1x8192xf32>
    tpu.vector_store %arg4[%swap3A_115, %swap3A_116], %add3A_114 {strides = array<i32>} : memref<1x98304xf32, #tpu.memory_space<vmem>>, vector<1x8192xf32>,
    %dma_start3A_118 = arith.constant 73728 : i32
    %dma_start3A_119 = arith.constant 0 : i32
    %dma_start3A_120 = tpu.memref_slice %arg1[%dma_start3A_118, %dma_start3A_119] : memref<100000x128xf32, #tpu.memory_space<any>> -> memref<8192x128xf32, #tpu.memory_space<any>>
    tpu.enqueue_dma source(%dma_start3A_120 : memref<8192x128xf32, #tpu.memory_space<any>>) target(%arg7 : memref<8192x128xf32, #tpu.memory_space<vmem>>) target_semaphore(%arg11 : memref<!tpu.dma_semaphore, #tpu.memory_space<semaphore_mem>>)
    %dma_wait3A_121 = arith.constant 49152 : i32
    %dma_wait3A_122 = arith.constant 0 : i32
    %dma_wait3A_123 = tpu.memref_slice %arg1[%dma_wait3A_121, %dma_wait3A_122] : memref<100000x128xf32, #tpu.memory_space<any>> -> memref<8192x128xf32, #tpu.memory_space<any>>
    tpu.wait_dma2 semaphore(%arg12 : memref<!tpu.dma_semaphore, #tpu.memory_space<semaphore_mem>>) src(%dma_wait3A_123 : memref<8192x128xf32, #tpu.memory_space<any>>) dst(%arg8 : memref<8192x128xf32, #tpu.memory_space<vmem>>)
    %get3A_124 = arith.constant 0 : index
    %get3A_125 = arith.constant 0 : index
    %get3A_126 = vector.load %arg8[%get3A_124, %get3A_125] : memref<8192x128xf32, #tpu.memory_space<vmem>>, vector<8192x128xf32>
    %dot_general3A_127 = arith.constant dense<0.000000e+00> : vector<1x8192xf32>
    %dot_general3A_128 = tpu.matmul %broadcast_in_dim3A, %get3A_126, %dot_general3A_127 {dimension_numbers = #tpu.dot_dimension_numbers<[1], [1], [0], [0], [0, 0, 1, 0], [], []>, transpose_lhs_hint = false} : vector<1x128xf32>, vector<8192x128xf32>, vector<1x8192xf32> -> vector<1x8192xf32>
    %get3A_129 = arith.constant 0 : index
    %get3A_130 = arith.constant 49152 : index
    %get3A_131 = vector.load %arg2[%get3A_129, %get3A_130] : memref<1x98304xf32, #tpu.memory_space<vmem>>, vector<1x8192xf32>
    %add3A_132 = arith.addf %dot_general3A_128, %get3A_131 : vector<1x8192xf32>
    %swap3A_133 = arith.constant 0 : index
    %swap3A_134 = arith.constant 49152 : index
    %swap3A_135 = vector.load %arg4[%swap3A_133, %swap3A_134] : memref<1x98304xf32, #tpu.memory_space<vmem>>, vector<1x8192xf32>
    tpu.vector_store %arg4[%swap3A_133, %swap3A_134], %add3A_132 {strides = array<i32>} : memref<1x98304xf32, #tpu.memory_space<vmem>>, vector<1x8192xf32>,
    %dma_start3A_136 = arith.constant 81920 : i32
    %dma_start3A_137 = arith.constant 0 : i32
    %dma_start3A_138 = tpu.memref_slice %arg1[%dma_start3A_136, %dma_start3A_137] : memref<100000x128xf32, #tpu.memory_space<any>> -> memref<8192x128xf32, #tpu.memory_space<any>>
    tpu.enqueue_dma source(%dma_start3A_138 : memref<8192x128xf32, #tpu.memory_space<any>>) target(%arg8 : memref<8192x128xf32, #tpu.memory_space<vmem>>) target_semaphore(%arg12 : memref<!tpu.dma_semaphore, #tpu.memory_space<semaphore_mem>>)
    %dma_wait3A_139 = arith.constant 57344 : i32
    %dma_wait3A_140 = arith.constant 0 : i32
    %dma_wait3A_141 = tpu.memref_slice %arg1[%dma_wait3A_139, %dma_wait3A_140] : memref<100000x128xf32, #tpu.memory_space<any>> -> memref<8192x128xf32, #tpu.memory_space<any>>
    tpu.wait_dma2 semaphore(%arg13 : memref<!tpu.dma_semaphore, #tpu.memory_space<semaphore_mem>>) src(%dma_wait3A_141 : memref<8192x128xf32, #tpu.memory_space<any>>) dst(%arg9 : memref<8192x128xf32, #tpu.memory_space<vmem>>)
    %get3A_142 = arith.constant 0 : index
    %get3A_143 = arith.constant 0 : index
    %get3A_144 = vector.load %arg9[%get3A_142, %get3A_143] : memref<8192x128xf32, #tpu.memory_space<vmem>>, vector<8192x128xf32>
    %dot_general3A_145 = arith.constant dense<0.000000e+00> : vector<1x8192xf32>
    %dot_general3A_146 = tpu.matmul %broadcast_in_dim3A, %get3A_144, %dot_general3A_145 {dimension_numbers = #tpu.dot_dimension_numbers<[1], [1], [0], [0], [0, 0, 1, 0], [], []>, transpose_lhs_hint = false} : vector<1x128xf32>, vector<8192x128xf32>, vector<1x8192xf32> -> vector<1x8192xf32>
    %get3A_147 = arith.constant 0 : index
    %get3A_148 = arith.constant 57344 : index
    %get3A_149 = vector.load %arg2[%get3A_147, %get3A_148] : memref<1x98304xf32, #tpu.memory_space<vmem>>, vector<1x8192xf32>
    %add3A_150 = arith.addf %dot_general3A_146, %get3A_149 : vector<1x8192xf32>
    %swap3A_151 = arith.constant 0 : index
    %swap3A_152 = arith.constant 57344 : index
    %swap3A_153 = vector.load %arg4[%swap3A_151, %swap3A_152] : memref<1x98304xf32, #tpu.memory_space<vmem>>, vector<1x8192xf32>
    tpu.vector_store %arg4[%swap3A_151, %swap3A_152], %add3A_150 {strides = array<i32>} : memref<1x98304xf32, #tpu.memory_space<vmem>>, vector<1x8192xf32>,
    %dma_start3A_154 = arith.constant 90112 : i32
    %dma_start3A_155 = arith.constant 0 : i32
    %dma_start3A_156 = tpu.memref_slice %arg1[%dma_start3A_154, %dma_start3A_155] : memref<100000x128xf32, #tpu.memory_space<any>> -> memref<8192x128xf32, #tpu.memory_space<any>>
    tpu.enqueue_dma source(%dma_start3A_156 : memref<8192x128xf32, #tpu.memory_space<any>>) target(%arg9 : memref<8192x128xf32, #tpu.memory_space<vmem>>) target_semaphore(%arg13 : memref<!tpu.dma_semaphore, #tpu.memory_space<semaphore_mem>>)
    %dma_wait3A_157 = arith.constant 65536 : i32
    %dma_wait3A_158 = arith.constant 0 : i32
    %dma_wait3A_159 = tpu.memref_slice %arg1[%dma_wait3A_157, %dma_wait3A_158] : memref<100000x128xf32, #tpu.memory_space<any>> -> memref<8192x128xf32, #tpu.memory_space<any>>
    tpu.wait_dma2 semaphore(%arg10 : memref<!tpu.dma_semaphore, #tpu.memory_space<semaphore_mem>>) src(%dma_wait3A_159 : memref<8192x128xf32, #tpu.memory_space<any>>) dst(%arg6 : memref<8192x128xf32, #tpu.memory_space<vmem>>)
    %get3A_160 = arith.constant 0 : index
    %get3A_161 = arith.constant 0 : index
    %get3A_162 = vector.load %arg6[%get3A_160, %get3A_161] : memref<8192x128xf32, #tpu.memory_space<vmem>>, vector<8192x128xf32>
    %dot_general3A_163 = arith.constant dense<0.000000e+00> : vector<1x8192xf32>
    %dot_general3A_164 = tpu.matmul %broadcast_in_dim3A, %get3A_162, %dot_general3A_163 {dimension_numbers = #tpu.dot_dimension_numbers<[1], [1], [0], [0], [0, 0, 1, 0], [], []>, transpose_lhs_hint = false} : vector<1x128xf32>, vector<8192x128xf32>, vector<1x8192xf32> -> vector<1x8192xf32>
    %get3A_165 = arith.constant 0 : index
    %get3A_166 = arith.constant 65536 : index
    %get3A_167 = vector.load %arg2[%get3A_165, %get3A_166] : memref<1x98304xf32, #tpu.memory_space<vmem>>, vector<1x8192xf32>
    %add3A_168 = arith.addf %dot_general3A_164, %get3A_167 : vector<1x8192xf32>
    %swap3A_169 = arith.constant 0 : index
    %swap3A_170 = arith.constant 65536 : index
    %swap3A_171 = vector.load %arg4[%swap3A_169, %swap3A_170] : memref<1x98304xf32, #tpu.memory_space<vmem>>, vector<1x8192xf32>
    tpu.vector_store %arg4[%swap3A_169, %swap3A_170], %add3A_168 {strides = array<i32>} : memref<1x98304xf32, #tpu.memory_space<vmem>>, vector<1x8192xf32>,
    %dma_wait3A_172 = arith.constant 73728 : i32
    %dma_wait3A_173 = arith.constant 0 : i32
    %dma_wait3A_174 = tpu.memref_slice %arg1[%dma_wait3A_172, %dma_wait3A_173] : memref<100000x128xf32, #tpu.memory_space<any>> -> memref<8192x128xf32, #tpu.memory_space<any>>
    tpu.wait_dma2 semaphore(%arg11 : memref<!tpu.dma_semaphore, #tpu.memory_space<semaphore_mem>>) src(%dma_wait3A_174 : memref<8192x128xf32, #tpu.memory_space<any>>) dst(%arg7 : memref<8192x128xf32, #tpu.memory_space<vmem>>)
    %get3A_175 = arith.constant 0 : index
    %get3A_176 = arith.constant 0 : index
    %get3A_177 = vector.load %arg7[%get3A_175, %get3A_176] : memref<8192x128xf32, #tpu.memory_space<vmem>>, vector<8192x128xf32>
    %dot_general3A_178 = arith.constant dense<0.000000e+00> : vector<1x8192xf32>
    %dot_general3A_179 = tpu.matmul %broadcast_in_dim3A, %get3A_177, %dot_general3A_178 {dimension_numbers = #tpu.dot_dimension_numbers<[1], [1], [0], [0], [0, 0, 1, 0], [], []>, transpose_lhs_hint = false} : vector<1x128xf32>, vector<8192x128xf32>, vector<1x8192xf32> -> vector<1x8192xf32>
    %get3A_180 = arith.constant 0 : index
    %get3A_181 = arith.constant 73728 : index
    %get3A_182 = vector.load %arg2[%get3A_180, %get3A_181] : memref<1x98304xf32, #tpu.memory_space<vmem>>, vector<1x8192xf32>
    %add3A_183 = arith.addf %dot_general3A_179, %get3A_182 : vector<1x8192xf32>
    %swap3A_184 = arith.constant 0 : index
    %swap3A_185 = arith.constant 73728 : index
    %swap3A_186 = vector.load %arg4[%swap3A_184, %swap3A_185] : memref<1x98304xf32, #tpu.memory_space<vmem>>, vector<1x8192xf32>
    tpu.vector_store %arg4[%swap3A_184, %swap3A_185], %add3A_183 {strides = array<i32>} : memref<1x98304xf32, #tpu.memory_space<vmem>>, vector<1x8192xf32>,
    %dma_wait3A_187 = arith.constant 81920 : i32
    %dma_wait3A_188 = arith.constant 0 : i32
    %dma_wait3A_189 = tpu.memref_slice %arg1[%dma_wait3A_187, %dma_wait3A_188] : memref<100000x128xf32, #tpu.memory_space<any>> -> memref<8192x128xf32, #tpu.memory_space<any>>
    tpu.wait_dma2 semaphore(%arg12 : memref<!tpu.dma_semaphore, #tpu.memory_space<semaphore_mem>>) src(%dma_wait3A_189 : memref<8192x128xf32, #tpu.memory_space<any>>) dst(%arg8 : memref<8192x128xf32, #tpu.memory_space<vmem>>)
    %get3A_190 = arith.constant 0 : index
    %get3A_191 = arith.constant 0 : index
    %get3A_192 = vector.load %arg8[%get3A_190, %get3A_191] : memref<8192x128xf32, #tpu.memory_space<vmem>>, vector<8192x128xf32>
    %dot_general3A_193 = arith.constant dense<0.000000e+00> : vector<1x8192xf32>
    %dot_general3A_194 = tpu.matmul %broadcast_in_dim3A, %get3A_192, %dot_general3A_193 {dimension_numbers = #tpu.dot_dimension_numbers<[1], [1], [0], [0], [0, 0, 1, 0], [], []>, transpose_lhs_hint = false} : vector<1x128xf32>, vector<8192x128xf32>, vector<1x8192xf32> -> vector<1x8192xf32>
    %get3A_195 = arith.constant 0 : index
    %get3A_196 = arith.constant 81920 : index
    %get3A_197 = vector.load %arg2[%get3A_195, %get3A_196] : memref<1x98304xf32, #tpu.memory_space<vmem>>, vector<1x8192xf32>
    %add3A_198 = arith.addf %dot_general3A_194, %get3A_197 : vector<1x8192xf32>
    %swap3A_199 = arith.constant 0 : index
    %swap3A_200 = arith.constant 81920 : index
    %swap3A_201 = vector.load %arg4[%swap3A_199, %swap3A_200] : memref<1x98304xf32, #tpu.memory_space<vmem>>, vector<1x8192xf32>
    tpu.vector_store %arg4[%swap3A_199, %swap3A_200], %add3A_198 {strides = array<i32>} : memref<1x98304xf32, #tpu.memory_space<vmem>>, vector<1x8192xf32>,
    %dma_wait3A_202 = arith.constant 90112 : i32
    %dma_wait3A_203 = arith.constant 0 : i32
    %dma_wait3A_204 = tpu.memref_slice %arg1[%dma_wait3A_202, %dma_wait3A_203] : memref<100000x128xf32, #tpu.memory_space<any>> -> memref<8192x128xf32, #tpu.memory_space<any>>
    tpu.wait_dma2 semaphore(%arg13 : memref<!tpu.dma_semaphore, #tpu.memory_space<semaphore_mem>>) src(%dma_wait3A_204 : memref<8192x128xf32, #tpu.memory_space<any>>) dst(%arg9 : memref<8192x128xf32, #tpu.memory_space<vmem>>)
    %get3A_205 = arith.constant 0 : index
    %get3A_206 = arith.constant 0 : index
    %get3A_207 = vector.load %arg9[%get3A_205, %get3A_206] : memref<8192x128xf32, #tpu.memory_space<vmem>>, vector<8192x128xf32>
    %dot_general3A_208 = arith.constant dense<0.000000e+00> : vector<1x8192xf32>
    %dot_general3A_209 = tpu.matmul %broadcast_in_dim3A, %get3A_207, %dot_general3A_208 {dimension_numbers = #tpu.dot_dimension_numbers<[1], [1], [0], [0], [0, 0, 1, 0], [], []>, transpose_lhs_hint = false} : vector<1x128xf32>, vector<8192x128xf32>, vector<1x8192xf32> -> vector<1x8192xf32>
    %get3A_210 = arith.constant 0 : index
    %get3A_211 = arith.constant 90112 : index
    %get3A_212 = vector.load %arg2[%get3A_210, %get3A_211] : memref<1x98304xf32, #tpu.memory_space<vmem>>, vector<1x8192xf32>
    %add3A_213 = arith.addf %dot_general3A_209, %get3A_212 : vector<1x8192xf32>
    %swap3A_214 = arith.constant 0 : index
    %swap3A_215 = arith.constant 90112 : index
    %swap3A_216 = vector.load %arg4[%swap3A_214, %swap3A_215] : memref<1x98304xf32, #tpu.memory_space<vmem>>, vector<1x8192xf32>
    tpu.vector_store %arg4[%swap3A_214, %swap3A_215], %add3A_213 {strides = array<i32>} : memref<1x98304xf32, #tpu.memory_space<vmem>>, vector<1x8192xf32>,
    %dma_wait3A_217 = arith.constant 98304 : i32
    %dma_wait3A_218 = arith.constant 0 : i32
    %dma_wait3A_219 = tpu.memref_slice %arg1[%dma_wait3A_217, %dma_wait3A_218] : memref<100000x128xf32, #tpu.memory_space<any>> -> memref<1696x128xf32, #tpu.memory_space<any>>
    tpu.wait_dma2 semaphore(%arg15 : memref<!tpu.dma_semaphore, #tpu.memory_space<semaphore_mem>>) src(%dma_wait3A_219 : memref<1696x128xf32, #tpu.memory_space<any>>) dst(%arg14 : memref<1696x128xf32, #tpu.memory_space<vmem>>)
    %get3A_220 = arith.constant 0 : index
    %get3A_221 = arith.constant 0 : index
    %get3A_222 = vector.load %arg14[%get3A_220, %get3A_221] : memref<1696x128xf32, #tpu.memory_space<vmem>>, vector<1696x128xf32>
    %dot_general3A_223 = arith.constant dense<0.000000e+00> : vector<1x1696xf32>
    %dot_general3A_224 = tpu.matmul %broadcast_in_dim3A, %get3A_222, %dot_general3A_223 {dimension_numbers = #tpu.dot_dimension_numbers<[1], [1], [0], [0], [0, 0, 1, 0], [], []>, transpose_lhs_hint = false} : vector<1x128xf32>, vector<1696x128xf32>, vector<1x1696xf32> -> vector<1x1696xf32>
    %get3A_225 = arith.constant 0 : index
    %get3A_226 = arith.constant 0 : index
    %get3A_227 = vector.load %arg3[%get3A_225, %get3A_226] : memref<1x1696xf32, #tpu.memory_space<vmem>>, vector<1x1696xf32>
    %add3A_228 = arith.addf %dot_general3A_224, %get3A_227 : vector<1x1696xf32>
    %swap3A_229 = arith.constant 0 : index
    %swap3A_230 = arith.constant 0 : index
    %swap3A_231 = vector.load %arg5[%swap3A_229, %swap3A_230] : memref<1x1696xf32, #tpu.memory_space<vmem>>, vector<1x1696xf32>
    tpu.vector_store %arg5[%swap3A_229, %swap3A_230], %add3A_228 {strides = array<i32>} : memref<1x1696xf32, #tpu.memory_space<vmem>>, vector<1x1696xf32>,
    return
  }
}

</mosaic_0001>

<sc_bundles>
// kernel: kernel.4.cloned.1.call-start
scs
__scs_entry_jumppad:
0x0: {  	(pc) =	sbr.rel $0x88, $3  }
0x1: {  	(tag) =	ssettag $0x0;
	lr =	simm.s32 $0x1  }
0x2: {  	[smem:$0x3F9D] =	sst lr;
	_ =	strace $0xD0000000  }
0x3: {  	_ = 	snop  }
0x4: {  	_ = 	snop  }
0x5: {  	_ = 	snop  }
0x6: {  	_ = 	snop  }
0x7: {  	_ = 	snop  }
__scs_overlays_trampoline_lowered:
0x8: {  	[smem:$0x3FAC] =	sst s0  }
0x9: {  	[smem:$0x3FAD] =	sst s1  }
0xa: {  	[smem:$0x3FAE] =	sst s2  }
0xb: {  	[smem:$0x3FAF] =	sst s3  }
0xc: {  	[smem:$0x3FB0] =	sst s4  }
0xd: {  	[smem:$0x3FB1] =	sst s5  }
0xe: {  	[smem:$0x3FB2] =	sst s6  }
0xf: {  	[smem:$0x3FB3] =	sst s7  }
0x10: {  	[smem:$0x3FB4] =	sst s8  }
0x11: {  	[smem:$0x3FB5] =	sst s9;
	s0 =	simm.s32 @!p0 $0x0  }
0x12: {  	s1 =	sld [smem:$0x3F9B];
	s0 =	simm.s32 @p0 $0x1  }
0x13: {  	[smem:$0x3FB6] =	sst s0;
	s0 =	simm.s32 @!p1 $0x0  }
0x14: {  	s2 =	sld [smem:$0x3F9A];
	s0 =	simm.s32 @p1 $0x1  }
0x15: {  	[smem:$0x3FB7] =	sst s0;
	s0 =	simm.s32 @!p2 $0x0  }
0x16: {  	s3 =	sld [smem:$0x3FDB];
	s0 =	simm.s32 @p2 $0x1  }
0x17: {  	s4 =	simm.s32 $0x1BF5;
	[smem:$0x3FB9] =	sst s0  }
0x18: {  	s0 =	sld [smem:$0x3F9C];
	_ =	swait.ge [sflag:s4], $0x0  }
0x19: {  	s7 =	sld [smem:$0x3F9D]  }
0x1a: {  	s8 =	sadd.s32 $0xFFFFE003, lr  }
0x1b: {  	s9 =	sadd.s32 $0xFFFFFEF7, lr;
	s5 =	simm.s32 $0xFFFFFFFF;
	p2 =	slt.u32 s8, $0xFFFFF086  }
0x1c: {  	p1 =	slt.u32 s9, $0xF7A;
	s5 =	simm.s32 @!p2 $0x0  }
0x1d: {  	s5 =	simm.s32 @p1 $0x1;
	p0 =	seq.s32 s7, s2  }
0x1e: {  	s7 =	smul.u32 @!p0 $0xF7A, s2;
	p2 =	seq.s32 @!p0 s5, $0x0  }
0x1f: {  	s9 =	smul.u32 $0xF7A, s1;
	s8 =	simm.s32 @!p0 $0x1BF5;
	p2 =	por !p2, p0  }
0x20: {  	[sflag:s8] =	ssyncset.s32 @!p0 $0xFFFFF086;
	s6 =	sadd.s32 @!p0 s3, s7;
	s7 =	simm.s32 @!p0 $0x108  }
0x21: {  	s3 =	sadd.s32 s3, s9;
	s6 =	sadd.s32 @!p0 $0x88, s6;
	s7 =	simm.s32 @p2 $0x1082  }
0x22: {  	[simem:s7], [sflag:s8] =	dma.local @!p0 [hbm:s6], $0xF7A  }
0x23: {  	s9 =	sor.u32 $0xD0000000, s2;
	s6 =	simm.s32 $0x108;
	_ =	swait.ge @!p0 [sflag:s8], $0x0  }
0x24: {  	s3 =	sadd.s32 $0x88, s3;
	s6 =	simm.s32 @!p1 $0x1082;
	[sflag:s4] =	ssyncset.s32 $0xFFFFF086  }
0x25: {  	[simem:s6], [sflag:s4] =	dma.local [hbm:s3], $0xF7A  }
0x26: {  	[smem:$0x3F9D] =	sst s1;
	(tag) =	ssettag s2;
	_ =	strace s9  }
0x27: {  	s1 =	sld [smem:$0x3FAD]  }
0x28: {  	s2 =	sld [smem:$0x3FAE]  }
0x29: {  	s4 =	sld [smem:$0x3FB0]  }
0x2a: {  	p0 =	seq.s32 s5, $0x0;
	s5 =	sld [smem:$0x3FB1]  }
0x2b: {  	s6 =	sld [smem:$0x3FB2]  }
0x2c: {  	s7 =	sld [smem:$0x3FB3]  }
0x2d: {  	s3 =	simm.s32 $0x108;
	s8 =	sld [smem:$0x3FB4]  }
0x2e: {  	s3 =	simm.s32 @!p0 $0x1082;
	s9 =	sld [smem:$0x3FB5]  }
0x2f: {  	lr =	sadd.s32 s0, s3;
	s0 =	sld [smem:$0x3FAC]  }
0x30: {  	s3 =	sld [smem:$0x3FAF]  }
0x31: {  	[smem:$0x3FB8] =	sst s10  }
0x32: {  	s10 =	sld [smem:$0x3FB6];
	_ =	sdelay $0x3  }
0x33: {  	p0 =	seq.s32 s10, $0x1;
	s10 =	sld [smem:$0x3FB8];
	_ =	sdelay $0x3  }
0x34: {  	[smem:$0x3FB8] =	sst s10  }
0x35: {  	s10 =	sld [smem:$0x3FB7];
	_ =	sdelay $0x3  }
0x36: {  	p1 =	seq.s32 s10, $0x1;
	s10 =	sld [smem:$0x3FB8];
	_ =	sdelay $0x3  }
0x37: {  	[smem:$0x3FB8] =	sst s10  }
0x38: {  	s10 =	sld [smem:$0x3FB9]  }
0x39: {  	_ = 	snop;
	(pc) =	sbr.ind lr, $3  }
0x3a: {  	_ = 	snop  }
0x3b: {  	_ = 	snop  }
0x3c: {  	p2 =	seq.s32 s10, $0x1;
	s10 =	sld [smem:$0x3FB8]  }
0x3d: {  	_ =	shalt  }
0x3e: {  	_ =	shalt  }
0x3f: {  	_ =	shalt  }
0x40: {  	_ =	shalt  }
0x41: {  	_ =	shalt  }
0x42: {  	_ =	shalt  }
0x43: {  	_ =	shalt  }
0x44: {  	_ =	shalt  }
0x45: {  	_ =	shalt  }
0x46: {  	_ =	shalt  }
0x47: {  	_ =	shalt  }
0x48: {  	_ =	shalt  }
0x49: {  	_ =	shalt  }
0x4a: {  	_ =	shalt  }
0x4b: {  	_ =	shalt  }
0x4c: {  	_ =	shalt  }
0x4d: {  	_ =	shalt  }
0x4e: {  	_ =	shalt  }
0x4f: {  	_ =	shalt  }
0x50: {  	_ =	shalt  }
0x51: {  	_ =	shalt  }
0x52: {  	_ =	shalt  }
0x53: {  	_ =	shalt  }
0x54: {  	_ =	shalt  }
0x55: {  	_ =	shalt  }
0x56: {  	_ =	shalt  }
0x57: {  	_ =	shalt  }
0x58: {  	_ =	shalt  }
0x59: {  	_ =	shalt  }
0x5a: {  	_ =	shalt  }
0x5b: {  	_ =	shalt  }
0x5c: {  	_ =	shalt  }
0x5d: {  	_ =	shalt  }
0x5e: {  	_ =	shalt  }
0x5f: {  	_ =	shalt  }
0x60: {  	_ =	shalt  }
0x61: {  	_ =	shalt  }
0x62: {  	_ =	shalt  }
0x63: {  	_ =	shalt  }
0x64: {  	_ =	shalt  }
0x65: {  	_ =	shalt  }
0x66: {  	_ =	shalt  }
0x67: {  	_ =	shalt  }
0x68: {  	_ =	shalt  }
0x69: {  	_ =	shalt  }
0x6a: {  	_ =	shalt  }
0x6b: {  	_ =	shalt  }
0x6c: {  	_ =	shalt  }
0x6d: {  	_ =	shalt  }
0x6e: {  	_ =	shalt  }
0x6f: {  	_ =	shalt  }
0x70: {  	_ =	shalt  }
0x71: {  	_ =	shalt  }
0x72: {  	_ =	shalt  }
0x73: {  	_ =	shalt  }
0x74: {  	_ =	shalt  }
0x75: {  	_ =	shalt  }
0x76: {  	_ =	shalt  }
0x77: {  	_ =	shalt  }
0x78: {  	_ =	shalt  }
0x79: {  	_ =	shalt  }
0x7a: {  	_ =	shalt  }
0x7b: {  	_ =	shalt  }
0x7c: {  	_ =	shalt  }
0x7d: {  	_ =	shalt  }
0x7e: {  	_ =	shalt  }
0x7f: {  	_ =	shalt  }
0x80: {  	_ =	shalt  }
0x81: {  	_ =	shalt  }
0x82: {  	_ =	shalt  }
0x83: {  	_ =	shalt  }
0x84: {  	_ =	shalt  }
0x85: {  	_ =	shalt  }
0x86: {  	_ =	shalt  }
0x87: {  	_ =	shalt  }
.Lfunc_end0:
.L_simem_size_0:
called_computation_lowered:
.L_overlay_start_0:
0x88: {  	s2 =	sld [smem:$0x3FD9]  }
0x89: {  	s3 =	sld [smem:$0x3FFE];
	_ =	sdelay $0x1  }
0x8a: {  	s1 =	srdreg.scid  }
0x8b: {  	s0 =	sand.u32 $0x1, s1  }
0x8c: {  	s18 =	sshll.u32 s0, $0xA;
	s2 =	sadd.s32 s3, s2  }
0x8d: {  	s2 =	sadd.s32 s2, s18  }
0x8e: {  	[smem:$0x3FC4] =	sst s2  }
0x8f: {  	_ = 	snop  }
0x90: {  	s2 =	sld [smem:$0x3FC9]  }
0x91: {  	s19 =	sld [smem:$0x3FC8]  }
0x92: {  	s4 =	sld [smem:$0x3FD0];
	(tm) =	ssettm $0x1  }
0x93: {  	s5 =	sld [smem:$0x3FFB];
	_ =	sdelay $0x3  }
0x94: {  	_ =	strace s5  }
0x95: {  	s5 =	sld [smem:$0x3FFC];
	_ =	sdelay $0x3  }
0x96: {  	_ =	strace s5  }
0x97: {  	s5 =	sld [smem:$0x3FFD];
	_ =	sdelay $0x3  }
0x98: {  	_ =	strace s5  }
0x99: {  	_ =	strace $0x8FFFFFFF  }
0x9a: {  	s20 =	sld [smem:$0x3FDB];
	_ =	sdelay $0x1  }
0x9b: {  	s6 =	simm.s32 $_scs_section_size  }
0x9c: {  	s7 =	simm.s32 $_size__tile_overlayer_lowered;
	s8 =	simm.s32 $_tile_overlayer_lowered  }
0x9d: {  	s23 =	simm.s32 $0x1BFF;
	s22 =	sshll.u32 s8, $0x1;
	s5 =	sadd.s32 s6, s20  }
0x9e: {  	s9 =	simm.s32 $0x0;
	s21 =	sshll.u32 s7, $0x1;
	s7 =	sadd.s32 s22, s5  }
0x9f: {  	[timem:s9], [sflag:s23] =	dma.local [hbm:s7], s21  }
0xa0: {  	_ =	swait.ge [sflag:s23], s21  }
0xa1: {  	s6 =	ssub.s32 $0x0, s21;
	[sflag:s23] =	ssyncset.done $0x0  }
0xa2: {  	[sflag:s23] =	ssyncadd.s32 s6;
	_ =	sdelay $0x1  }
0xa3: {  	s24 =	simm.s32 $0x1B8B  }
0xa4: {  	_ =	swait.ge [sflag:s24], $0x1  }
0xa5: {  	[sflag:s24] =	ssyncset.done $0x0  }
0xa6: {  	s25 =	simm.s32 $0x1B8E;
	[sflag:s24] =	ssyncadd.s32 $0xFFFFFFFF  }
0xa7: {  	s26 =	simm.s32 $execute0_lowered;
	[smem:$0x3FD2] =	sst s25  }
0xa8: {  	s6 =	sshll.u32 s26, $0x1;
	_ =	strace $0x80000046;
	[dreg:$0x1] =	wrdreg $0xFFFFFFFF  }
0xa9: {  	s28 =	simm.s32 $_size_execute0_lowered;
	s5 =	sadd.s32 s5, s6;
	[dreg:$0x0] =	wrdreg $0x0  }
0xaa: {  	s6 =	sshll.u32 s28, $0x1;
	[dreg:$0x2] =	wrdreg s5  }
0xab: {  	[dreg:$0x3] =	wrdreg s6  }
0xac: {  	[dreg:$0x4] =	wrdreg $0xC0  }
0xad: {  	_ =	task [dreg:s9], $0x5FFFF  }
0xae: {  	[dreg:$0x1] =	wrdreg $0xFFFFFFFF  }
0xaf: {  	[dreg:$0x0] =	wrdreg $0x60  }
0xb0: {  	[dreg:$0x2] =	wrdreg s2  }
0xb1: {  	[dreg:$0x3] =	wrdreg s19  }
0xb2: {  	[dreg:$0x4] =	wrdreg s4  }
0xb3: {  	[dreg:$0x5] =	wrdreg $0x9  }
0xb4: {  	_ =	task.clear_ibuf [dreg:s9], $0x6FFFF;
	_ =	strace $0x90000046  }
0xb5: {  	s29 =	simm.s32 $0x9;
	_ =	strace $0x80000048  }
0xb6: {  	_ =	swait.ge [sflag:s29], $0x1  }
0xb7: {  	[sflag:s29] =	ssyncadd.s32 $0xFFFFFFFF  }
0xb8: {  	_ =	strace $0x90000048  }
0xb9: {  	_ =	sfence  }
0xba: {  	s30 =	sld [smem:$0x0];
	_ =	sdelay $0x2  }
0xbb: {  	s31 =	sshll.u32 s1, $0xD;
	s1 =	sshrl.u32 s1, $0x2  }
0xbc: {  	s3 =	sand.u32 $0x4000, s31;
	s1 =	sadd.s32 s1, s30  }
0xbd: {  	s0 =	sor.u32 s3, s0;
	s1 =	sshll.u32 s1, $0x11  }
0xbe: {  	s0 =	sor.u32 s1, s0  }
0xbf: {  	s0 =	sadd.s32 $0x8F2B, s0  }
0xc0: {  	[sflag:s0] =	ssyncadd.remote.s32 $0x1  }
0xc1: {  	_ =	sfence.sel $0xFFFF  }
0xc2: {  	[dreg:$0x0] =	wrdreg $0xFFFFFFFF;
	(pc) =	sbr.abs _section_cstart, $3  }
0xc3: {  	[dreg:$0x1] =	wrdreg $0xFFFFFFFF  }
0xc4: {  	_ =	task.clear_ibuf [dreg:s9], $0x2FFFF;
	_ =	strace $0x9FFFFFFF  }
0xc5: {  	(tm) =	ssettm $0x7FFFFFFF  }
tec
execute0_lowered:
.L_overlay_start_1:
0x0: {  	(tag) =	ssettag $0x1  }
0x1: {  	s4 =	rddreg [dreg:$0x0]  }
0x2: {  	s1 =	rddreg [dreg:$0x1]  }
0x3: {  	s5 =	rddreg [dreg:$0x2]  }
0x4: {  	s0 =	rddreg [dreg:$0x3]  }
0x5: {  	s3 =	simm.s32 $0x0;
	s6 =	srdreg.scid;
	s2 =	stileid.u32  }
0x6: {  	s10 =	simm.s32 $0x4200;
	s11 =	simm.s32 $0x100;
	s12 =	simm.s32 $0x8200  }
0x7: {  	s13 =	simm.s32 $0x180;
	s14 =	simm.s32 $0xC200;
	s15 =	simm.s32 $0x1  }
0x8: {  	s16 =	simm.s32 $0x2;
	s17 =	simm.s32 $0x3;
	s18 =	simm.s32 $0x4  }
0x9: {  	s19 =	simm.s32 $0x10200;
	s20 =	simm.s32 $0x0;
	s6 =	sand.u32 $0x1, s6  }
0xa: {  	[smem:$0x7FF] =	sst s3;
	s7 =	sshll.u32 s2, $0x1;
	s8 =	ssub.s32 $0x2, s6  }
0xb: {  	_ =	strace $0x80000047;
	s6 =	sor.u32 s6, s7;
	s31 =	sshrl.u32 s8, $0x1  }
0xc: {  	s9 =	sshll.u32 s6, $0x6;
	s6 =	sshll.u32 s6, $0x4;
	s7 =	ssub.s32 s8, s31  }
0xd: {  	s4 =	sadd.s32 s4, s9;
	s5 =	sadd.s32 s5, s6;
	s8 =	simm.s32 $0x80  }
0xe: {  	s9 =	simm.s32 $0x200;
	s6 =	smax.u32 s7, $0x1;
	s7 =	simm.s32 $0x5  }
.LBB2_1:
0xf: {  	[tilespmem:s3], [sflag:$0x5] =	stream.linear.gather [hbm4b:s4+s3], $0x200, $0x38;
	[tilespmem:$0x10280] =	vst v63  }
0x10: {  	_ =	swait.ge [sflag:s7], $0x200  }
0x11: {  	[sflag:s7] =	ssyncset.done $0x0  }
0x12: {  	[sflag:s7] =	ssyncadd.s32 $0xFFFFFE00  }
0x13: {  	[tilespmem:s9], [sflag:$0x1] =	stream.indirect.gather [hbm4b:s1+s8], $0x80, s3, s8, $0xb8;
	[tilespmem:$0x10280] =	vst v63  }
0x14: {  	_ = 	snop  }
0x15: {  	[tilespmem:s10], [sflag:$0x2] =	stream.indirect.gather [hbm4b:s1+s8], $0x80, s8, s8, $0xb8;
	[tilespmem:$0x10280] =	vst v63  }
0x16: {  	_ = 	snop  }
0x17: {  	[tilespmem:s12], [sflag:$0x3] =	stream.indirect.gather [hbm4b:s1+s8], $0x80, s11, s8, $0xb8;
	[tilespmem:$0x10280] =	vst v63  }
0x18: {  	_ = 	snop  }
0x19: {  	[tilespmem:s14], [sflag:$0x4] =	stream.indirect.gather [hbm4b:s1+s8], $0x80, s13, s8, $0xb8;
	[tilespmem:$0x10280] =	vst v63  }
0x1a: {  	_ =	swait.ge [sflag:s15], $0x4000  }
0x1b: {  	[sflag:s15] =	ssyncset.done $0x0  }
0x1c: {  	s21 =	simm.s32 $0x0;
	[sflag:s15] =	ssyncadd.s32 $0xFFFFC000  }
0x1d: {  	v7 =	vld [tilespmem:s21+$0x380]  }
0x1e: {  	v10 =	vld [tilespmem:s21+$0x390]  }
0x1f: {  	v11 =	vld [tilespmem:s21+$0x3A0]  }
0x20: {  	v14 =	vld [tilespmem:s21+$0x3B0]  }
0x21: {  	v1 =	vld [tilespmem:s21+$0x3C0]  }
0x22: {  	v3 =	vld [tilespmem:s21+$0x3D0]  }
0x23: {  	v12 =	vld [tilespmem:s21+$0x300]  }
0x24: {  	v24 =	vld [tilespmem:s21+$0x310]  }
0x25: {  	v6 =	vld [tilespmem:s21+$0x320]  }
0x26: {  	v22 =	vld [tilespmem:s21+$0x330]  }
0x27: {  	v5 =	vld [tilespmem:s21+$0x340]  }
0x28: {  	v0 =	vld [tilespmem:s21+$0x280]  }
0x29: {  	v2 =	vld [tilespmem:s21+$0x290]  }
0x2a: {  	v4 =	vld [tilespmem:s21+$0x200]  }
0x2b: {  	v8 =	vld [tilespmem:s21+$0x210]  }
0x2c: {  	v9 =	vld [tilespmem:s21+$0x220]  }
0x2d: {  	v13 =	vld [tilespmem:s21+$0x230]  }
0x2e: {  	v17 =	vld [tilespmem:s21+$0x2A0]  }
0x2f: {  	v18 =	vld [tilespmem:s21+$0x2B0]  }
0x30: {  	v16 =	vimm.f32 $0.0e+00;
	v15 =	vld [tilespmem:s21+$0x350]  }
0x31: {  	v26 =	vld [tilespmem:s21+$0x2C0];
	v4 =	vadd.f32 v4, v16  }
0x32: {  	v27 =	vld [tilespmem:s21+$0x2D0];
	v8 =	vadd.f32 v8, v16;
	v9 =	vadd.f32 v9, v16  }
0x33: {  	v28 =	vld [tilespmem:s21+$0x240];
	v13 =	vadd.f32 v13, v16;
	v25 =	vadd.f32 v0, v4  }
0x34: {  	v20 =	vimm.f32 $0.0e+00;
	v29 =	vld [tilespmem:s21+$0x250];
	v31 =	vadd.f32 v2, v8;
	v32 =	vadd.f32 v17, v9  }
0x35: {  	s22 =	simm.s32 $0x800;
	v30 =	vld [tilespmem:s21+$0x260];
	v33 =	vadd.f32 v18, v13;
	v17 =	vimm.f32 $0.0e+00;
	v18 =	vimm.f32 $0.0e+00  }
.LBB2_2:
0x36: {  	p0 =	sne.s32 s22, $0xF800;
	v0 =	vld [tilespmem:s21+$0x270];
	v2 =	vadd.f32 v12, v25;
	v4 =	vadd.f32 v24, v31  }
0x37: {  	v8 =	vld [tilespmem:s21+$0x2E0];
	v6 =	vadd.f32 v6, v32;
	v9 =	vadd.f32 v22, v33  }
0x38: {  	v12 =	vld [tilespmem:s21+$0x2F0];
	v2 =	vadd.f32 v7, v2;
	v4 =	vadd.f32 v10, v4  }
0x39: {  	v13 =	vld [tilespmem:s21+$0x360];
	v19 =	vadd.f32 v11, v6;
	v9 =	vadd.f32 v14, v9  }
0x3a: {  	v6 =	vadd.f32 v28, v16;
	v7 =	vadd.f32 v29, v20;
	v14 =	vld [tilespmem:s21+$0x370]  }
0x3b: {  	v10 =	vadd.f32 v30, v17;
	v0 =	vadd.f32 v0, v18;
	v17 =	vld [tilespmem:s21+$0x3E0]  }
0x3c: {  	v6 =	vadd.f32 v26, v6;
	v11 =	vadd.f32 v27, v7;
	v18 =	vld [tilespmem:s21+$0x3F0];
	s21 =	sshra.s32 s22, $0x2  }
0x3d: {  	v8 =	vadd.f32 v8, v10;
	v7 =	vld [tilespmem:s21+$0x380];
	v0 =	vadd.f32 v12, v0  }
0x3e: {  	v5 =	vadd.f32 v5, v6;
	v6 =	vadd.f32 v15, v11;
	v10 =	vld [tilespmem:s21+$0x390]  }
0x3f: {  	v8 =	vadd.f32 v13, v8;
	v11 =	vld [tilespmem:s21+$0x3A0];
	v0 =	vadd.f32 v14, v0  }
0x40: {  	v16 =	vadd.f32 v1, v5;
	v20 =	vadd.f32 v3, v6;
	v14 =	vld [tilespmem:s21+$0x3B0]  }
0x41: {  	v17 =	vadd.f32 v17, v8;
	v1 =	vld [tilespmem:s21+$0x3C0];
	v18 =	vadd.f32 v18, v0  }
0x42: {  	v3 =	vld [tilespmem:s21+$0x3D0]  }
0x43: {  	v12 =	vld [tilespmem:s21+$0x300]  }
0x44: {  	v24 =	vld [tilespmem:s21+$0x310]  }
0x45: {  	v6 =	vld [tilespmem:s21+$0x320]  }
0x46: {  	v22 =	vld [tilespmem:s21+$0x330]  }
0x47: {  	v5 =	vld [tilespmem:s21+$0x340]  }
0x48: {  	v15 =	vld [tilespmem:s21+$0x350]  }
0x49: {  	v0 =	vld [tilespmem:s21+$0x280]  }
0x4a: {  	v8 =	vld [tilespmem:s21+$0x290]  }
0x4b: {  	v13 =	vld [tilespmem:s21+$0x200]  }
0x4c: {  	v21 =	vld [tilespmem:s21+$0x210]  }
0x4d: {  	v23 =	vld [tilespmem:s21+$0x220]  }
0x4e: {  	v25 =	vld [tilespmem:s21+$0x230]  }
0x4f: {  	v32 =	vld [tilespmem:s21+$0x2A0]  }
0x50: {  	v33 =	vld [tilespmem:s21+$0x2B0]  }
.Ltmp0:
0x51: {  	v26 =	vld [tilespmem:s21+$0x2C0];
	(pc) =	sbr.rel @p0 .LBB2_2-.Ltmp0, $4  }
0x52: {  	v2 =	vadd.f32 v13, v2;
	v4 =	vadd.f32 v21, v4;
	v27 =	vld [tilespmem:s21+$0x2D0]  }
0x53: {  	v13 =	vadd.f32 v23, v19;
	v9 =	vadd.f32 v25, v9;
	v28 =	vld [tilespmem:s21+$0x240]  }
0x54: {  	v25 =	vadd.f32 v0, v2;
	v31 =	vadd.f32 v8, v4;
	v29 =	vld [tilespmem:s21+$0x250]  }
0x55: {  	s22 =	sadd.s32 $0x800, s22;
	v32 =	vadd.f32 v32, v13;
	v30 =	vld [tilespmem:s21+$0x260];
	v33 =	vadd.f32 v33, v9  }
0x56: {  	v34 =	vld [tilespmem:s21+$0x270]  }
0x57: {  	v35 =	vld [tilespmem:s21+$0x2E0]  }
0x58: {  	v36 =	vld [tilespmem:s21+$0x2F0]  }
0x59: {  	v37 =	vld [tilespmem:s21+$0x360]  }
0x5a: {  	v38 =	vld [tilespmem:s21+$0x370]  }
0x5b: {  	v39 =	vld [tilespmem:s21+$0x3E0]  }
0x5c: {  	v40 =	vld [tilespmem:s21+$0x3F0];
	_ =	swait.ge [sflag:s16], $0x4000  }
0x5d: {  	[sflag:s16] =	ssyncset.done $0x0  }
0x5e: {  	s21 =	simm.s32 $0x0;
	[sflag:s16] =	ssyncadd.s32 $0xFFFFC000  }
0x5f: {  	v4 =	vld [tilespmem:s21+$0x4380]  }
0x60: {  	v8 =	vld [tilespmem:s21+$0x4390]  }
0x61: {  	v9 =	vld [tilespmem:s21+$0x43A0]  }
0x62: {  	v13 =	vld [tilespmem:s21+$0x43B0]  }
0x63: {  	v0 =	vld [tilespmem:s21+$0x43C0]  }
0x64: {  	v2 =	vld [tilespmem:s21+$0x43D0]  }
0x65: {  	v21 =	vld [tilespmem:s21+$0x4300]  }
0x66: {  	v23 =	vld [tilespmem:s21+$0x4310]  }
0x67: {  	v19 =	vld [tilespmem:s21+$0x4320]  }
0x68: {  	v12 =	vadd.f32 v12, v25;
	v24 =	vadd.f32 v24, v31;
	v25 =	vld [tilespmem:s21+$0x4330]  }
0x69: {  	v31 =	vadd.f32 v6, v32;
	v22 =	vadd.f32 v22, v33;
	v6 =	vld [tilespmem:s21+$0x4340]  }
0x6a: {  	v7 =	vadd.f32 v7, v12;
	v10 =	vadd.f32 v10, v24;
	v12 =	vld [tilespmem:s21+$0x4350]  }
0x6b: {  	v16 =	vadd.f32 v28, v16;
	v14 =	vadd.f32 v14, v22;
	v22 =	vld [tilespmem:s21+$0x4280]  }
0x6c: {  	v11 =	vadd.f32 v11, v31;
	v20 =	vadd.f32 v29, v20;
	v24 =	vld [tilespmem:s21+$0x4290]  }
0x6d: {  	v28 =	vld [tilespmem:s21+$0x4200];
	v17 =	vadd.f32 v30, v17;
	v16 =	vadd.f32 v26, v16  }
0x6e: {  	v29 =	vld [tilespmem:s21+$0x4220];
	v18 =	vadd.f32 v34, v18;
	v20 =	vadd.f32 v27, v20  }
0x6f: {  	v27 =	vld [tilespmem:s21+$0x4210];
	v17 =	vadd.f32 v35, v17;
	v5 =	vadd.f32 v5, v16  }
0x70: {  	v18 =	vadd.f32 v36, v18;
	v16 =	vadd.f32 v15, v20;
	v20 =	vld [tilespmem:s21+$0x4230]  }
0x71: {  	v63 =	vld [tilespmem:s21+$0x42A0];
	v17 =	vadd.f32 v37, v17;
	v15 =	vadd.f32 v1, v5  }
0x72: {  	v1 =	vld [tilespmem:s21+$0x42B0];
	v18 =	vadd.f32 v38, v18;
	v16 =	vadd.f32 v3, v16  }
0x73: {  	v26 =	vld [tilespmem:s21+$0x42C0];
	v3 =	vadd.f32 v28, v7;
	v17 =	vadd.f32 v39, v17  }
0x74: {  	v30 =	vld [tilespmem:s21+$0x4260];
	v5 =	vadd.f32 v27, v10;
	v10 =	vadd.f32 v29, v11  }
0x75: {  	v28 =	vld [tilespmem:s21+$0x4240];
	v18 =	vadd.f32 v40, v18;
	v11 =	vadd.f32 v20, v14  }
0x76: {  	v27 =	vld [tilespmem:s21+$0x42D0];
	v7 =	vadd.f32 v22, v3;
	v31 =	vadd.f32 v24, v5  }
0x77: {  	s22 =	simm.s32 $0x800;
	v29 =	vld [tilespmem:s21+$0x4250];
	v32 =	vadd.f32 v63, v10;
	v33 =	vadd.f32 v1, v11  }
.LBB2_4:
0x78: {  	p0 =	sne.s32 s22, $0xF800;
	v1 =	vld [tilespmem:s21+$0x4270];
	v3 =	vadd.f32 v21, v7;
	v5 =	vadd.f32 v23, v31  }
0x79: {  	v7 =	vld [tilespmem:s21+$0x42E0];
	v10 =	vadd.f32 v19, v32;
	v11 =	vadd.f32 v25, v33  }
0x7a: {  	v14 =	vld [tilespmem:s21+$0x42F0];
	v3 =	vadd.f32 v4, v3;
	v5 =	vadd.f32 v8, v5  }
0x7b: {  	v19 =	vld [tilespmem:s21+$0x4360];
	v10 =	vadd.f32 v9, v10;
	v11 =	vadd.f32 v13, v11  }
0x7c: {  	v4 =	vadd.f32 v28, v15;
	v8 =	vadd.f32 v29, v16;
	v13 =	vld [tilespmem:s21+$0x4370]  }
0x7d: {  	v9 =	vadd.f32 v30, v17;
	v1 =	vadd.f32 v1, v18;
	v17 =	vld [tilespmem:s21+$0x43E0]  }
0x7e: {  	v15 =	vadd.f32 v26, v4;
	v16 =	vadd.f32 v27, v8;
	v18 =	vld [tilespmem:s21+$0x43F0];
	s21 =	sshra.s32 s22, $0x2  }
0x7f: {  	v7 =	vadd.f32 v7, v9;
	v4 =	vld [tilespmem:s21+$0x4380];
	v1 =	vadd.f32 v14, v1  }
0x80: {  	v6 =	vadd.f32 v6, v15;
	v12 =	vadd.f32 v12, v16;
	v8 =	vld [tilespmem:s21+$0x4390]  }
0x81: {  	v7 =	vadd.f32 v19, v7;
	v9 =	vld [tilespmem:s21+$0x43A0];
	v1 =	vadd.f32 v13, v1  }
0x82: {  	v15 =	vadd.f32 v0, v6;
	v16 =	vadd.f32 v2, v12;
	v13 =	vld [tilespmem:s21+$0x43B0]  }
0x83: {  	v17 =	vadd.f32 v17, v7;
	v0 =	vld [tilespmem:s21+$0x43C0];
	v18 =	vadd.f32 v18, v1  }
0x84: {  	v2 =	vld [tilespmem:s21+$0x43D0]  }
0x85: {  	v21 =	vld [tilespmem:s21+$0x4300]  }
0x86: {  	v23 =	vld [tilespmem:s21+$0x4310]  }
0x87: {  	v19 =	vld [tilespmem:s21+$0x4320]  }
0x88: {  	v25 =	vld [tilespmem:s21+$0x4330]  }
0x89: {  	v6 =	vld [tilespmem:s21+$0x4340]  }
0x8a: {  	v12 =	vld [tilespmem:s21+$0x4350]  }
0x8b: {  	v1 =	vld [tilespmem:s21+$0x4280]  }
0x8c: {  	v14 =	vld [tilespmem:s21+$0x4290]  }
0x8d: {  	v7 =	vld [tilespmem:s21+$0x4200]  }
0x8e: {  	v20 =	vld [tilespmem:s21+$0x4210]  }
0x8f: {  	v22 =	vld [tilespmem:s21+$0x4220]  }
0x90: {  	v24 =	vld [tilespmem:s21+$0x4230]  }
0x91: {  	v32 =	vld [tilespmem:s21+$0x42A0]  }
0x92: {  	v33 =	vld [tilespmem:s21+$0x42B0]  }
.Ltmp1:
0x93: {  	v26 =	vld [tilespmem:s21+$0x42C0];
	(pc) =	sbr.rel @p0 .LBB2_4-.Ltmp1, $4  }
0x94: {  	v3 =	vadd.f32 v7, v3;
	v5 =	vadd.f32 v20, v5;
	v27 =	vld [tilespmem:s21+$0x42D0]  }
0x95: {  	v10 =	vadd.f32 v22, v10;
	v11 =	vadd.f32 v24, v11;
	v28 =	vld [tilespmem:s21+$0x4240]  }
0x96: {  	v7 =	vadd.f32 v1, v3;
	v31 =	vadd.f32 v14, v5;
	v29 =	vld [tilespmem:s21+$0x4250]  }
0x97: {  	s22 =	sadd.s32 $0x800, s22;
	v32 =	vadd.f32 v32, v10;
	v30 =	vld [tilespmem:s21+$0x4260];
	v33 =	vadd.f32 v33, v11  }
0x98: {  	v34 =	vld [tilespmem:s21+$0x4270]  }
0x99: {  	v35 =	vld [tilespmem:s21+$0x42E0]  }
0x9a: {  	v36 =	vld [tilespmem:s21+$0x42F0]  }
0x9b: {  	v37 =	vld [tilespmem:s21+$0x4360]  }
0x9c: {  	v38 =	vld [tilespmem:s21+$0x4370]  }
0x9d: {  	v39 =	vld [tilespmem:s21+$0x43E0]  }
0x9e: {  	v40 =	vld [tilespmem:s21+$0x43F0];
	_ =	swait.ge [sflag:s17], $0x4000  }
0x9f: {  	[sflag:s17] =	ssyncset.done $0x0  }
0xa0: {  	s21 =	simm.s32 $0x0;
	[sflag:s17] =	ssyncadd.s32 $0xFFFFC000  }
0xa1: {  	v5 =	vld [tilespmem:s21+$0x8380]  }
0xa2: {  	v10 =	vld [tilespmem:s21+$0x8390]  }
0xa3: {  	v11 =	vld [tilespmem:s21+$0x83A0]  }
0xa4: {  	v14 =	vld [tilespmem:s21+$0x83B0]  }
0xa5: {  	v1 =	vld [tilespmem:s21+$0x83C0]  }
0xa6: {  	v3 =	vld [tilespmem:s21+$0x83D0]  }
0xa7: {  	v22 =	vld [tilespmem:s21+$0x8300]  }
0xa8: {  	v24 =	vld [tilespmem:s21+$0x8310]  }
0xa9: {  	v20 =	vld [tilespmem:s21+$0x8320]  }
0xaa: {  	v41 =	vadd.f32 v21, v7;
	v23 =	vadd.f32 v23, v31;
	v21 =	vld [tilespmem:s21+$0x8330]  }
0xab: {  	v19 =	vadd.f32 v19, v32;
	v25 =	vadd.f32 v25, v33;
	v7 =	vld [tilespmem:s21+$0x8340]  }
0xac: {  	v31 =	vadd.f32 v4, v41;
	v8 =	vadd.f32 v8, v23;
	v4 =	vld [tilespmem:s21+$0x8350]  }
0xad: {  	v15 =	vadd.f32 v28, v15;
	v9 =	vadd.f32 v9, v19;
	v19 =	vld [tilespmem:s21+$0x8280]  }
0xae: {  	v13 =	vadd.f32 v13, v25;
	v16 =	vadd.f32 v29, v16;
	v23 =	vld [tilespmem:s21+$0x8290]  }
0xaf: {  	v25 =	vld [tilespmem:s21+$0x8200];
	v17 =	vadd.f32 v30, v17;
	v15 =	vadd.f32 v26, v15  }
0xb0: {  	v28 =	vld [tilespmem:s21+$0x8220];
	v18 =	vadd.f32 v34, v18;
	v16 =	vadd.f32 v27, v16  }
0xb1: {  	v27 =	vld [tilespmem:s21+$0x8210];
	v17 =	vadd.f32 v35, v17;
	v6 =	vadd.f32 v6, v15  }
0xb2: {  	v29 =	vld [tilespmem:s21+$0x8230];
	v18 =	vadd.f32 v36, v18;
	v12 =	vadd.f32 v12, v16  }
0xb3: {  	v63 =	vld [tilespmem:s21+$0x82A0];
	v17 =	vadd.f32 v37, v17;
	v15 =	vadd.f32 v0, v6  }
0xb4: {  	v0 =	vld [tilespmem:s21+$0x82B0];
	v18 =	vadd.f32 v38, v18;
	v16 =	vadd.f32 v2, v12  }
0xb5: {  	v26 =	vld [tilespmem:s21+$0x82C0];
	v2 =	vadd.f32 v25, v31;
	v17 =	vadd.f32 v39, v17  }
0xb6: {  	v30 =	vld [tilespmem:s21+$0x8260];
	v6 =	vadd.f32 v27, v8;
	v8 =	vadd.f32 v28, v9  }
0xb7: {  	v27 =	vld [tilespmem:s21+$0x82D0];
	v9 =	vadd.f32 v29, v13;
	v18 =	vadd.f32 v40, v18  }
0xb8: {  	v28 =	vld [tilespmem:s21+$0x8240];
	v12 =	vadd.f32 v19, v2;
	v31 =	vadd.f32 v23, v6  }
0xb9: {  	s22 =	simm.s32 $0x800;
	v29 =	vld [tilespmem:s21+$0x8250];
	v32 =	vadd.f32 v63, v8;
	v33 =	vadd.f32 v0, v9  }
.LBB2_6:
0xba: {  	p0 =	sne.s32 s22, $0xF800;
	v0 =	vld [tilespmem:s21+$0x8270];
	v2 =	vadd.f32 v22, v12;
	v6 =	vadd.f32 v24, v31  }
0xbb: {  	v8 =	vld [tilespmem:s21+$0x82E0];
	v9 =	vadd.f32 v20, v32;
	v12 =	vadd.f32 v21, v33  }
0xbc: {  	v13 =	vld [tilespmem:s21+$0x82F0];
	v2 =	vadd.f32 v5, v2;
	v6 =	vadd.f32 v10, v6  }
0xbd: {  	v19 =	vld [tilespmem:s21+$0x8360];
	v9 =	vadd.f32 v11, v9;
	v12 =	vadd.f32 v14, v12  }
0xbe: {  	v5 =	vadd.f32 v28, v15;
	v10 =	vadd.f32 v29, v16;
	v14 =	vld [tilespmem:s21+$0x8370]  }
0xbf: {  	v11 =	vadd.f32 v30, v17;
	v0 =	vadd.f32 v0, v18;
	v17 =	vld [tilespmem:s21+$0x83E0]  }
0xc0: {  	v15 =	vadd.f32 v26, v5;
	v16 =	vadd.f32 v27, v10;
	v18 =	vld [tilespmem:s21+$0x83F0];
	s21 =	sshra.s32 s22, $0x2  }
0xc1: {  	v8 =	vadd.f32 v8, v11;
	v5 =	vld [tilespmem:s21+$0x8380];
	v0 =	vadd.f32 v13, v0  }
0xc2: {  	v7 =	vadd.f32 v7, v15;
	v4 =	vadd.f32 v4, v16;
	v10 =	vld [tilespmem:s21+$0x8390]  }
0xc3: {  	v8 =	vadd.f32 v19, v8;
	v11 =	vld [tilespmem:s21+$0x83A0];
	v0 =	vadd.f32 v14, v0  }
0xc4: {  	v15 =	vadd.f32 v1, v7;
	v16 =	vadd.f32 v3, v4;
	v14 =	vld [tilespmem:s21+$0x83B0]  }
0xc5: {  	v17 =	vadd.f32 v17, v8;
	v1 =	vld [tilespmem:s21+$0x83C0];
	v18 =	vadd.f32 v18, v0  }
0xc6: {  	v3 =	vld [tilespmem:s21+$0x83D0]  }
0xc7: {  	v22 =	vld [tilespmem:s21+$0x8300]  }
0xc8: {  	v24 =	vld [tilespmem:s21+$0x8310]  }
0xc9: {  	v20 =	vld [tilespmem:s21+$0x8320]  }
0xca: {  	v21 =	vld [tilespmem:s21+$0x8330]  }
0xcb: {  	v7 =	vld [tilespmem:s21+$0x8340]  }
0xcc: {  	v4 =	vld [tilespmem:s21+$0x8350]  }
0xcd: {  	v0 =	vld [tilespmem:s21+$0x8280]  }
0xce: {  	v8 =	vld [tilespmem:s21+$0x8290]  }
0xcf: {  	v13 =	vld [tilespmem:s21+$0x8200]  }
0xd0: {  	v19 =	vld [tilespmem:s21+$0x8210]  }
0xd1: {  	v23 =	vld [tilespmem:s21+$0x8220]  }
0xd2: {  	v25 =	vld [tilespmem:s21+$0x8230]  }
0xd3: {  	v32 =	vld [tilespmem:s21+$0x82A0]  }
0xd4: {  	v33 =	vld [tilespmem:s21+$0x82B0]  }
.Ltmp2:
0xd5: {  	v26 =	vld [tilespmem:s21+$0x82C0];
	(pc) =	sbr.rel @p0 .LBB2_6-.Ltmp2, $4  }
0xd6: {  	v2 =	vadd.f32 v13, v2;
	v6 =	vadd.f32 v19, v6;
	v27 =	vld [tilespmem:s21+$0x82D0]  }
0xd7: {  	v9 =	vadd.f32 v23, v9;
	v13 =	vadd.f32 v25, v12;
	v28 =	vld [tilespmem:s21+$0x8240]  }
0xd8: {  	v12 =	vadd.f32 v0, v2;
	v31 =	vadd.f32 v8, v6;
	v29 =	vld [tilespmem:s21+$0x8250]  }
0xd9: {  	s22 =	sadd.s32 $0x800, s22;
	v32 =	vadd.f32 v32, v9;
	v30 =	vld [tilespmem:s21+$0x8260];
	v33 =	vadd.f32 v33, v13  }
0xda: {  	v34 =	vld [tilespmem:s21+$0x8270]  }
0xdb: {  	v35 =	vld [tilespmem:s21+$0x82E0]  }
0xdc: {  	v36 =	vld [tilespmem:s21+$0x82F0]  }
0xdd: {  	v37 =	vld [tilespmem:s21+$0x8360]  }
0xde: {  	v38 =	vld [tilespmem:s21+$0x8370]  }
0xdf: {  	v39 =	vld [tilespmem:s21+$0x83E0]  }
0xe0: {  	v40 =	vld [tilespmem:s21+$0x83F0];
	_ =	swait.ge [sflag:s18], $0x4000  }
0xe1: {  	[sflag:s18] =	ssyncset.done $0x0  }
0xe2: {  	s21 =	simm.s32 $0x0;
	[sflag:s18] =	ssyncadd.s32 $0xFFFFC000  }
0xe3: {  	v6 =	vld [tilespmem:s21+$0xC380]  }
0xe4: {  	v8 =	vld [tilespmem:s21+$0xC390]  }
0xe5: {  	v9 =	vld [tilespmem:s21+$0xC3A0]  }
0xe6: {  	v13 =	vld [tilespmem:s21+$0xC3B0]  }
0xe7: {  	v0 =	vld [tilespmem:s21+$0xC3C0]  }
0xe8: {  	v2 =	vld [tilespmem:s21+$0xC3D0]  }
0xe9: {  	v23 =	vld [tilespmem:s21+$0xC300]  }
0xea: {  	v25 =	vld [tilespmem:s21+$0xC310]  }
0xeb: {  	v19 =	vld [tilespmem:s21+$0xC320]  }
0xec: {  	v41 =	vadd.f32 v22, v12;
	v24 =	vadd.f32 v24, v31;
	v22 =	vld [tilespmem:s21+$0xC330]  }
0xed: {  	v20 =	vadd.f32 v20, v32;
	v21 =	vadd.f32 v21, v33;
	v12 =	vld [tilespmem:s21+$0xC340]  }
0xee: {  	v60 =	vadd.f32 v5, v41;
	v24 =	vadd.f32 v10, v24;
	v5 =	vld [tilespmem:s21+$0xC350]  }
0xef: {  	v10 =	vadd.f32 v28, v15;
	v14 =	vadd.f32 v14, v21;
	v21 =	vld [tilespmem:s21+$0xC280]  }
0xf0: {  	v20 =	vadd.f32 v11, v20;
	v11 =	vadd.f32 v29, v16;
	v16 =	vld [tilespmem:s21+$0xC290]  }
0xf1: {  	v15 =	vadd.f32 v30, v17;
	v10 =	vadd.f32 v26, v10;
	v26 =	vld [tilespmem:s21+$0xC210]  }
0xf2: {  	v17 =	vadd.f32 v34, v18;
	v18 =	vld [tilespmem:s21+$0xC200];
	v11 =	vadd.f32 v27, v11  }
0xf3: {  	v27 =	vld [tilespmem:s21+$0xC220];
	v15 =	vadd.f32 v35, v15;
	v7 =	vadd.f32 v7, v10  }
0xf4: {  	v61 =	vld [tilespmem:s21+$0xC230];
	v17 =	vadd.f32 v36, v17;
	v4 =	vadd.f32 v4, v11  }
0xf5: {  	v62 =	vld [tilespmem:s21+$0xC2A0];
	v10 =	vadd.f32 v37, v15;
	v7 =	vadd.f32 v1, v7  }
0xf6: {  	v63 =	vld [tilespmem:s21+$0xC2B0];
	v11 =	vadd.f32 v38, v17;
	v3 =	vadd.f32 v3, v4  }
0xf7: {  	v15 =	vld [tilespmem:s21+$0xC250];
	v4 =	vadd.f32 v39, v10;
	v17 =	vadd.f32 v18, v60  }
0xf8: {  	v10 =	vld [tilespmem:s21+$0xC2C0];
	v18 =	vadd.f32 v26, v24;
	v20 =	vadd.f32 v27, v20  }
0xf9: {  	v24 =	vadd.f32 v61, v14;
	v14 =	vld [tilespmem:s21+$0xC240];
	v1 =	vadd.f32 v40, v11  }
0xfa: {  	v11 =	vld [tilespmem:s21+$0xC2D0];
	v17 =	vadd.f32 v21, v17;
	v18 =	vadd.f32 v16, v18  }
0xfb: {  	s22 =	simm.s32 $0x800;
	v16 =	vld [tilespmem:s21+$0xC260];
	v20 =	vadd.f32 v62, v20;
	v21 =	vadd.f32 v63, v24  }
.LBB2_8:
0xfc: {  	p0 =	sne.s32 s22, $0xF800;
	v24 =	vld [tilespmem:s21+$0xC270];
	v17 =	vadd.f32 v23, v17;
	v18 =	vadd.f32 v25, v18  }
0xfd: {  	v23 =	vld [tilespmem:s21+$0xC2E0];
	v19 =	vadd.f32 v19, v20;
	v20 =	vadd.f32 v22, v21  }
0xfe: {  	v21 =	vld [tilespmem:s21+$0xC2F0];
	v17 =	vadd.f32 v6, v17;
	v18 =	vadd.f32 v8, v18  }
0xff: {  	v22 =	vld [tilespmem:s21+$0xC360];
	v26 =	vadd.f32 v9, v19;
	v20 =	vadd.f32 v13, v20  }
0x100: {  	v6 =	vadd.f32 v14, v7;
	v3 =	vadd.f32 v15, v3;
	v7 =	vld [tilespmem:s21+$0xC370]  }
0x101: {  	v4 =	vadd.f32 v16, v4;
	v1 =	vadd.f32 v24, v1;
	v14 =	vld [tilespmem:s21+$0xC3E0]  }
0x102: {  	v9 =	vadd.f32 v10, v6;
	v3 =	vadd.f32 v11, v3;
	v10 =	vld [tilespmem:s21+$0xC3F0];
	s21 =	sshra.s32 s22, $0x2  }
0x103: {  	v4 =	vadd.f32 v23, v4;
	v6 =	vld [tilespmem:s21+$0xC380];
	v1 =	vadd.f32 v21, v1  }
0x104: {  	v11 =	vadd.f32 v12, v9;
	v3 =	vadd.f32 v5, v3;
	v8 =	vld [tilespmem:s21+$0xC390]  }
0x105: {  	v4 =	vadd.f32 v22, v4;
	v9 =	vld [tilespmem:s21+$0xC3A0];
	v1 =	vadd.f32 v7, v1  }
0x106: {  	v7 =	vadd.f32 v0, v11;
	v3 =	vadd.f32 v2, v3;
	v13 =	vld [tilespmem:s21+$0xC3B0]  }
0x107: {  	v4 =	vadd.f32 v14, v4;
	v0 =	vld [tilespmem:s21+$0xC3C0];
	v1 =	vadd.f32 v10, v1  }
0x108: {  	v2 =	vld [tilespmem:s21+$0xC3D0]  }
0x109: {  	v23 =	vld [tilespmem:s21+$0xC300]  }
0x10a: {  	v25 =	vld [tilespmem:s21+$0xC310]  }
0x10b: {  	v19 =	vld [tilespmem:s21+$0xC320]  }
0x10c: {  	v22 =	vld [tilespmem:s21+$0xC330]  }
0x10d: {  	v12 =	vld [tilespmem:s21+$0xC340]  }
0x10e: {  	v5 =	vld [tilespmem:s21+$0xC350]  }
0x10f: {  	v16 =	vld [tilespmem:s21+$0xC280]  }
0x110: {  	v21 =	vld [tilespmem:s21+$0xC290]  }
0x111: {  	v11 =	vld [tilespmem:s21+$0xC200]  }
0x112: {  	v14 =	vld [tilespmem:s21+$0xC210]  }
0x113: {  	v15 =	vld [tilespmem:s21+$0xC220]  }
0x114: {  	v24 =	vld [tilespmem:s21+$0xC230]  }
0x115: {  	v27 =	vld [tilespmem:s21+$0xC2A0]  }
0x116: {  	v28 =	vld [tilespmem:s21+$0xC2B0]  }
.Ltmp3:
0x117: {  	v10 =	vld [tilespmem:s21+$0xC2C0];
	(pc) =	sbr.rel @p0 .LBB2_8-.Ltmp3, $4  }
0x118: {  	v17 =	vadd.f32 v11, v17;
	v18 =	vadd.f32 v14, v18;
	v11 =	vld [tilespmem:s21+$0xC2D0]  }
0x119: {  	v26 =	vadd.f32 v15, v26;
	v24 =	vadd.f32 v24, v20;
	v14 =	vld [tilespmem:s21+$0xC240]  }
0x11a: {  	v17 =	vadd.f32 v16, v17;
	v18 =	vadd.f32 v21, v18;
	v15 =	vld [tilespmem:s21+$0xC250]  }
0x11b: {  	s22 =	sadd.s32 $0x800, s22;
	v20 =	vadd.f32 v27, v26;
	v16 =	vld [tilespmem:s21+$0xC260];
	v21 =	vadd.f32 v28, v24  }
0x11c: {  	v17 =	vadd.f32 v23, v17;
	v18 =	vadd.f32 v25, v18  }
0x11d: {  	v24 =	vld [tilespmem:s21+$0xC270];
	v19 =	vadd.f32 v19, v20;
	v56 =	vadd.f32 v22, v21  }
0x11e: {  	v55 =	vld [tilespmem:s21+$0xC2E0];
	v6 =	vadd.f32 v6, v17;
	v8 =	vadd.f32 v8, v18  }
0x11f: {  	v57 =	vld [tilespmem:s21+$0xC2F0];
	v7 =	vadd.f32 v14, v7;
	v9 =	vadd.f32 v9, v19  }
0x120: {  	v58 =	vld [tilespmem:s21+$0xC360];
	v13 =	vadd.f32 v13, v56;
	v3 =	vadd.f32 v15, v3  }
0x121: {  	v59 =	vld [tilespmem:s21+$0xC370];
	v4 =	vadd.f32 v16, v4;
	v7 =	vadd.f32 v10, v7  }
0x122: {  	v60 =	vld [tilespmem:s21+$0xC3E0];
	v1 =	vadd.f32 v24, v1;
	v3 =	vadd.f32 v11, v3  }
0x123: {  	v61 =	vld [tilespmem:s21+$0xC3F0];
	[tilespmem:$0x10200] =	vst v6;
	v4 =	vadd.f32 v55, v4;
	v7 =	vadd.f32 v12, v7  }
0x124: {  	[tilespmem:$0x10210] =	vst v8;
	v1 =	vadd.f32 v57, v1;
	v3 =	vadd.f32 v5, v3  }
0x125: {  	[tilespmem:$0x10220] =	vst v9;
	v4 =	vadd.f32 v58, v4;
	v0 =	vadd.f32 v0, v7  }
0x126: {  	[tilespmem:$0x10230] =	vst v13;
	v1 =	vadd.f32 v59, v1;
	v2 =	vadd.f32 v2, v3  }
0x127: {  	v62 =	vadd.f32 v60, v4;
	[tilespmem:$0x10240] =	vst v0  }
0x128: {  	s20 =	sadd.s32 $0x1, s20;
	v63 =	vadd.f32 v61, v1;
	[tilespmem:$0x10250] =	vst v2  }
0x129: {  	p0 =	sne.s32 s20, s6;
	[tilespmem:$0x10260] =	vst v62  }
.Ltmp4:
0x12a: {  	[tilespmem:$0x10270] =	vst v63;
	(pc) =	sbr.rel @p0 .LBB2_1-.Ltmp4, $4  }
0x12b: {  	[hbm4b:s5+s3] =	stream.linear.scatter [tilespmem:s19], [sflag:$0x5], $0x80, $0x38;
	[tilespmem:$0x10280] =	vst v63  }
0x12c: {  	_ =	swait.ge [sflag:s7], $0x80  }
0x12d: {  	[sflag:s7] =	ssyncset.done $0x0  }
0x12e: {  	[sflag:s7] =	ssyncadd.s32 $0xFFFFFF80  }
0x12f: {  	_ =	sfence.sel $0x180000  }
0x130: {  	[bflag:$0x0] =	sbarrier.arrive $0xFFFF  }
0x131: {  	p0 =	sne.s32 s2, $0x0;
	_ =	strace $0x90000047  }
0x132: {  	s0 =	sadd.s32 @!p0 $0x100000, s0;
	[bflag:$0x2] =	sbarrier.arrive $0xFFFF  }
0x133: {  	[sflag:s0] =	ssyncadd.tile.s32 @!p0 $0x1;
	_ =	shalt  }
.Lfunc_end2:
_tile_overlayer_lowered:
.L_overlay_start_2:
0x134: {  	(tag) =	ssettag $0x2  }
0x135: {  	s0 =	rddreg [dreg:$0x0];
	s2 =	stileid.u32  }
0x136: {  	s1 =	rddreg [dreg:$0x1];
	p0 =	sne.s32 s2, $0x0  }
0x137: {  	s3 =	rddreg [dreg:$0x2];
	[bflag:$0x3] =	sbarrier.arrive $0xFFFF;
	s2 =	simm.s32 @!p0 $0x1C05  }
0x138: {  	[timem:s3], [sflag:s2] =	dma.local @!p0 [hbm:s0], s1  }
0x139: {  	s0 =	simm.s32 @!p0 $0x5  }
0x13a: {  	_ =	swait.ge @!p0 [sflag:s0], s1  }
0x13b: {  	s1 =	ssub.s32 @!p0 $0x0, s1;
	[sflag:s0] =	ssyncset.done @!p0 $0x0  }
0x13c: {  	[sflag:s0] =	ssyncadd.s32 @!p0 s1  }
0x13d: {  	[bflag:$0x3] =	sbarrier.arrive $0xFFFF  }
0x13e: {  	_ =	shalt  }

</sc_bundles>
